<compile_context>
chip_gen: v7x
topology: tpu7x:2x2x1
jax: 0.10.2.dev20260603
libtpu: 0.0.44.dev20260713+nightly
codegen_flags: <defaults>
</compile_context>

<pallas_src>
import dataclasses
import functools

import jax
import jax.numpy as jnp
from jax import lax
from jax.experimental import pallas as pl
from jax.experimental.pallas import tpu as pltpu
from jax.experimental.pallas import tpu_sc as plsc

K = 16
B = 1024
D_IN = 512
D_REP = 128
N = 100000
BN = 2048
N_PAD = 102400
NBLK = N_PAD // BN
C16 = N_PAD // 16
C256 = N_PAD // 256
NW = 32
RPW = B // NW
PAD_VAL = 1e4
INF = float(3e38)


def _tc_body(x_ref, w_ref, reps_ref, d2_ref, cm16_ref, cm256_ref, rt_ref):
    nb = pl.program_id(0)

    @pl.when(nb == 0)
    def _():
        rt_ref[...] = lax.dot_general(
            w_ref[...], x_ref[...],
            dimension_numbers=(((0,), (1,)), ((), ())),
            preferred_element_type=jnp.float32)

    rt = rt_ref[...]
    q2 = jnp.sum(rt * rt, axis=0, keepdims=True)
    reps = reps_ref[...]
    r2 = jnp.sum(reps * reps, axis=1, keepdims=True)
    cross = lax.dot_general(
        reps, rt, dimension_numbers=(((1,), (0,)), ((), ())),
        preferred_element_type=jnp.float32)
    d2 = r2 + q2 - 2.0 * cross
    d2_ref[...] = d2
    m16 = jnp.min(d2.reshape(BN // 16, 16, B), axis=1)
    cm16_ref[...] = m16
    cm256_ref[...] = jnp.min(m16.reshape(BN // 256, 16, B), axis=1)


_tc_call = pl.pallas_call(
    _tc_body,
    grid=(NBLK,),
    in_specs=[
        pl.BlockSpec((B, D_IN), lambda i: (0, 0)),
        pl.BlockSpec((D_IN, D_REP), lambda i: (0, 0)),
        pl.BlockSpec((BN, D_REP), lambda i: (i, 0)),
    ],
    out_specs=[
        pl.BlockSpec((BN, B), lambda i: (i, 0)),
        pl.BlockSpec((BN // 16, B), lambda i: (i, 0)),
        pl.BlockSpec((BN // 256, B), lambda i: (i, 0)),
    ],
    out_shape=[
        jax.ShapeDtypeStruct((N_PAD, B), jnp.float32),
        jax.ShapeDtypeStruct((C16, B), jnp.float32),
        jax.ShapeDtypeStruct((C256, B), jnp.float32),
    ],
    scratch_shapes=[pltpu.VMEM((D_REP, B), jnp.float32)],
)


def _full16(v):
    return jnp.full((16,), v, jnp.int32)


def _merge16(bv, bi, nv, ni):
    sv, si = plsc.sort_key_val(nv, ni)
    rv = lax.rev(sv, (0,))
    ri = lax.rev(si, (0,))
    take = bv <= rv
    lov = jnp.where(take, bv, rv)
    loi = jnp.where(take, bi, ri)
    return plsc.sort_key_val(lov, loi)


def _scan_topk(nvec, load_fn):
    def body(i, carry):
        bv, bi, thr = carry
        nv, ni = load_fn(i)
        vmin = jnp.min(nv)

        def do(_):
            mv, mi = _merge16(bv, bi, nv, ni)
            return mv, mi, jnp.max(mv)

        def skip(_):
            return bv, bi, thr

        return lax.cond(vmin < thr, do, skip, None)

    bv0 = jnp.full((16,), INF, jnp.float32)
    bi0 = jnp.zeros((16,), jnp.int32)
    bv, bi, _ = lax.fori_loop(0, nvec, body, (bv0, bi0, jnp.float32(INF)))
    return bv, bi


def _rsqrt_newton(x):
    i = plsc.bitcast(x, jnp.int32)
    i = jnp.int32(0x5F3759DF) - lax.shift_right_arithmetic(i, jnp.int32(1))
    y = plsc.bitcast(i, jnp.float32)
    for _ in range(3):
        y = y * (1.5 - 0.5 * x * y * y)
    return y


def _sc_body(cm256_hbm, cm16_hbm, d2_hbm, act_hbm, out_hbm,
             slab, cidb, fidb, nidb, gidx, cand1, cand2, wbuf, outb,
             sem):
    cid = lax.axis_index("core")
    sid = lax.axis_index("subcore")
    wid = cid * 16 + sid
    base = wid * RPW
    iota = lax.iota(jnp.int32, 16)

    col0 = pl.multiple_of((wid // 4) * 128, 128)
    pltpu.sync_copy(cm256_hbm.at[:, pl.ds(col0, 128)], slab)
    lcol = (wid % 4) * RPW

    @pl.loop(0, RPW)
    def _(r):
        q = base + r

        def load_coarse(i):
            rows = i * 16 + iota
            v = plsc.load_gather(slab, [rows, _full16(lcol + r)])
            return v, rows

        _, ci = _scan_topk(C256 // 16, load_coarse)
        plsc.store_scatter(cidb, [_full16(r), iota], ci)

        @pl.loop(0, K)
        def _(j):
            cj = plsc.load_gather(cidb, [_full16(r), _full16(j)])
            idxv = (cj * 16 + iota) * B + q
            gidx[pl.ds(r * 256 + j * 16, 16)] = idxv

    @pl.loop(0, 8)
    def _(g):
        cs = []
        for u in range(8):
            off = (g * 8 + u) * 128
            cs.append(pltpu.async_copy(
                cm16_hbm.at[gidx.at[pl.ds(off, 128)]],
                cand1.at[pl.ds(off, 128)], sem))
        for c in cs:
            c.wait()

    @pl.loop(0, RPW)
    def _(r):
        q = base + r

        def load_fine(j):
            v = cand1[pl.ds(r * 256 + j * 16, 16)]
            cj = plsc.load_gather(cidb, [_full16(r), _full16(j)])
            return v, cj * 16 + iota

        _, fi = _scan_topk(K, load_fine)
        plsc.store_scatter(fidb, [_full16(r), iota], fi)

        @pl.loop(0, K)
        def _(j):
            fj = plsc.load_gather(fidb, [_full16(r), _full16(j)])
            idxv = (fj * 16 + iota) * B + q
            gidx[pl.ds(r * 256 + j * 16, 16)] = idxv

    @pl.loop(0, 8)
    def _(g):
        cs = []
        for u in range(8):
            off = (g * 8 + u) * 128
            cs.append(pltpu.async_copy(
                d2_hbm.at[gidx.at[pl.ds(off, 128)]],
                cand2.at[pl.ds(off, 128)], sem))
        for c in cs:
            c.wait()

    @pl.loop(0, RPW)
    def _(r):
        def load_elem(j):
            v = cand2[pl.ds(r * 256 + j * 16, 16)]
            fj = plsc.load_gather(fidb, [_full16(r), _full16(j)])
            return v, fj * 16 + iota

        dv, di = _scan_topk(K, load_elem)
        d2c = jnp.maximum(dv, 1e-12)
        d = d2c * _rsqrt_newton(d2c)
        dmin = jnp.min(d)
        e = jnp.exp(dmin - d)
        w = e / jnp.sum(e)
        plsc.store_scatter(wbuf, [_full16(r), iota], w)
        plsc.store_scatter(nidb, [_full16(r), iota], di)

        @pl.loop(0, K)
        def _(j):
            dj = plsc.load_gather(nidb, [_full16(r), _full16(j)])
            gidx[pl.ds(r * 256 + j * 16, 16)] = dj * 16 + iota

    @pl.loop(0, 8)
    def _(g):
        cs = []
        for u in range(8):
            off = (g * 8 + u) * 128
            cs.append(pltpu.async_copy(
                act_hbm.at[gidx.at[pl.ds(off, 128)]],
                cand1.at[pl.ds(off, 128)], sem))
        for c in cs:
            c.wait()

    @pl.loop(0, RPW)
    def _(r):
        def body(j, acc):
            a = cand1[pl.ds(r * 256 + j * 16, 16)]
            wj = plsc.load_gather(wbuf, [_full16(r), _full16(j)])
            return acc + wj * a

        acc = lax.fori_loop(0, K, body, jnp.zeros((16,), jnp.float32))
        plsc.store_scatter(outb, [_full16(r), iota], acc)

    pltpu.sync_copy(outb, out_hbm.at[pl.ds(base, RPW)])


@functools.cache
def _sc_call():
  cp = pltpu.CompilerParams()
  if "needs_layout_passes" in pltpu.CompilerParams.__dataclass_fields__:
    cp = dataclasses.replace(cp, needs_layout_passes=False)
  return functools.partial(
    pl.kernel,
    out_type=jax.ShapeDtypeStruct((B, 16), jnp.float32),
    mesh=plsc.VectorSubcoreMesh(core_axis_name="core",
                                subcore_axis_name="subcore"),
    compiler_params=cp,
    scratch_types=[
        pltpu.VMEM((C256, 128), jnp.float32),
        pltpu.VMEM((RPW, 16), jnp.int32),
        pltpu.VMEM((RPW, 16), jnp.int32),
        pltpu.VMEM((RPW, 16), jnp.int32),
        pltpu.VMEM((RPW * 256,), jnp.int32),
        pltpu.VMEM((RPW * 256,), jnp.float32),
        pltpu.VMEM((RPW * 256,), jnp.float32),
        pltpu.VMEM((RPW, 16), jnp.float32),
        pltpu.VMEM((RPW, 16), jnp.float32),
        pltpu.SemaphoreType.DMA,
    ],
  )(_sc_body)


def kernel(batch_images, W_enc, representations, actions):
    reps_p = jnp.pad(representations, ((0, N_PAD - N), (0, 0)),
                     constant_values=PAD_VAL)
    act_p = jnp.pad(actions, ((0, 0), (0, 16 - actions.shape[1])))
    d2t, cm16t, cm256t = _tc_call(batch_images, W_enc, reps_p)
    out = _sc_call()(cm256t, cm16t.reshape(-1), d2t.reshape(-1),
                     act_p.reshape(-1))
    return out[:, :7]

# --- scband reference (transcript-rebuilt; emitter-appended) ---
"""Pipeline reference for scband-vinn-56332791054744 (READ-ONLY COPY).

The authoritative reference and input builder live on the scoring server;
editing this copy changes nothing except your own understanding.
"""

import jax, jax.numpy as jnp
import numpy as np

K_NN = 16


def setup_inputs(seed: int = 0) -> dict:
    key = jax.random.key(seed)
    k1, k2, k3, k4 = jax.random.split(key, 4)
    return {
        "batch_images": jax.random.normal(k1, (1024, 512), dtype=jnp.float32),
        "W_enc": jax.random.normal(k2, (512, 128), dtype=jnp.float32) * 0.05,
        "representations": jax.random.normal(k3, (100000, 128), dtype=jnp.float32),
        "actions": jax.random.normal(k4, (100000, 7), dtype=jnp.float32),
    }


def reference(batch_images, W_enc, representations, actions):
    # encoder: modeled as a linear projection (encoder.eval(), frozen)
    batch_rep = batch_images @ W_enc  # [B, d_rep]
    # torch.cdist(batch_rep, representations): pairwise L2 distances [B, N]
    q2 = jnp.sum(batch_rep * batch_rep, axis=1, keepdims=True)  # [B, 1]
    r2 = jnp.sum(representations * representations, axis=1)[None, :]  # [1, N]
    d2 = q2 + r2 - 2.0 * (batch_rep @ representations.T)
    all_distances = jnp.sqrt(jnp.maximum(d2, 1e-12))  # [B, N]
    # torch.topk(all_distances, k, largest=False)
    neg_vals, indices = jax.lax.top_k(-all_distances, K_NN)  # [B, k]
    top_k_distances = -neg_vals
    # weights = softmax(-dist, dim=1)
    weights = jax.nn.softmax(-top_k_distances, axis=1)  # [B, k]
    # gather actions of neighbors
    top_k_actions = actions[indices]  # [B, k, act_dim]
    pred = jnp.sum(top_k_actions * weights[..., None], axis=1)  # [B, act_dim]
    return pred

if __name__ == "__main__":
    import jax
    _d = setup_inputs()
    print(jax.jit(kernel)(*tuple(_d.values())))

</pallas_src>

<mosaic_0001>
#map = affine_map<(d0, d1) -> (0, 0)>
#map1 = affine_map<(d0, d1) -> (0)>
module attributes {stable_mosaic.version = 14 : i64} {
  func.func @_sc_body(%arg0: i32, %arg1: i32, %arg2: memref<400x1024xf32, #tpu.memory_space<hbm>>, %arg3: memref<6553600xf32, #tpu.memory_space<hbm>>, %arg4: memref<104857600xf32, #tpu.memory_space<hbm>>, %arg5: memref<1600000xf32, #tpu.memory_space<hbm>>, %arg6: memref<1024x16xf32, #tpu.memory_space<hbm>>, %arg7: memref<400x128xf32, #tpu.memory_space<vmem>>, %arg8: memref<32x16xi32, #tpu.memory_space<vmem>>, %arg9: memref<32x16xi32, #tpu.memory_space<vmem>>, %arg10: memref<32x16xi32, #tpu.memory_space<vmem>>, %arg11: memref<8192xi32, #tpu.memory_space<vmem>>, %arg12: memref<8192xf32, #tpu.memory_space<vmem>>, %arg13: memref<8192xf32, #tpu.memory_space<vmem>>, %arg14: memref<32x16xf32, #tpu.memory_space<vmem>>, %arg15: memref<32x16xf32, #tpu.memory_space<vmem>>, %arg16: memref<!tpu.dma_semaphore, #tpu.memory_space<semaphore_mem>>) attributes {dimension_semantics = [#tpu.dimension_semantics<core_parallel>, #tpu.dimension_semantics<subcore_parallel>], iteration_bounds = array<i64: 2, 16>, scalar_prefetch = 0 : i64, scratch_operands = 10 : i64, tpu.core_type = #tpu.core_type<sc_vector_subcore>, window_params = [{transform_indices = #map}, {transform_indices = #map1}, {transform_indices = #map1}, {transform_indices = #map1}, {transform_indices = #map}]} {
    %mul3A = arith.constant 16 : i32
    %mul3A_0 = arith.muli %arg0, %mul3A : i32
    %add3A = arith.addi %mul3A_0, %arg1 : i32
    %mul3A_1 = arith.constant 32 : i32
    %mul3A_2 = arith.muli %add3A, %mul3A_1 : i32
    %iota3A = tpu.iota {dimensions = array<i32: 0>} : vector<16xi32>
    %jit3A = arith.constant 4 : i32
    %div3A = arith.divsi %add3A, %jit3A : i32
    %sign3A = arith.constant 0 : i32
    %sign3A_3 = arith.cmpi sgt, %add3A, %sign3A : i32
    %sign3A_4 = arith.extui %sign3A_3 : i1 to i32
    %sign3A_5 = arith.constant 0 : i32
    %sign3A_6 = arith.cmpi slt, %add3A, %sign3A_5 : i32
    %sign3A_7 = arith.extui %sign3A_6 : i1 to i32
    %sign3A_8 = arith.subi %sign3A_4, %sign3A_7 : i32
    %sign3A_9 = arith.constant 0 : i32
    %sign3A_10 = arith.cmpi sgt, %jit3A, %sign3A_9 : i32
    %sign3A_11 = arith.extui %sign3A_10 : i1 to i32
    %sign3A_12 = arith.constant 0 : i32
    %sign3A_13 = arith.cmpi slt, %jit3A, %sign3A_12 : i32
    %sign3A_14 = arith.extui %sign3A_13 : i1 to i32
    %sign3A_15 = arith.subi %sign3A_11, %sign3A_14 : i32
    %ne3A = arith.cmpi ne, %sign3A_8, %sign3A_15 : i32
    %rem3A = arith.remsi %add3A, %jit3A : i32
    %ne3A_16 = arith.constant 0 : i32
    %ne3A_17 = arith.cmpi ne, %rem3A, %ne3A_16 : i32
    %and3A = arith.andi %ne3A, %ne3A_17 : i1
    %sub3A = arith.constant 1 : i32
    %sub3A_18 = arith.subi %div3A, %sub3A : i32
    %select_n3A = arith.select %and3A, %sub3A_18, %div3A : i32
    %mul3A_19 = arith.constant 128 : i32
    %mul3A_20 = arith.muli %select_n3A, %mul3A_19 : i32
    %multiple_of3A = tpu.assume_multiple %mul3A_20, 128 : i32
    "tpu.region"() ({
      %run_scoped3A = tpu.sem_alloc : memref<!tpu.dma_semaphore, #tpu.memory_space<semaphore_mem>>
      %dma_start3A = arith.constant 0 : i32
      %dma_start3A_71 = tpu.memref_slice %arg2[%dma_start3A, %multiple_of3A] : memref<400x1024xf32, #tpu.memory_space<hbm>> -> memref<400x128xf32, #tpu.memory_space<hbm>>
      %dma_start3A_72 = arith.constant 0 : i32
      %dma_start3A_73 = tpu.memref_slice %arg2[%dma_start3A_72, %multiple_of3A] : memref<400x1024xf32, #tpu.memory_space<hbm>> -> memref<400x128xf32, #tpu.memory_space<hbm>>
      tpu.enqueue_dma source(%dma_start3A_73 : memref<400x128xf32, #tpu.memory_space<hbm>>) target(%arg7 : memref<400x128xf32, #tpu.memory_space<vmem>>) target_semaphore(%run_scoped3A : memref<!tpu.dma_semaphore, #tpu.memory_space<semaphore_mem>>)
      %dma_wait3A = arith.constant 0 : i32
      %dma_wait3A_74 = tpu.memref_slice %arg2[%dma_wait3A, %multiple_of3A] : memref<400x1024xf32, #tpu.memory_space<hbm>> -> memref<400x128xf32, #tpu.memory_space<hbm>>
      %dma_wait3A_75 = arith.constant 0 : i32
      %dma_wait3A_76 = tpu.memref_slice %arg2[%dma_wait3A_75, %multiple_of3A] : memref<400x1024xf32, #tpu.memory_space<hbm>> -> memref<400x128xf32, #tpu.memory_space<hbm>>
      tpu.wait_dma2 semaphore(%run_scoped3A : memref<!tpu.dma_semaphore, #tpu.memory_space<semaphore_mem>>) src(%dma_wait3A_76 : memref<400x128xf32, #tpu.memory_space<hbm>>) dst(%arg7 : memref<400x128xf32, #tpu.memory_space<vmem>>)
      tpu.yield
    }) : () -> ()
    %jit3A_21 = arith.constant 4 : i32
    %eq3A = arith.constant 0 : i32
    %eq3A_22 = arith.cmpi eq, %jit3A_21, %eq3A : i32
    %jit3A_23 = arith.constant 1 : i32
    %select_n3A_24 = arith.select %eq3A_22, %jit3A_23, %jit3A_21 : i32
    %rem3A_25 = arith.remsi %add3A, %select_n3A_24 : i32
    %ne3A_26 = arith.constant 0 : i32
    %ne3A_27 = arith.cmpi ne, %rem3A_25, %ne3A_26 : i32
    %lt3A = arith.constant 0 : i32
    %lt3A_28 = arith.cmpi slt, %rem3A_25, %lt3A : i32
    %lt3A_29 = arith.constant 0 : i32
    %lt3A_30 = arith.cmpi slt, %select_n3A_24, %lt3A_29 : i32
    %ne3A_31 = arith.xori %lt3A_28, %lt3A_30 : i1
    %and3A_32 = arith.andi %ne3A_31, %ne3A_27 : i1
    %add3A_33 = arith.addi %rem3A_25, %select_n3A_24 : i32
    %select_n3A_34 = arith.select %and3A_32, %add3A_33, %rem3A_25 : i32
    %mul3A_35 = arith.constant 32 : i32
    %mul3A_36 = arith.muli %select_n3A_34, %mul3A_35 : i32
    %scan3A = arith.constant 0 : i32
    %scan3A_37 = arith.constant 32 : i32
    %scan3A_38 = arith.addi %scan3A, %scan3A_37 : i32
    %scan3A_39 = arith.constant 1 : i32
    scf.for %scan3A_71 = %scan3A to %scan3A_38 step %scan3A_39  : i32 {
      %mul3A_72 = arith.constant 1 : i32
      %mul3A_73 = arith.muli %scan3A_71, %mul3A_72 : i32
      %add3A_74 = arith.constant 0 : i32
      %add3A_75 = arith.addi %add3A_74, %mul3A_73 : i32
      %add3A_76 = arith.addi %mul3A_2, %add3A_75 : i32
      %broadcast_in_dim3A = arith.constant 3.000000e+38 : f32
      %broadcast_in_dim3A_77 = vector.broadcast %broadcast_in_dim3A : f32 to vector<16xf32>
      %broadcast_in_dim3A_78 = arith.constant 0 : i32
      %broadcast_in_dim3A_79 = vector.broadcast %broadcast_in_dim3A_78 : i32 to vector<16xi32>
      %scan3A_80 = arith.constant 3.000000e+38 : f32
      %scan3A_81 = arith.constant 0 : i32
      %scan3A_82 = arith.constant 25 : i32
      %scan3A_83 = arith.addi %scan3A_81, %scan3A_82 : i32
      %scan3A_84 = arith.constant 1 : i32
      %scan3A_85:3 = scf.for %scan3A_93 = %scan3A_81 to %scan3A_83 step %scan3A_84 iter_args(%scan3A_94 = %broadcast_in_dim3A_77, %scan3A_95 = %broadcast_in_dim3A_79, %scan3A_96 = %scan3A_80) -> (vector<16xf32>, vector<16xi32>, f32)  : i32 {
        %mul3A_97 = arith.constant 16 : i32
        %mul3A_98 = arith.muli %scan3A_93, %mul3A_97 : i32
        %add3A_99 = vector.broadcast %mul3A_98 : i32 to vector<16xi32>
        %add3A_100 = arith.addi %add3A_99, %iota3A : vector<16xi32>
        %add3A_101 = arith.addi %mul3A_36, %add3A_75 : i32
        %broadcast_in_dim3A_102 = vector.broadcast %add3A_101 : i32 to vector<16xi32>
        %gather3A = tpu.vector_load_idx %arg7[%add3A_100, %broadcast_in_dim3A_102] : memref<400x128xf32, #tpu.memory_space<vmem>>[vector<16xi32>, vector<16xi32>], vector<16xf32>,
        %reduce_min3A = arith.constant true
        %reduce_min3A_103 = vector.broadcast %reduce_min3A : i1 to vector<16xi1>
        %reduce_min3A_104 = tpu.scan <min>, %gather3A masked %reduce_min3A_103 : vector<16xf32>, vector<16xi1> -> vector<16xf32>
        %reduce_min3A_105 = vector.extract %reduce_min3A_104[15] : f32 from vector<16xf32>
        %lt3A_106 = arith.cmpf olt, %reduce_min3A_105, %scan3A_96 : f32
        %convert_element_type3A = arith.extui %lt3A_106 : i1 to i32
        %cond3A = arith.constant 0 : i32
        %cond3A_107 = arith.cmpi ne, %convert_element_type3A, %cond3A : i32
        %cond3A_108:3 = scf.if %cond3A_107 -> (vector<16xf32>, vector<16xi32>, f32) {
          %masked_sort3A = arith.constant dense<true> : vector<16xi1>
          %masked_sort3A_109, %masked_sort3A_110, %masked_sort3A_111 = tpu.sort %gather3A, %add3A_100 masked %masked_sort3A : (vector<16xf32>, vector<16xi32>, vector<16xi1>) -> (vector<16xi1>, vector<16xf32>, vector<16xi32>)
          %rev3A = arith.constant 15 : i32
          %rev3A_112 = vector.broadcast %rev3A : i32 to vector<16xi32>
          %rev3A_113 = tpu.iota {dimensions = array<i32: 0>} : vector<16xi32>
          %rev3A_114 = arith.subi %rev3A_112, %rev3A_113 : vector<16xi32>
          %rev3A_115 = tpu.dynamic_gather %masked_sort3A_110[%rev3A_114] in [0] : vector<16xf32>, vector<16xi32> -> vector<16xf32>
          %rev3A_116 = arith.constant 15 : i32
          %rev3A_117 = vector.broadcast %rev3A_116 : i32 to vector<16xi32>
          %rev3A_118 = tpu.iota {dimensions = array<i32: 0>} : vector<16xi32>
          %rev3A_119 = arith.subi %rev3A_117, %rev3A_118 : vector<16xi32>
          %rev3A_120 = tpu.dynamic_gather %masked_sort3A_111[%rev3A_119] in [0] : vector<16xi32>, vector<16xi32> -> vector<16xi32>
          %le3A = arith.cmpf ole, %scan3A_94, %rev3A_115 : vector<16xf32>
          %select_n3A_121 = arith.select %le3A, %scan3A_94, %rev3A_115 : vector<16xi1>, vector<16xf32>
          %select_n3A_122 = arith.select %le3A, %scan3A_95, %rev3A_120 : vector<16xi1>, vector<16xi32>
          %masked_sort3A_123 = arith.constant dense<true> : vector<16xi1>
          %masked_sort3A_124, %masked_sort3A_125, %masked_sort3A_126 = tpu.sort %select_n3A_121, %select_n3A_122 masked %masked_sort3A_123 : (vector<16xf32>, vector<16xi32>, vector<16xi1>) -> (vector<16xi1>, vector<16xf32>, vector<16xi32>)
          %reduce_max3A = arith.constant true
          %reduce_max3A_127 = vector.broadcast %reduce_max3A : i1 to vector<16xi1>
          %reduce_max3A_128 = tpu.scan <max>, %masked_sort3A_125 masked %reduce_max3A_127 : vector<16xf32>, vector<16xi1> -> vector<16xf32>
          %reduce_max3A_129 = vector.extract %reduce_max3A_128[15] : f32 from vector<16xf32>
          scf.yield %masked_sort3A_125, %masked_sort3A_126, %reduce_max3A_129 : vector<16xf32>, vector<16xi32>, f32
        } else {
          scf.yield %scan3A_94, %scan3A_95, %scan3A_96 : vector<16xf32>, vector<16xi32>, f32
        }
        scf.yield %cond3A_108#0, %cond3A_108#1, %cond3A_108#2 : vector<16xf32>, vector<16xi32>, f32
      }
      %scan3A_86 = arith.constant 25 : i32
      %broadcast_in_dim3A_87 = vector.broadcast %add3A_75 : i32 to vector<16xi32>
      tpu.vector_store_idx %arg8[%broadcast_in_dim3A_87, %iota3A], %scan3A_85#1 : memref<32x16xi32, #tpu.memory_space<vmem>>[vector<16xi32>, vector<16xi32>], vector<16xi32>,
      %scan3A_88 = arith.constant 0 : i32
      %scan3A_89 = arith.constant 16 : i32
      %scan3A_90 = arith.addi %scan3A_88, %scan3A_89 : i32
      %scan3A_91 = arith.constant 1 : i32
      scf.for %scan3A_93 = %scan3A_88 to %scan3A_90 step %scan3A_91  : i32 {
        %mul3A_94 = arith.constant 1 : i32
        %mul3A_95 = arith.muli %scan3A_93, %mul3A_94 : i32
        %add3A_96 = arith.constant 0 : i32
        %add3A_97 = arith.addi %add3A_96, %mul3A_95 : i32
        %broadcast_in_dim3A_98 = vector.broadcast %add3A_75 : i32 to vector<16xi32>
        %broadcast_in_dim3A_99 = vector.broadcast %add3A_97 : i32 to vector<16xi32>
        %gather3A = tpu.vector_load_idx %arg8[%broadcast_in_dim3A_98, %broadcast_in_dim3A_99] : memref<32x16xi32, #tpu.memory_space<vmem>>[vector<16xi32>, vector<16xi32>], vector<16xi32>,
        %mul3A_100 = arith.constant 16 : i32
        %mul3A_101 = vector.broadcast %mul3A_100 : i32 to vector<16xi32>
        %mul3A_102 = arith.muli %gather3A, %mul3A_101 : vector<16xi32>
        %add3A_103 = arith.addi %mul3A_102, %iota3A : vector<16xi32>
        %mul3A_104 = arith.constant 1024 : i32
        %mul3A_105 = vector.broadcast %mul3A_104 : i32 to vector<16xi32>
        %mul3A_106 = arith.muli %add3A_103, %mul3A_105 : vector<16xi32>
        %add3A_107 = vector.broadcast %add3A_76 : i32 to vector<16xi32>
        %add3A_108 = arith.addi %mul3A_106, %add3A_107 : vector<16xi32>
        %mul3A_109 = arith.constant 256 : i32
        %mul3A_110 = arith.muli %add3A_75, %mul3A_109 : i32
        %mul3A_111 = arith.constant 16 : i32
        %mul3A_112 = arith.muli %add3A_97, %mul3A_111 : i32
        %add3A_113 = arith.addi %mul3A_110, %mul3A_112 : i32
        %swap3A = arith.index_cast %add3A_113 : i32 to index
        %swap3A_114 = tpu.vector_load %arg11[%swap3A] {strides = array<i32>} : memref<8192xi32, #tpu.memory_space<vmem>>, vector<16xi32>,
        tpu.vector_store %arg11[%swap3A], %add3A_108 {strides = array<i32>} : memref<8192xi32, #tpu.memory_space<vmem>>, vector<16xi32>,
      }
      %scan3A_92 = arith.constant 16 : i32
    }
    %scan3A_40 = arith.constant 32 : i32
    %scan3A_41 = arith.constant 0 : i32
    %scan3A_42 = arith.constant 8 : i32
    %scan3A_43 = arith.addi %scan3A_41, %scan3A_42 : i32
    %scan3A_44 = arith.constant 1 : i32
    scf.for %scan3A_71 = %scan3A_41 to %scan3A_43 step %scan3A_44  : i32 {
      %mul3A_72 = arith.constant 1 : i32
      %mul3A_73 = arith.muli %scan3A_71, %mul3A_72 : i32
      %add3A_74 = arith.constant 0 : i32
      %add3A_75 = arith.addi %add3A_74, %mul3A_73 : i32
      %mul3A_76 = arith.constant 8 : i32
      %mul3A_77 = arith.muli %add3A_75, %mul3A_76 : i32
      %add3A_78 = arith.constant 0 : i32
      %add3A_79 = arith.addi %mul3A_77, %add3A_78 : i32
      %mul3A_80 = arith.constant 128 : i32
      %mul3A_81 = arith.muli %add3A_79, %mul3A_80 : i32
      %dma_start3A = tpu.memref_slice %arg12[%mul3A_81] : memref<8192xf32, #tpu.memory_space<vmem>> -> memref<128xf32, #tpu.memory_space<vmem>>
      %dma_start3A_82 = tpu.memref_slice %arg11[%mul3A_81] : memref<8192xi32, #tpu.memory_space<vmem>> -> memref<128xi32, #tpu.memory_space<vmem>>
      %dma_start3A_83 = arith.constant 0 : i32
      %dma_start3A_84 = tpu.memref_slice %arg3[%dma_start3A_83] : memref<6553600xf32, #tpu.memory_space<hbm>> -> memref<6553600xf32, #tpu.memory_space<hbm>>
      tpu.enqueue_indirect_dma source(%dma_start3A_84 : memref<6553600xf32, #tpu.memory_space<hbm>>) target(%dma_start3A : memref<128xf32, #tpu.memory_space<vmem>>) offsets(%dma_start3A_82 : memref<128xi32, #tpu.memory_space<vmem>>) semaphore(%arg16 : memref<!tpu.dma_semaphore, #tpu.memory_space<semaphore_mem>>)
      %mul3A_85 = arith.constant 8 : i32
      %mul3A_86 = arith.muli %add3A_75, %mul3A_85 : i32
      %add3A_87 = arith.constant 1 : i32
      %add3A_88 = arith.addi %mul3A_86, %add3A_87 : i32
      %mul3A_89 = arith.constant 128 : i32
      %mul3A_90 = arith.muli %add3A_88, %mul3A_89 : i32
      %dma_start3A_91 = tpu.memref_slice %arg12[%mul3A_90] : memref<8192xf32, #tpu.memory_space<vmem>> -> memref<128xf32, #tpu.memory_space<vmem>>
      %dma_start3A_92 = tpu.memref_slice %arg11[%mul3A_90] : memref<8192xi32, #tpu.memory_space<vmem>> -> memref<128xi32, #tpu.memory_space<vmem>>
      %dma_start3A_93 = arith.constant 0 : i32
      %dma_start3A_94 = tpu.memref_slice %arg3[%dma_start3A_93] : memref<6553600xf32, #tpu.memory_space<hbm>> -> memref<6553600xf32, #tpu.memory_space<hbm>>
      tpu.enqueue_indirect_dma source(%dma_start3A_94 : memref<6553600xf32, #tpu.memory_space<hbm>>) target(%dma_start3A_91 : memref<128xf32, #tpu.memory_space<vmem>>) offsets(%dma_start3A_92 : memref<128xi32, #tpu.memory_space<vmem>>) semaphore(%arg16 : memref<!tpu.dma_semaphore, #tpu.memory_space<semaphore_mem>>)
      %mul3A_95 = arith.constant 8 : i32
      %mul3A_96 = arith.muli %add3A_75, %mul3A_95 : i32
      %add3A_97 = arith.constant 2 : i32
      %add3A_98 = arith.addi %mul3A_96, %add3A_97 : i32
      %mul3A_99 = arith.constant 128 : i32
      %mul3A_100 = arith.muli %add3A_98, %mul3A_99 : i32
      %dma_start3A_101 = tpu.memref_slice %arg12[%mul3A_100] : memref<8192xf32, #tpu.memory_space<vmem>> -> memref<128xf32, #tpu.memory_space<vmem>>
      %dma_start3A_102 = tpu.memref_slice %arg11[%mul3A_100] : memref<8192xi32, #tpu.memory_space<vmem>> -> memref<128xi32, #tpu.memory_space<vmem>>
      %dma_start3A_103 = arith.constant 0 : i32
      %dma_start3A_104 = tpu.memref_slice %arg3[%dma_start3A_103] : memref<6553600xf32, #tpu.memory_space<hbm>> -> memref<6553600xf32, #tpu.memory_space<hbm>>
      tpu.enqueue_indirect_dma source(%dma_start3A_104 : memref<6553600xf32, #tpu.memory_space<hbm>>) target(%dma_start3A_101 : memref<128xf32, #tpu.memory_space<vmem>>) offsets(%dma_start3A_102 : memref<128xi32, #tpu.memory_space<vmem>>) semaphore(%arg16 : memref<!tpu.dma_semaphore, #tpu.memory_space<semaphore_mem>>)
      %mul3A_105 = arith.constant 8 : i32
      %mul3A_106 = arith.muli %add3A_75, %mul3A_105 : i32
      %add3A_107 = arith.constant 3 : i32
      %add3A_108 = arith.addi %mul3A_106, %add3A_107 : i32
      %mul3A_109 = arith.constant 128 : i32
      %mul3A_110 = arith.muli %add3A_108, %mul3A_109 : i32
      %dma_start3A_111 = tpu.memref_slice %arg12[%mul3A_110] : memref<8192xf32, #tpu.memory_space<vmem>> -> memref<128xf32, #tpu.memory_space<vmem>>
      %dma_start3A_112 = tpu.memref_slice %arg11[%mul3A_110] : memref<8192xi32, #tpu.memory_space<vmem>> -> memref<128xi32, #tpu.memory_space<vmem>>
      %dma_start3A_113 = arith.constant 0 : i32
      %dma_start3A_114 = tpu.memref_slice %arg3[%dma_start3A_113] : memref<6553600xf32, #tpu.memory_space<hbm>> -> memref<6553600xf32, #tpu.memory_space<hbm>>
      tpu.enqueue_indirect_dma source(%dma_start3A_114 : memref<6553600xf32, #tpu.memory_space<hbm>>) target(%dma_start3A_111 : memref<128xf32, #tpu.memory_space<vmem>>) offsets(%dma_start3A_112 : memref<128xi32, #tpu.memory_space<vmem>>) semaphore(%arg16 : memref<!tpu.dma_semaphore, #tpu.memory_space<semaphore_mem>>)
      %mul3A_115 = arith.constant 8 : i32
      %mul3A_116 = arith.muli %add3A_75, %mul3A_115 : i32
      %add3A_117 = arith.constant 4 : i32
      %add3A_118 = arith.addi %mul3A_116, %add3A_117 : i32
      %mul3A_119 = arith.constant 128 : i32
      %mul3A_120 = arith.muli %add3A_118, %mul3A_119 : i32
      %dma_start3A_121 = tpu.memref_slice %arg12[%mul3A_120] : memref<8192xf32, #tpu.memory_space<vmem>> -> memref<128xf32, #tpu.memory_space<vmem>>
      %dma_start3A_122 = tpu.memref_slice %arg11[%mul3A_120] : memref<8192xi32, #tpu.memory_space<vmem>> -> memref<128xi32, #tpu.memory_space<vmem>>
      %dma_start3A_123 = arith.constant 0 : i32
      %dma_start3A_124 = tpu.memref_slice %arg3[%dma_start3A_123] : memref<6553600xf32, #tpu.memory_space<hbm>> -> memref<6553600xf32, #tpu.memory_space<hbm>>
      tpu.enqueue_indirect_dma source(%dma_start3A_124 : memref<6553600xf32, #tpu.memory_space<hbm>>) target(%dma_start3A_121 : memref<128xf32, #tpu.memory_space<vmem>>) offsets(%dma_start3A_122 : memref<128xi32, #tpu.memory_space<vmem>>) semaphore(%arg16 : memref<!tpu.dma_semaphore, #tpu.memory_space<semaphore_mem>>)
      %mul3A_125 = arith.constant 8 : i32
      %mul3A_126 = arith.muli %add3A_75, %mul3A_125 : i32
      %add3A_127 = arith.constant 5 : i32
      %add3A_128 = arith.addi %mul3A_126, %add3A_127 : i32
      %mul3A_129 = arith.constant 128 : i32
      %mul3A_130 = arith.muli %add3A_128, %mul3A_129 : i32
      %dma_start3A_131 = tpu.memref_slice %arg12[%mul3A_130] : memref<8192xf32, #tpu.memory_space<vmem>> -> memref<128xf32, #tpu.memory_space<vmem>>
      %dma_start3A_132 = tpu.memref_slice %arg11[%mul3A_130] : memref<8192xi32, #tpu.memory_space<vmem>> -> memref<128xi32, #tpu.memory_space<vmem>>
      %dma_start3A_133 = arith.constant 0 : i32
      %dma_start3A_134 = tpu.memref_slice %arg3[%dma_start3A_133] : memref<6553600xf32, #tpu.memory_space<hbm>> -> memref<6553600xf32, #tpu.memory_space<hbm>>
      tpu.enqueue_indirect_dma source(%dma_start3A_134 : memref<6553600xf32, #tpu.memory_space<hbm>>) target(%dma_start3A_131 : memref<128xf32, #tpu.memory_space<vmem>>) offsets(%dma_start3A_132 : memref<128xi32, #tpu.memory_space<vmem>>) semaphore(%arg16 : memref<!tpu.dma_semaphore, #tpu.memory_space<semaphore_mem>>)
      %mul3A_135 = arith.constant 8 : i32
      %mul3A_136 = arith.muli %add3A_75, %mul3A_135 : i32
      %add3A_137 = arith.constant 6 : i32
      %add3A_138 = arith.addi %mul3A_136, %add3A_137 : i32
      %mul3A_139 = arith.constant 128 : i32
      %mul3A_140 = arith.muli %add3A_138, %mul3A_139 : i32
      %dma_start3A_141 = tpu.memref_slice %arg12[%mul3A_140] : memref<8192xf32, #tpu.memory_space<vmem>> -> memref<128xf32, #tpu.memory_space<vmem>>
      %dma_start3A_142 = tpu.memref_slice %arg11[%mul3A_140] : memref<8192xi32, #tpu.memory_space<vmem>> -> memref<128xi32, #tpu.memory_space<vmem>>
      %dma_start3A_143 = arith.constant 0 : i32
      %dma_start3A_144 = tpu.memref_slice %arg3[%dma_start3A_143] : memref<6553600xf32, #tpu.memory_space<hbm>> -> memref<6553600xf32, #tpu.memory_space<hbm>>
      tpu.enqueue_indirect_dma source(%dma_start3A_144 : memref<6553600xf32, #tpu.memory_space<hbm>>) target(%dma_start3A_141 : memref<128xf32, #tpu.memory_space<vmem>>) offsets(%dma_start3A_142 : memref<128xi32, #tpu.memory_space<vmem>>) semaphore(%arg16 : memref<!tpu.dma_semaphore, #tpu.memory_space<semaphore_mem>>)
      %mul3A_145 = arith.constant 8 : i32
      %mul3A_146 = arith.muli %add3A_75, %mul3A_145 : i32
      %add3A_147 = arith.constant 7 : i32
      %add3A_148 = arith.addi %mul3A_146, %add3A_147 : i32
      %mul3A_149 = arith.constant 128 : i32
      %mul3A_150 = arith.muli %add3A_148, %mul3A_149 : i32
      %dma_start3A_151 = tpu.memref_slice %arg12[%mul3A_150] : memref<8192xf32, #tpu.memory_space<vmem>> -> memref<128xf32, #tpu.memory_space<vmem>>
      %dma_start3A_152 = tpu.memref_slice %arg11[%mul3A_150] : memref<8192xi32, #tpu.memory_space<vmem>> -> memref<128xi32, #tpu.memory_space<vmem>>
      %dma_start3A_153 = arith.constant 0 : i32
      %dma_start3A_154 = tpu.memref_slice %arg3[%dma_start3A_153] : memref<6553600xf32, #tpu.memory_space<hbm>> -> memref<6553600xf32, #tpu.memory_space<hbm>>
      tpu.enqueue_indirect_dma source(%dma_start3A_154 : memref<6553600xf32, #tpu.memory_space<hbm>>) target(%dma_start3A_151 : memref<128xf32, #tpu.memory_space<vmem>>) offsets(%dma_start3A_152 : memref<128xi32, #tpu.memory_space<vmem>>) semaphore(%arg16 : memref<!tpu.dma_semaphore, #tpu.memory_space<semaphore_mem>>)
      %dma_wait3A = tpu.memref_slice %arg12[%mul3A_81] : memref<8192xf32, #tpu.memory_space<vmem>> -> memref<128xf32, #tpu.memory_space<vmem>>
      %dma_wait3A_155 = tpu.memref_slice %arg11[%mul3A_81] : memref<8192xi32, #tpu.memory_space<vmem>> -> memref<128xi32, #tpu.memory_space<vmem>>
      %dma_wait3A_156 = arith.constant 0 : i32
      %dma_wait3A_157 = tpu.memref_slice %arg3[%dma_wait3A_156] : memref<6553600xf32, #tpu.memory_space<hbm>> -> memref<6553600xf32, #tpu.memory_space<hbm>>
      tpu.wait_indirect_dma semaphore(%arg16 : memref<!tpu.dma_semaphore, #tpu.memory_space<semaphore_mem>>) src(%dma_wait3A_157 : memref<6553600xf32, #tpu.memory_space<hbm>>) dst(%dma_wait3A : memref<128xf32, #tpu.memory_space<vmem>>)
      %dma_wait3A_158 = tpu.memref_slice %arg12[%mul3A_90] : memref<8192xf32, #tpu.memory_space<vmem>> -> memref<128xf32, #tpu.memory_space<vmem>>
      %dma_wait3A_159 = tpu.memref_slice %arg11[%mul3A_90] : memref<8192xi32, #tpu.memory_space<vmem>> -> memref<128xi32, #tpu.memory_space<vmem>>
      %dma_wait3A_160 = arith.constant 0 : i32
      %dma_wait3A_161 = tpu.memref_slice %arg3[%dma_wait3A_160] : memref<6553600xf32, #tpu.memory_space<hbm>> -> memref<6553600xf32, #tpu.memory_space<hbm>>
      tpu.wait_indirect_dma semaphore(%arg16 : memref<!tpu.dma_semaphore, #tpu.memory_space<semaphore_mem>>) src(%dma_wait3A_161 : memref<6553600xf32, #tpu.memory_space<hbm>>) dst(%dma_wait3A_158 : memref<128xf32, #tpu.memory_space<vmem>>)
      %dma_wait3A_162 = tpu.memref_slice %arg12[%mul3A_100] : memref<8192xf32, #tpu.memory_space<vmem>> -> memref<128xf32, #tpu.memory_space<vmem>>
      %dma_wait3A_163 = tpu.memref_slice %arg11[%mul3A_100] : memref<8192xi32, #tpu.memory_space<vmem>> -> memref<128xi32, #tpu.memory_space<vmem>>
      %dma_wait3A_164 = arith.constant 0 : i32
      %dma_wait3A_165 = tpu.memref_slice %arg3[%dma_wait3A_164] : memref<6553600xf32, #tpu.memory_space<hbm>> -> memref<6553600xf32, #tpu.memory_space<hbm>>
      tpu.wait_indirect_dma semaphore(%arg16 : memref<!tpu.dma_semaphore, #tpu.memory_space<semaphore_mem>>) src(%dma_wait3A_165 : memref<6553600xf32, #tpu.memory_space<hbm>>) dst(%dma_wait3A_162 : memref<128xf32, #tpu.memory_space<vmem>>)
      %dma_wait3A_166 = tpu.memref_slice %arg12[%mul3A_110] : memref<8192xf32, #tpu.memory_space<vmem>> -> memref<128xf32, #tpu.memory_space<vmem>>
      %dma_wait3A_167 = tpu.memref_slice %arg11[%mul3A_110] : memref<8192xi32, #tpu.memory_space<vmem>> -> memref<128xi32, #tpu.memory_space<vmem>>
      %dma_wait3A_168 = arith.constant 0 : i32
      %dma_wait3A_169 = tpu.memref_slice %arg3[%dma_wait3A_168] : memref<6553600xf32, #tpu.memory_space<hbm>> -> memref<6553600xf32, #tpu.memory_space<hbm>>
      tpu.wait_indirect_dma semaphore(%arg16 : memref<!tpu.dma_semaphore, #tpu.memory_space<semaphore_mem>>) src(%dma_wait3A_169 : memref<6553600xf32, #tpu.memory_space<hbm>>) dst(%dma_wait3A_166 : memref<128xf32, #tpu.memory_space<vmem>>)
      %dma_wait3A_170 = tpu.memref_slice %arg12[%mul3A_120] : memref<8192xf32, #tpu.memory_space<vmem>> -> memref<128xf32, #tpu.memory_space<vmem>>
      %dma_wait3A_171 = tpu.memref_slice %arg11[%mul3A_120] : memref<8192xi32, #tpu.memory_space<vmem>> -> memref<128xi32, #tpu.memory_space<vmem>>
      %dma_wait3A_172 = arith.constant 0 : i32
      %dma_wait3A_173 = tpu.memref_slice %arg3[%dma_wait3A_172] : memref<6553600xf32, #tpu.memory_space<hbm>> -> memref<6553600xf32, #tpu.memory_space<hbm>>
      tpu.wait_indirect_dma semaphore(%arg16 : memref<!tpu.dma_semaphore, #tpu.memory_space<semaphore_mem>>) src(%dma_wait3A_173 : memref<6553600xf32, #tpu.memory_space<hbm>>) dst(%dma_wait3A_170 : memref<128xf32, #tpu.memory_space<vmem>>)
      %dma_wait3A_174 = tpu.memref_slice %arg12[%mul3A_130] : memref<8192xf32, #tpu.memory_space<vmem>> -> memref<128xf32, #tpu.memory_space<vmem>>
      %dma_wait3A_175 = tpu.memref_slice %arg11[%mul3A_130] : memref<8192xi32, #tpu.memory_space<vmem>> -> memref<128xi32, #tpu.memory_space<vmem>>
      %dma_wait3A_176 = arith.constant 0 : i32
      %dma_wait3A_177 = tpu.memref_slice %arg3[%dma_wait3A_176] : memref<6553600xf32, #tpu.memory_space<hbm>> -> memref<6553600xf32, #tpu.memory_space<hbm>>
      tpu.wait_indirect_dma semaphore(%arg16 : memref<!tpu.dma_semaphore, #tpu.memory_space<semaphore_mem>>) src(%dma_wait3A_177 : memref<6553600xf32, #tpu.memory_space<hbm>>) dst(%dma_wait3A_174 : memref<128xf32, #tpu.memory_space<vmem>>)
      %dma_wait3A_178 = tpu.memref_slice %arg12[%mul3A_140] : memref<8192xf32, #tpu.memory_space<vmem>> -> memref<128xf32, #tpu.memory_space<vmem>>
      %dma_wait3A_179 = tpu.memref_slice %arg11[%mul3A_140] : memref<8192xi32, #tpu.memory_space<vmem>> -> memref<128xi32, #tpu.memory_space<vmem>>
      %dma_wait3A_180 = arith.constant 0 : i32
      %dma_wait3A_181 = tpu.memref_slice %arg3[%dma_wait3A_180] : memref<6553600xf32, #tpu.memory_space<hbm>> -> memref<6553600xf32, #tpu.memory_space<hbm>>
      tpu.wait_indirect_dma semaphore(%arg16 : memref<!tpu.dma_semaphore, #tpu.memory_space<semaphore_mem>>) src(%dma_wait3A_181 : memref<6553600xf32, #tpu.memory_space<hbm>>) dst(%dma_wait3A_178 : memref<128xf32, #tpu.memory_space<vmem>>)
      %dma_wait3A_182 = tpu.memref_slice %arg12[%mul3A_150] : memref<8192xf32, #tpu.memory_space<vmem>> -> memref<128xf32, #tpu.memory_space<vmem>>
      %dma_wait3A_183 = tpu.memref_slice %arg11[%mul3A_150] : memref<8192xi32, #tpu.memory_space<vmem>> -> memref<128xi32, #tpu.memory_space<vmem>>
      %dma_wait3A_184 = arith.constant 0 : i32
      %dma_wait3A_185 = tpu.memref_slice %arg3[%dma_wait3A_184] : memref<6553600xf32, #tpu.memory_space<hbm>> -> memref<6553600xf32, #tpu.memory_space<hbm>>
      tpu.wait_indirect_dma semaphore(%arg16 : memref<!tpu.dma_semaphore, #tpu.memory_space<semaphore_mem>>) src(%dma_wait3A_185 : memref<6553600xf32, #tpu.memory_space<hbm>>) dst(%dma_wait3A_182 : memref<128xf32, #tpu.memory_space<vmem>>)
    }
    %scan3A_45 = arith.constant 8 : i32
    %scan3A_46 = arith.constant 0 : i32
    %scan3A_47 = arith.constant 32 : i32
    %scan3A_48 = arith.addi %scan3A_46, %scan3A_47 : i32
    %scan3A_49 = arith.constant 1 : i32
    scf.for %scan3A_71 = %scan3A_46 to %scan3A_48 step %scan3A_49  : i32 {
      %mul3A_72 = arith.constant 1 : i32
      %mul3A_73 = arith.muli %scan3A_71, %mul3A_72 : i32
      %add3A_74 = arith.constant 0 : i32
      %add3A_75 = arith.addi %add3A_74, %mul3A_73 : i32
      %add3A_76 = arith.addi %mul3A_2, %add3A_75 : i32
      %broadcast_in_dim3A = arith.constant 3.000000e+38 : f32
      %broadcast_in_dim3A_77 = vector.broadcast %broadcast_in_dim3A : f32 to vector<16xf32>
      %broadcast_in_dim3A_78 = arith.constant 0 : i32
      %broadcast_in_dim3A_79 = vector.broadcast %broadcast_in_dim3A_78 : i32 to vector<16xi32>
      %scan3A_80 = arith.constant 3.000000e+38 : f32
      %scan3A_81 = arith.constant 0 : i32
      %scan3A_82 = arith.constant 16 : i32
      %scan3A_83 = arith.addi %scan3A_81, %scan3A_82 : i32
      %scan3A_84 = arith.constant 1 : i32
      %scan3A_85:3 = scf.for %scan3A_93 = %scan3A_81 to %scan3A_83 step %scan3A_84 iter_args(%scan3A_94 = %broadcast_in_dim3A_77, %scan3A_95 = %broadcast_in_dim3A_79, %scan3A_96 = %scan3A_80) -> (vector<16xf32>, vector<16xi32>, f32)  : i32 {
        %mul3A_97 = arith.constant 256 : i32
        %mul3A_98 = arith.muli %add3A_75, %mul3A_97 : i32
        %mul3A_99 = arith.constant 16 : i32
        %mul3A_100 = arith.muli %scan3A_93, %mul3A_99 : i32
        %add3A_101 = arith.addi %mul3A_98, %mul3A_100 : i32
        %get3A = arith.index_cast %add3A_101 : i32 to index
        %get3A_102 = tpu.vector_load %arg12[%get3A] {strides = array<i32>} : memref<8192xf32, #tpu.memory_space<vmem>>, vector<16xf32>,
        %broadcast_in_dim3A_103 = vector.broadcast %add3A_75 : i32 to vector<16xi32>
        %broadcast_in_dim3A_104 = vector.broadcast %scan3A_93 : i32 to vector<16xi32>
        %gather3A = tpu.vector_load_idx %arg8[%broadcast_in_dim3A_103, %broadcast_in_dim3A_104] : memref<32x16xi32, #tpu.memory_space<vmem>>[vector<16xi32>, vector<16xi32>], vector<16xi32>,
        %mul3A_105 = arith.constant 16 : i32
        %mul3A_106 = vector.broadcast %mul3A_105 : i32 to vector<16xi32>
        %mul3A_107 = arith.muli %gather3A, %mul3A_106 : vector<16xi32>
        %add3A_108 = arith.addi %mul3A_107, %iota3A : vector<16xi32>
        %reduce_min3A = arith.constant true
        %reduce_min3A_109 = vector.broadcast %reduce_min3A : i1 to vector<16xi1>
        %reduce_min3A_110 = tpu.scan <min>, %get3A_102 masked %reduce_min3A_109 : vector<16xf32>, vector<16xi1> -> vector<16xf32>
        %reduce_min3A_111 = vector.extract %reduce_min3A_110[15] : f32 from vector<16xf32>
        %lt3A_112 = arith.cmpf olt, %reduce_min3A_111, %scan3A_96 : f32
        %convert_element_type3A = arith.extui %lt3A_112 : i1 to i32
        %cond3A = arith.constant 0 : i32
        %cond3A_113 = arith.cmpi ne, %convert_element_type3A, %cond3A : i32
        %cond3A_114:3 = scf.if %cond3A_113 -> (vector<16xf32>, vector<16xi32>, f32) {
          %masked_sort3A = arith.constant dense<true> : vector<16xi1>
          %masked_sort3A_115, %masked_sort3A_116, %masked_sort3A_117 = tpu.sort %get3A_102, %add3A_108 masked %masked_sort3A : (vector<16xf32>, vector<16xi32>, vector<16xi1>) -> (vector<16xi1>, vector<16xf32>, vector<16xi32>)
          %rev3A = arith.constant 15 : i32
          %rev3A_118 = vector.broadcast %rev3A : i32 to vector<16xi32>
          %rev3A_119 = tpu.iota {dimensions = array<i32: 0>} : vector<16xi32>
          %rev3A_120 = arith.subi %rev3A_118, %rev3A_119 : vector<16xi32>
          %rev3A_121 = tpu.dynamic_gather %masked_sort3A_116[%rev3A_120] in [0] : vector<16xf32>, vector<16xi32> -> vector<16xf32>
          %rev3A_122 = arith.constant 15 : i32
          %rev3A_123 = vector.broadcast %rev3A_122 : i32 to vector<16xi32>
          %rev3A_124 = tpu.iota {dimensions = array<i32: 0>} : vector<16xi32>
          %rev3A_125 = arith.subi %rev3A_123, %rev3A_124 : vector<16xi32>
          %rev3A_126 = tpu.dynamic_gather %masked_sort3A_117[%rev3A_125] in [0] : vector<16xi32>, vector<16xi32> -> vector<16xi32>
          %le3A = arith.cmpf ole, %scan3A_94, %rev3A_121 : vector<16xf32>
          %select_n3A_127 = arith.select %le3A, %scan3A_94, %rev3A_121 : vector<16xi1>, vector<16xf32>
          %select_n3A_128 = arith.select %le3A, %scan3A_95, %rev3A_126 : vector<16xi1>, vector<16xi32>
          %masked_sort3A_129 = arith.constant dense<true> : vector<16xi1>
          %masked_sort3A_130, %masked_sort3A_131, %masked_sort3A_132 = tpu.sort %select_n3A_127, %select_n3A_128 masked %masked_sort3A_129 : (vector<16xf32>, vector<16xi32>, vector<16xi1>) -> (vector<16xi1>, vector<16xf32>, vector<16xi32>)
          %reduce_max3A = arith.constant true
          %reduce_max3A_133 = vector.broadcast %reduce_max3A : i1 to vector<16xi1>
          %reduce_max3A_134 = tpu.scan <max>, %masked_sort3A_131 masked %reduce_max3A_133 : vector<16xf32>, vector<16xi1> -> vector<16xf32>
          %reduce_max3A_135 = vector.extract %reduce_max3A_134[15] : f32 from vector<16xf32>
          scf.yield %masked_sort3A_131, %masked_sort3A_132, %reduce_max3A_135 : vector<16xf32>, vector<16xi32>, f32
        } else {
          scf.yield %scan3A_94, %scan3A_95, %scan3A_96 : vector<16xf32>, vector<16xi32>, f32
        }
        scf.yield %cond3A_114#0, %cond3A_114#1, %cond3A_114#2 : vector<16xf32>, vector<16xi32>, f32
      }
      %scan3A_86 = arith.constant 16 : i32
      %broadcast_in_dim3A_87 = vector.broadcast %add3A_75 : i32 to vector<16xi32>
      tpu.vector_store_idx %arg9[%broadcast_in_dim3A_87, %iota3A], %scan3A_85#1 : memref<32x16xi32, #tpu.memory_space<vmem>>[vector<16xi32>, vector<16xi32>], vector<16xi32>,
      %scan3A_88 = arith.constant 0 : i32
      %scan3A_89 = arith.constant 16 : i32
      %scan3A_90 = arith.addi %scan3A_88, %scan3A_89 : i32
      %scan3A_91 = arith.constant 1 : i32
      scf.for %scan3A_93 = %scan3A_88 to %scan3A_90 step %scan3A_91  : i32 {
        %mul3A_94 = arith.constant 1 : i32
        %mul3A_95 = arith.muli %scan3A_93, %mul3A_94 : i32
        %add3A_96 = arith.constant 0 : i32
        %add3A_97 = arith.addi %add3A_96, %mul3A_95 : i32
        %broadcast_in_dim3A_98 = vector.broadcast %add3A_75 : i32 to vector<16xi32>
        %broadcast_in_dim3A_99 = vector.broadcast %add3A_97 : i32 to vector<16xi32>
        %gather3A = tpu.vector_load_idx %arg9[%broadcast_in_dim3A_98, %broadcast_in_dim3A_99] : memref<32x16xi32, #tpu.memory_space<vmem>>[vector<16xi32>, vector<16xi32>], vector<16xi32>,
        %mul3A_100 = arith.constant 16 : i32
        %mul3A_101 = vector.broadcast %mul3A_100 : i32 to vector<16xi32>
        %mul3A_102 = arith.muli %gather3A, %mul3A_101 : vector<16xi32>
        %add3A_103 = arith.addi %mul3A_102, %iota3A : vector<16xi32>
        %mul3A_104 = arith.constant 1024 : i32
        %mul3A_105 = vector.broadcast %mul3A_104 : i32 to vector<16xi32>
        %mul3A_106 = arith.muli %add3A_103, %mul3A_105 : vector<16xi32>
        %add3A_107 = vector.broadcast %add3A_76 : i32 to vector<16xi32>
        %add3A_108 = arith.addi %mul3A_106, %add3A_107 : vector<16xi32>
        %mul3A_109 = arith.constant 256 : i32
        %mul3A_110 = arith.muli %add3A_75, %mul3A_109 : i32
        %mul3A_111 = arith.constant 16 : i32
        %mul3A_112 = arith.muli %add3A_97, %mul3A_111 : i32
        %add3A_113 = arith.addi %mul3A_110, %mul3A_112 : i32
        %swap3A = arith.index_cast %add3A_113 : i32 to index
        %swap3A_114 = tpu.vector_load %arg11[%swap3A] {strides = array<i32>} : memref<8192xi32, #tpu.memory_space<vmem>>, vector<16xi32>,
        tpu.vector_store %arg11[%swap3A], %add3A_108 {strides = array<i32>} : memref<8192xi32, #tpu.memory_space<vmem>>, vector<16xi32>,
      }
      %scan3A_92 = arith.constant 16 : i32
    }
    %scan3A_50 = arith.constant 32 : i32
    %scan3A_51 = arith.constant 0 : i32
    %scan3A_52 = arith.constant 8 : i32
    %scan3A_53 = arith.addi %scan3A_51, %scan3A_52 : i32
    %scan3A_54 = arith.constant 1 : i32
    scf.for %scan3A_71 = %scan3A_51 to %scan3A_53 step %scan3A_54  : i32 {
      %mul3A_72 = arith.constant 1 : i32
      %mul3A_73 = arith.muli %scan3A_71, %mul3A_72 : i32
      %add3A_74 = arith.constant 0 : i32
      %add3A_75 = arith.addi %add3A_74, %mul3A_73 : i32
      %mul3A_76 = arith.constant 8 : i32
      %mul3A_77 = arith.muli %add3A_75, %mul3A_76 : i32
      %add3A_78 = arith.constant 0 : i32
      %add3A_79 = arith.addi %mul3A_77, %add3A_78 : i32
      %mul3A_80 = arith.constant 128 : i32
      %mul3A_81 = arith.muli %add3A_79, %mul3A_80 : i32
      %dma_start3A = tpu.memref_slice %arg13[%mul3A_81] : memref<8192xf32, #tpu.memory_space<vmem>> -> memref<128xf32, #tpu.memory_space<vmem>>
      %dma_start3A_82 = tpu.memref_slice %arg11[%mul3A_81] : memref<8192xi32, #tpu.memory_space<vmem>> -> memref<128xi32, #tpu.memory_space<vmem>>
      %dma_start3A_83 = arith.constant 0 : i32
      %dma_start3A_84 = tpu.memref_slice %arg4[%dma_start3A_83] : memref<104857600xf32, #tpu.memory_space<hbm>> -> memref<104857600xf32, #tpu.memory_space<hbm>>
      tpu.enqueue_indirect_dma source(%dma_start3A_84 : memref<104857600xf32, #tpu.memory_space<hbm>>) target(%dma_start3A : memref<128xf32, #tpu.memory_space<vmem>>) offsets(%dma_start3A_82 : memref<128xi32, #tpu.memory_space<vmem>>) semaphore(%arg16 : memref<!tpu.dma_semaphore, #tpu.memory_space<semaphore_mem>>)
      %mul3A_85 = arith.constant 8 : i32
      %mul3A_86 = arith.muli %add3A_75, %mul3A_85 : i32
      %add3A_87 = arith.constant 1 : i32
      %add3A_88 = arith.addi %mul3A_86, %add3A_87 : i32
      %mul3A_89 = arith.constant 128 : i32
      %mul3A_90 = arith.muli %add3A_88, %mul3A_89 : i32
      %dma_start3A_91 = tpu.memref_slice %arg13[%mul3A_90] : memref<8192xf32, #tpu.memory_space<vmem>> -> memref<128xf32, #tpu.memory_space<vmem>>
      %dma_start3A_92 = tpu.memref_slice %arg11[%mul3A_90] : memref<8192xi32, #tpu.memory_space<vmem>> -> memref<128xi32, #tpu.memory_space<vmem>>
      %dma_start3A_93 = arith.constant 0 : i32
      %dma_start3A_94 = tpu.memref_slice %arg4[%dma_start3A_93] : memref<104857600xf32, #tpu.memory_space<hbm>> -> memref<104857600xf32, #tpu.memory_space<hbm>>
      tpu.enqueue_indirect_dma source(%dma_start3A_94 : memref<104857600xf32, #tpu.memory_space<hbm>>) target(%dma_start3A_91 : memref<128xf32, #tpu.memory_space<vmem>>) offsets(%dma_start3A_92 : memref<128xi32, #tpu.memory_space<vmem>>) semaphore(%arg16 : memref<!tpu.dma_semaphore, #tpu.memory_space<semaphore_mem>>)
      %mul3A_95 = arith.constant 8 : i32
      %mul3A_96 = arith.muli %add3A_75, %mul3A_95 : i32
      %add3A_97 = arith.constant 2 : i32
      %add3A_98 = arith.addi %mul3A_96, %add3A_97 : i32
      %mul3A_99 = arith.constant 128 : i32
      %mul3A_100 = arith.muli %add3A_98, %mul3A_99 : i32
      %dma_start3A_101 = tpu.memref_slice %arg13[%mul3A_100] : memref<8192xf32, #tpu.memory_space<vmem>> -> memref<128xf32, #tpu.memory_space<vmem>>
      %dma_start3A_102 = tpu.memref_slice %arg11[%mul3A_100] : memref<8192xi32, #tpu.memory_space<vmem>> -> memref<128xi32, #tpu.memory_space<vmem>>
      %dma_start3A_103 = arith.constant 0 : i32
      %dma_start3A_104 = tpu.memref_slice %arg4[%dma_start3A_103] : memref<104857600xf32, #tpu.memory_space<hbm>> -> memref<104857600xf32, #tpu.memory_space<hbm>>
      tpu.enqueue_indirect_dma source(%dma_start3A_104 : memref<104857600xf32, #tpu.memory_space<hbm>>) target(%dma_start3A_101 : memref<128xf32, #tpu.memory_space<vmem>>) offsets(%dma_start3A_102 : memref<128xi32, #tpu.memory_space<vmem>>) semaphore(%arg16 : memref<!tpu.dma_semaphore, #tpu.memory_space<semaphore_mem>>)
      %mul3A_105 = arith.constant 8 : i32
      %mul3A_106 = arith.muli %add3A_75, %mul3A_105 : i32
      %add3A_107 = arith.constant 3 : i32
      %add3A_108 = arith.addi %mul3A_106, %add3A_107 : i32
      %mul3A_109 = arith.constant 128 : i32
      %mul3A_110 = arith.muli %add3A_108, %mul3A_109 : i32
      %dma_start3A_111 = tpu.memref_slice %arg13[%mul3A_110] : memref<8192xf32, #tpu.memory_space<vmem>> -> memref<128xf32, #tpu.memory_space<vmem>>
      %dma_start3A_112 = tpu.memref_slice %arg11[%mul3A_110] : memref<8192xi32, #tpu.memory_space<vmem>> -> memref<128xi32, #tpu.memory_space<vmem>>
      %dma_start3A_113 = arith.constant 0 : i32
      %dma_start3A_114 = tpu.memref_slice %arg4[%dma_start3A_113] : memref<104857600xf32, #tpu.memory_space<hbm>> -> memref<104857600xf32, #tpu.memory_space<hbm>>
      tpu.enqueue_indirect_dma source(%dma_start3A_114 : memref<104857600xf32, #tpu.memory_space<hbm>>) target(%dma_start3A_111 : memref<128xf32, #tpu.memory_space<vmem>>) offsets(%dma_start3A_112 : memref<128xi32, #tpu.memory_space<vmem>>) semaphore(%arg16 : memref<!tpu.dma_semaphore, #tpu.memory_space<semaphore_mem>>)
      %mul3A_115 = arith.constant 8 : i32
      %mul3A_116 = arith.muli %add3A_75, %mul3A_115 : i32
      %add3A_117 = arith.constant 4 : i32
      %add3A_118 = arith.addi %mul3A_116, %add3A_117 : i32
      %mul3A_119 = arith.constant 128 : i32
      %mul3A_120 = arith.muli %add3A_118, %mul3A_119 : i32
      %dma_start3A_121 = tpu.memref_slice %arg13[%mul3A_120] : memref<8192xf32, #tpu.memory_space<vmem>> -> memref<128xf32, #tpu.memory_space<vmem>>
      %dma_start3A_122 = tpu.memref_slice %arg11[%mul3A_120] : memref<8192xi32, #tpu.memory_space<vmem>> -> memref<128xi32, #tpu.memory_space<vmem>>
      %dma_start3A_123 = arith.constant 0 : i32
      %dma_start3A_124 = tpu.memref_slice %arg4[%dma_start3A_123] : memref<104857600xf32, #tpu.memory_space<hbm>> -> memref<104857600xf32, #tpu.memory_space<hbm>>
      tpu.enqueue_indirect_dma source(%dma_start3A_124 : memref<104857600xf32, #tpu.memory_space<hbm>>) target(%dma_start3A_121 : memref<128xf32, #tpu.memory_space<vmem>>) offsets(%dma_start3A_122 : memref<128xi32, #tpu.memory_space<vmem>>) semaphore(%arg16 : memref<!tpu.dma_semaphore, #tpu.memory_space<semaphore_mem>>)
      %mul3A_125 = arith.constant 8 : i32
      %mul3A_126 = arith.muli %add3A_75, %mul3A_125 : i32
      %add3A_127 = arith.constant 5 : i32
      %add3A_128 = arith.addi %mul3A_126, %add3A_127 : i32
      %mul3A_129 = arith.constant 128 : i32
      %mul3A_130 = arith.muli %add3A_128, %mul3A_129 : i32
      %dma_start3A_131 = tpu.memref_slice %arg13[%mul3A_130] : memref<8192xf32, #tpu.memory_space<vmem>> -> memref<128xf32, #tpu.memory_space<vmem>>
      %dma_start3A_132 = tpu.memref_slice %arg11[%mul3A_130] : memref<8192xi32, #tpu.memory_space<vmem>> -> memref<128xi32, #tpu.memory_space<vmem>>
      %dma_start3A_133 = arith.constant 0 : i32
      %dma_start3A_134 = tpu.memref_slice %arg4[%dma_start3A_133] : memref<104857600xf32, #tpu.memory_space<hbm>> -> memref<104857600xf32, #tpu.memory_space<hbm>>
      tpu.enqueue_indirect_dma source(%dma_start3A_134 : memref<104857600xf32, #tpu.memory_space<hbm>>) target(%dma_start3A_131 : memref<128xf32, #tpu.memory_space<vmem>>) offsets(%dma_start3A_132 : memref<128xi32, #tpu.memory_space<vmem>>) semaphore(%arg16 : memref<!tpu.dma_semaphore, #tpu.memory_space<semaphore_mem>>)
      %mul3A_135 = arith.constant 8 : i32
      %mul3A_136 = arith.muli %add3A_75, %mul3A_135 : i32
      %add3A_137 = arith.constant 6 : i32
      %add3A_138 = arith.addi %mul3A_136, %add3A_137 : i32
      %mul3A_139 = arith.constant 128 : i32
      %mul3A_140 = arith.muli %add3A_138, %mul3A_139 : i32
      %dma_start3A_141 = tpu.memref_slice %arg13[%mul3A_140] : memref<8192xf32, #tpu.memory_space<vmem>> -> memref<128xf32, #tpu.memory_space<vmem>>
      %dma_start3A_142 = tpu.memref_slice %arg11[%mul3A_140] : memref<8192xi32, #tpu.memory_space<vmem>> -> memref<128xi32, #tpu.memory_space<vmem>>
      %dma_start3A_143 = arith.constant 0 : i32
      %dma_start3A_144 = tpu.memref_slice %arg4[%dma_start3A_143] : memref<104857600xf32, #tpu.memory_space<hbm>> -> memref<104857600xf32, #tpu.memory_space<hbm>>
      tpu.enqueue_indirect_dma source(%dma_start3A_144 : memref<104857600xf32, #tpu.memory_space<hbm>>) target(%dma_start3A_141 : memref<128xf32, #tpu.memory_space<vmem>>) offsets(%dma_start3A_142 : memref<128xi32, #tpu.memory_space<vmem>>) semaphore(%arg16 : memref<!tpu.dma_semaphore, #tpu.memory_space<semaphore_mem>>)
      %mul3A_145 = arith.constant 8 : i32
      %mul3A_146 = arith.muli %add3A_75, %mul3A_145 : i32
      %add3A_147 = arith.constant 7 : i32
      %add3A_148 = arith.addi %mul3A_146, %add3A_147 : i32
      %mul3A_149 = arith.constant 128 : i32
      %mul3A_150 = arith.muli %add3A_148, %mul3A_149 : i32
      %dma_start3A_151 = tpu.memref_slice %arg13[%mul3A_150] : memref<8192xf32, #tpu.memory_space<vmem>> -> memref<128xf32, #tpu.memory_space<vmem>>
      %dma_start3A_152 = tpu.memref_slice %arg11[%mul3A_150] : memref<8192xi32, #tpu.memory_space<vmem>> -> memref<128xi32, #tpu.memory_space<vmem>>
      %dma_start3A_153 = arith.constant 0 : i32
      %dma_start3A_154 = tpu.memref_slice %arg4[%dma_start3A_153] : memref<104857600xf32, #tpu.memory_space<hbm>> -> memref<104857600xf32, #tpu.memory_space<hbm>>
      tpu.enqueue_indirect_dma source(%dma_start3A_154 : memref<104857600xf32, #tpu.memory_space<hbm>>) target(%dma_start3A_151 : memref<128xf32, #tpu.memory_space<vmem>>) offsets(%dma_start3A_152 : memref<128xi32, #tpu.memory_space<vmem>>) semaphore(%arg16 : memref<!tpu.dma_semaphore, #tpu.memory_space<semaphore_mem>>)
      %dma_wait3A = tpu.memref_slice %arg13[%mul3A_81] : memref<8192xf32, #tpu.memory_space<vmem>> -> memref<128xf32, #tpu.memory_space<vmem>>
      %dma_wait3A_155 = tpu.memref_slice %arg11[%mul3A_81] : memref<8192xi32, #tpu.memory_space<vmem>> -> memref<128xi32, #tpu.memory_space<vmem>>
      %dma_wait3A_156 = arith.constant 0 : i32
      %dma_wait3A_157 = tpu.memref_slice %arg4[%dma_wait3A_156] : memref<104857600xf32, #tpu.memory_space<hbm>> -> memref<104857600xf32, #tpu.memory_space<hbm>>
      tpu.wait_indirect_dma semaphore(%arg16 : memref<!tpu.dma_semaphore, #tpu.memory_space<semaphore_mem>>) src(%dma_wait3A_157 : memref<104857600xf32, #tpu.memory_space<hbm>>) dst(%dma_wait3A : memref<128xf32, #tpu.memory_space<vmem>>)
      %dma_wait3A_158 = tpu.memref_slice %arg13[%mul3A_90] : memref<8192xf32, #tpu.memory_space<vmem>> -> memref<128xf32, #tpu.memory_space<vmem>>
      %dma_wait3A_159 = tpu.memref_slice %arg11[%mul3A_90] : memref<8192xi32, #tpu.memory_space<vmem>> -> memref<128xi32, #tpu.memory_space<vmem>>
      %dma_wait3A_160 = arith.constant 0 : i32
      %dma_wait3A_161 = tpu.memref_slice %arg4[%dma_wait3A_160] : memref<104857600xf32, #tpu.memory_space<hbm>> -> memref<104857600xf32, #tpu.memory_space<hbm>>
      tpu.wait_indirect_dma semaphore(%arg16 : memref<!tpu.dma_semaphore, #tpu.memory_space<semaphore_mem>>) src(%dma_wait3A_161 : memref<104857600xf32, #tpu.memory_space<hbm>>) dst(%dma_wait3A_158 : memref<128xf32, #tpu.memory_space<vmem>>)
      %dma_wait3A_162 = tpu.memref_slice %arg13[%mul3A_100] : memref<8192xf32, #tpu.memory_space<vmem>> -> memref<128xf32, #tpu.memory_space<vmem>>
      %dma_wait3A_163 = tpu.memref_slice %arg11[%mul3A_100] : memref<8192xi32, #tpu.memory_space<vmem>> -> memref<128xi32, #tpu.memory_space<vmem>>
      %dma_wait3A_164 = arith.constant 0 : i32
      %dma_wait3A_165 = tpu.memref_slice %arg4[%dma_wait3A_164] : memref<104857600xf32, #tpu.memory_space<hbm>> -> memref<104857600xf32, #tpu.memory_space<hbm>>
      tpu.wait_indirect_dma semaphore(%arg16 : memref<!tpu.dma_semaphore, #tpu.memory_space<semaphore_mem>>) src(%dma_wait3A_165 : memref<104857600xf32, #tpu.memory_space<hbm>>) dst(%dma_wait3A_162 : memref<128xf32, #tpu.memory_space<vmem>>)
      %dma_wait3A_166 = tpu.memref_slice %arg13[%mul3A_110] : memref<8192xf32, #tpu.memory_space<vmem>> -> memref<128xf32, #tpu.memory_space<vmem>>
      %dma_wait3A_167 = tpu.memref_slice %arg11[%mul3A_110] : memref<8192xi32, #tpu.memory_space<vmem>> -> memref<128xi32, #tpu.memory_space<vmem>>
      %dma_wait3A_168 = arith.constant 0 : i32
      %dma_wait3A_169 = tpu.memref_slice %arg4[%dma_wait3A_168] : memref<104857600xf32, #tpu.memory_space<hbm>> -> memref<104857600xf32, #tpu.memory_space<hbm>>
      tpu.wait_indirect_dma semaphore(%arg16 : memref<!tpu.dma_semaphore, #tpu.memory_space<semaphore_mem>>) src(%dma_wait3A_169 : memref<104857600xf32, #tpu.memory_space<hbm>>) dst(%dma_wait3A_166 : memref<128xf32, #tpu.memory_space<vmem>>)
      %dma_wait3A_170 = tpu.memref_slice %arg13[%mul3A_120] : memref<8192xf32, #tpu.memory_space<vmem>> -> memref<128xf32, #tpu.memory_space<vmem>>
      %dma_wait3A_171 = tpu.memref_slice %arg11[%mul3A_120] : memref<8192xi32, #tpu.memory_space<vmem>> -> memref<128xi32, #tpu.memory_space<vmem>>
      %dma_wait3A_172 = arith.constant 0 : i32
      %dma_wait3A_173 = tpu.memref_slice %arg4[%dma_wait3A_172] : memref<104857600xf32, #tpu.memory_space<hbm>> -> memref<104857600xf32, #tpu.memory_space<hbm>>
      tpu.wait_indirect_dma semaphore(%arg16 : memref<!tpu.dma_semaphore, #tpu.memory_space<semaphore_mem>>) src(%dma_wait3A_173 : memref<104857600xf32, #tpu.memory_space<hbm>>) dst(%dma_wait3A_170 : memref<128xf32, #tpu.memory_space<vmem>>)
      %dma_wait3A_174 = tpu.memref_slice %arg13[%mul3A_130] : memref<8192xf32, #tpu.memory_space<vmem>> -> memref<128xf32, #tpu.memory_space<vmem>>
      %dma_wait3A_175 = tpu.memref_slice %arg11[%mul3A_130] : memref<8192xi32, #tpu.memory_space<vmem>> -> memref<128xi32, #tpu.memory_space<vmem>>
      %dma_wait3A_176 = arith.constant 0 : i32
      %dma_wait3A_177 = tpu.memref_slice %arg4[%dma_wait3A_176] : memref<104857600xf32, #tpu.memory_space<hbm>> -> memref<104857600xf32, #tpu.memory_space<hbm>>
      tpu.wait_indirect_dma semaphore(%arg16 : memref<!tpu.dma_semaphore, #tpu.memory_space<semaphore_mem>>) src(%dma_wait3A_177 : memref<104857600xf32, #tpu.memory_space<hbm>>) dst(%dma_wait3A_174 : memref<128xf32, #tpu.memory_space<vmem>>)
      %dma_wait3A_178 = tpu.memref_slice %arg13[%mul3A_140] : memref<8192xf32, #tpu.memory_space<vmem>> -> memref<128xf32, #tpu.memory_space<vmem>>
      %dma_wait3A_179 = tpu.memref_slice %arg11[%mul3A_140] : memref<8192xi32, #tpu.memory_space<vmem>> -> memref<128xi32, #tpu.memory_space<vmem>>
      %dma_wait3A_180 = arith.constant 0 : i32
      %dma_wait3A_181 = tpu.memref_slice %arg4[%dma_wait3A_180] : memref<104857600xf32, #tpu.memory_space<hbm>> -> memref<104857600xf32, #tpu.memory_space<hbm>>
      tpu.wait_indirect_dma semaphore(%arg16 : memref<!tpu.dma_semaphore, #tpu.memory_space<semaphore_mem>>) src(%dma_wait3A_181 : memref<104857600xf32, #tpu.memory_space<hbm>>) dst(%dma_wait3A_178 : memref<128xf32, #tpu.memory_space<vmem>>)
      %dma_wait3A_182 = tpu.memref_slice %arg13[%mul3A_150] : memref<8192xf32, #tpu.memory_space<vmem>> -> memref<128xf32, #tpu.memory_space<vmem>>
      %dma_wait3A_183 = tpu.memref_slice %arg11[%mul3A_150] : memref<8192xi32, #tpu.memory_space<vmem>> -> memref<128xi32, #tpu.memory_space<vmem>>
      %dma_wait3A_184 = arith.constant 0 : i32
      %dma_wait3A_185 = tpu.memref_slice %arg4[%dma_wait3A_184] : memref<104857600xf32, #tpu.memory_space<hbm>> -> memref<104857600xf32, #tpu.memory_space<hbm>>
      tpu.wait_indirect_dma semaphore(%arg16 : memref<!tpu.dma_semaphore, #tpu.memory_space<semaphore_mem>>) src(%dma_wait3A_185 : memref<104857600xf32, #tpu.memory_space<hbm>>) dst(%dma_wait3A_182 : memref<128xf32, #tpu.memory_space<vmem>>)
    }
    %scan3A_55 = arith.constant 8 : i32
    %scan3A_56 = arith.constant 0 : i32
    %scan3A_57 = arith.constant 32 : i32
    %scan3A_58 = arith.addi %scan3A_56, %scan3A_57 : i32
    %scan3A_59 = arith.constant 1 : i32
    scf.for %scan3A_71 = %scan3A_56 to %scan3A_58 step %scan3A_59  : i32 {
      %mul3A_72 = arith.constant 1 : i32
      %mul3A_73 = arith.muli %scan3A_71, %mul3A_72 : i32
      %add3A_74 = arith.constant 0 : i32
      %add3A_75 = arith.addi %add3A_74, %mul3A_73 : i32
      %broadcast_in_dim3A = arith.constant 3.000000e+38 : f32
      %broadcast_in_dim3A_76 = vector.broadcast %broadcast_in_dim3A : f32 to vector<16xf32>
      %broadcast_in_dim3A_77 = arith.constant 0 : i32
      %broadcast_in_dim3A_78 = vector.broadcast %broadcast_in_dim3A_77 : i32 to vector<16xi32>
      %scan3A_79 = arith.constant 3.000000e+38 : f32
      %scan3A_80 = arith.constant 0 : i32
      %scan3A_81 = arith.constant 16 : i32
      %scan3A_82 = arith.addi %scan3A_80, %scan3A_81 : i32
      %scan3A_83 = arith.constant 1 : i32
      %scan3A_84:3 = scf.for %scan3A_139 = %scan3A_80 to %scan3A_82 step %scan3A_83 iter_args(%scan3A_140 = %broadcast_in_dim3A_76, %scan3A_141 = %broadcast_in_dim3A_78, %scan3A_142 = %scan3A_79) -> (vector<16xf32>, vector<16xi32>, f32)  : i32 {
        %mul3A_143 = arith.constant 256 : i32
        %mul3A_144 = arith.muli %add3A_75, %mul3A_143 : i32
        %mul3A_145 = arith.constant 16 : i32
        %mul3A_146 = arith.muli %scan3A_139, %mul3A_145 : i32
        %add3A_147 = arith.addi %mul3A_144, %mul3A_146 : i32
        %get3A = arith.index_cast %add3A_147 : i32 to index
        %get3A_148 = tpu.vector_load %arg13[%get3A] {strides = array<i32>} : memref<8192xf32, #tpu.memory_space<vmem>>, vector<16xf32>,
        %broadcast_in_dim3A_149 = vector.broadcast %add3A_75 : i32 to vector<16xi32>
        %broadcast_in_dim3A_150 = vector.broadcast %scan3A_139 : i32 to vector<16xi32>
        %gather3A = tpu.vector_load_idx %arg9[%broadcast_in_dim3A_149, %broadcast_in_dim3A_150] : memref<32x16xi32, #tpu.memory_space<vmem>>[vector<16xi32>, vector<16xi32>], vector<16xi32>,
        %mul3A_151 = arith.constant 16 : i32
        %mul3A_152 = vector.broadcast %mul3A_151 : i32 to vector<16xi32>
        %mul3A_153 = arith.muli %gather3A, %mul3A_152 : vector<16xi32>
        %add3A_154 = arith.addi %mul3A_153, %iota3A : vector<16xi32>
        %reduce_min3A_155 = arith.constant true
        %reduce_min3A_156 = vector.broadcast %reduce_min3A_155 : i1 to vector<16xi1>
        %reduce_min3A_157 = tpu.scan <min>, %get3A_148 masked %reduce_min3A_156 : vector<16xf32>, vector<16xi1> -> vector<16xf32>
        %reduce_min3A_158 = vector.extract %reduce_min3A_157[15] : f32 from vector<16xf32>
        %lt3A_159 = arith.cmpf olt, %reduce_min3A_158, %scan3A_142 : f32
        %convert_element_type3A = arith.extui %lt3A_159 : i1 to i32
        %cond3A = arith.constant 0 : i32
        %cond3A_160 = arith.cmpi ne, %convert_element_type3A, %cond3A : i32
        %cond3A_161:3 = scf.if %cond3A_160 -> (vector<16xf32>, vector<16xi32>, f32) {
          %masked_sort3A = arith.constant dense<true> : vector<16xi1>
          %masked_sort3A_162, %masked_sort3A_163, %masked_sort3A_164 = tpu.sort %get3A_148, %add3A_154 masked %masked_sort3A : (vector<16xf32>, vector<16xi32>, vector<16xi1>) -> (vector<16xi1>, vector<16xf32>, vector<16xi32>)
          %rev3A = arith.constant 15 : i32
          %rev3A_165 = vector.broadcast %rev3A : i32 to vector<16xi32>
          %rev3A_166 = tpu.iota {dimensions = array<i32: 0>} : vector<16xi32>
          %rev3A_167 = arith.subi %rev3A_165, %rev3A_166 : vector<16xi32>
          %rev3A_168 = tpu.dynamic_gather %masked_sort3A_163[%rev3A_167] in [0] : vector<16xf32>, vector<16xi32> -> vector<16xf32>
          %rev3A_169 = arith.constant 15 : i32
          %rev3A_170 = vector.broadcast %rev3A_169 : i32 to vector<16xi32>
          %rev3A_171 = tpu.iota {dimensions = array<i32: 0>} : vector<16xi32>
          %rev3A_172 = arith.subi %rev3A_170, %rev3A_171 : vector<16xi32>
          %rev3A_173 = tpu.dynamic_gather %masked_sort3A_164[%rev3A_172] in [0] : vector<16xi32>, vector<16xi32> -> vector<16xi32>
          %le3A = arith.cmpf ole, %scan3A_140, %rev3A_168 : vector<16xf32>
          %select_n3A_174 = arith.select %le3A, %scan3A_140, %rev3A_168 : vector<16xi1>, vector<16xf32>
          %select_n3A_175 = arith.select %le3A, %scan3A_141, %rev3A_173 : vector<16xi1>, vector<16xi32>
          %masked_sort3A_176 = arith.constant dense<true> : vector<16xi1>
          %masked_sort3A_177, %masked_sort3A_178, %masked_sort3A_179 = tpu.sort %select_n3A_174, %select_n3A_175 masked %masked_sort3A_176 : (vector<16xf32>, vector<16xi32>, vector<16xi1>) -> (vector<16xi1>, vector<16xf32>, vector<16xi32>)
          %reduce_max3A = arith.constant true
          %reduce_max3A_180 = vector.broadcast %reduce_max3A : i1 to vector<16xi1>
          %reduce_max3A_181 = tpu.scan <max>, %masked_sort3A_178 masked %reduce_max3A_180 : vector<16xf32>, vector<16xi1> -> vector<16xf32>
          %reduce_max3A_182 = vector.extract %reduce_max3A_181[15] : f32 from vector<16xf32>
          scf.yield %masked_sort3A_178, %masked_sort3A_179, %reduce_max3A_182 : vector<16xf32>, vector<16xi32>, f32
        } else {
          scf.yield %scan3A_140, %scan3A_141, %scan3A_142 : vector<16xf32>, vector<16xi32>, f32
        }
        scf.yield %cond3A_161#0, %cond3A_161#1, %cond3A_161#2 : vector<16xf32>, vector<16xi32>, f32
      }
      %scan3A_85 = arith.constant 16 : i32
      %max3A = arith.constant 9.99999996E-13 : f32
      %max3A_86 = vector.broadcast %max3A : f32 to vector<16xf32>
      %max3A_87 = arith.maximumf %scan3A_84#0, %max3A_86 : vector<16xf32>
      %bitcast3A = vector.bitcast %max3A_87 : vector<16xf32> to vector<16xi32>
      %shift_right_arithmetic3A = arith.constant 1 : i32
      %shift_right_arithmetic3A_88 = vector.broadcast %shift_right_arithmetic3A : i32 to vector<16xi32>
      %shift_right_arithmetic3A_89 = arith.shrsi %bitcast3A, %shift_right_arithmetic3A_88 : vector<16xi32>
      %sub3A_90 = arith.constant 1597463007 : i32
      %sub3A_91 = vector.broadcast %sub3A_90 : i32 to vector<16xi32>
      %sub3A_92 = arith.subi %sub3A_91, %shift_right_arithmetic3A_89 : vector<16xi32>
      %bitcast3A_93 = vector.bitcast %sub3A_92 : vector<16xi32> to vector<16xf32>
      %mul3A_94 = arith.constant 5.000000e-01 : f32
      %mul3A_95 = vector.broadcast %mul3A_94 : f32 to vector<16xf32>
      %mul3A_96 = arith.mulf %mul3A_95, %max3A_87 : vector<16xf32>
      %mul3A_97 = arith.mulf %mul3A_96, %bitcast3A_93 : vector<16xf32>
      %mul3A_98 = arith.mulf %mul3A_97, %bitcast3A_93 : vector<16xf32>
      %sub3A_99 = arith.constant 1.500000e+00 : f32
      %sub3A_100 = vector.broadcast %sub3A_99 : f32 to vector<16xf32>
      %sub3A_101 = arith.subf %sub3A_100, %mul3A_98 : vector<16xf32>
      %mul3A_102 = arith.mulf %bitcast3A_93, %sub3A_101 : vector<16xf32>
      %mul3A_103 = arith.constant 5.000000e-01 : f32
      %mul3A_104 = vector.broadcast %mul3A_103 : f32 to vector<16xf32>
      %mul3A_105 = arith.mulf %mul3A_104, %max3A_87 : vector<16xf32>
      %mul3A_106 = arith.mulf %mul3A_105, %mul3A_102 : vector<16xf32>
      %mul3A_107 = arith.mulf %mul3A_106, %mul3A_102 : vector<16xf32>
      %sub3A_108 = arith.constant 1.500000e+00 : f32
      %sub3A_109 = vector.broadcast %sub3A_108 : f32 to vector<16xf32>
      %sub3A_110 = arith.subf %sub3A_109, %mul3A_107 : vector<16xf32>
      %mul3A_111 = arith.mulf %mul3A_102, %sub3A_110 : vector<16xf32>
      %mul3A_112 = arith.constant 5.000000e-01 : f32
      %mul3A_113 = vector.broadcast %mul3A_112 : f32 to vector<16xf32>
      %mul3A_114 = arith.mulf %mul3A_113, %max3A_87 : vector<16xf32>
      %mul3A_115 = arith.mulf %mul3A_114, %mul3A_111 : vector<16xf32>
      %mul3A_116 = arith.mulf %mul3A_115, %mul3A_111 : vector<16xf32>
      %sub3A_117 = arith.constant 1.500000e+00 : f32
      %sub3A_118 = vector.broadcast %sub3A_117 : f32 to vector<16xf32>
      %sub3A_119 = arith.subf %sub3A_118, %mul3A_116 : vector<16xf32>
      %mul3A_120 = arith.mulf %mul3A_111, %sub3A_119 : vector<16xf32>
      %mul3A_121 = arith.mulf %max3A_87, %mul3A_120 : vector<16xf32>
      %reduce_min3A = arith.constant true
      %reduce_min3A_122 = vector.broadcast %reduce_min3A : i1 to vector<16xi1>
      %reduce_min3A_123 = tpu.scan <min>, %mul3A_121 masked %reduce_min3A_122 : vector<16xf32>, vector<16xi1> -> vector<16xf32>
      %reduce_min3A_124 = vector.extract %reduce_min3A_123[15] : f32 from vector<16xf32>
      %sub3A_125 = vector.broadcast %reduce_min3A_124 : f32 to vector<16xf32>
      %sub3A_126 = arith.subf %sub3A_125, %mul3A_121 : vector<16xf32>
      %exp3A = math.exp %sub3A_126 : vector<16xf32>
      %reduce_sum3A = arith.constant true
      %reduce_sum3A_127 = vector.broadcast %reduce_sum3A : i1 to vector<16xi1>
      %reduce_sum3A_128 = tpu.scan <sum>, %exp3A masked %reduce_sum3A_127 : vector<16xf32>, vector<16xi1> -> vector<16xf32>
      %reduce_sum3A_129 = vector.extract %reduce_sum3A_128[15] : f32 from vector<16xf32>
      %div3A_130 = vector.broadcast %reduce_sum3A_129 : f32 to vector<16xf32>
      %div3A_131 = arith.divf %exp3A, %div3A_130 : vector<16xf32>
      %broadcast_in_dim3A_132 = vector.broadcast %add3A_75 : i32 to vector<16xi32>
      tpu.vector_store_idx %arg14[%broadcast_in_dim3A_132, %iota3A], %div3A_131 : memref<32x16xf32, #tpu.memory_space<vmem>>[vector<16xi32>, vector<16xi32>], vector<16xf32>,
      %broadcast_in_dim3A_133 = vector.broadcast %add3A_75 : i32 to vector<16xi32>
      tpu.vector_store_idx %arg10[%broadcast_in_dim3A_133, %iota3A], %scan3A_84#1 : memref<32x16xi32, #tpu.memory_space<vmem>>[vector<16xi32>, vector<16xi32>], vector<16xi32>,
      %scan3A_134 = arith.constant 0 : i32
      %scan3A_135 = arith.constant 16 : i32
      %scan3A_136 = arith.addi %scan3A_134, %scan3A_135 : i32
      %scan3A_137 = arith.constant 1 : i32
      scf.for %scan3A_139 = %scan3A_134 to %scan3A_136 step %scan3A_137  : i32 {
        %mul3A_140 = arith.constant 1 : i32
        %mul3A_141 = arith.muli %scan3A_139, %mul3A_140 : i32
        %add3A_142 = arith.constant 0 : i32
        %add3A_143 = arith.addi %add3A_142, %mul3A_141 : i32
        %broadcast_in_dim3A_144 = vector.broadcast %add3A_75 : i32 to vector<16xi32>
        %broadcast_in_dim3A_145 = vector.broadcast %add3A_143 : i32 to vector<16xi32>
        %gather3A = tpu.vector_load_idx %arg10[%broadcast_in_dim3A_144, %broadcast_in_dim3A_145] : memref<32x16xi32, #tpu.memory_space<vmem>>[vector<16xi32>, vector<16xi32>], vector<16xi32>,
        %mul3A_146 = arith.constant 16 : i32
        %mul3A_147 = vector.broadcast %mul3A_146 : i32 to vector<16xi32>
        %mul3A_148 = arith.muli %gather3A, %mul3A_147 : vector<16xi32>
        %add3A_149 = arith.addi %mul3A_148, %iota3A : vector<16xi32>
        %mul3A_150 = arith.constant 256 : i32
        %mul3A_151 = arith.muli %add3A_75, %mul3A_150 : i32
        %mul3A_152 = arith.constant 16 : i32
        %mul3A_153 = arith.muli %add3A_143, %mul3A_152 : i32
        %add3A_154 = arith.addi %mul3A_151, %mul3A_153 : i32
        %swap3A = arith.index_cast %add3A_154 : i32 to index
        %swap3A_155 = tpu.vector_load %arg11[%swap3A] {strides = array<i32>} : memref<8192xi32, #tpu.memory_space<vmem>>, vector<16xi32>,
        tpu.vector_store %arg11[%swap3A], %add3A_149 {strides = array<i32>} : memref<8192xi32, #tpu.memory_space<vmem>>, vector<16xi32>,
      }
      %scan3A_138 = arith.constant 16 : i32
    }
    %scan3A_60 = arith.constant 32 : i32
    %scan3A_61 = arith.constant 0 : i32
    %scan3A_62 = arith.constant 8 : i32
    %scan3A_63 = arith.addi %scan3A_61, %scan3A_62 : i32
    %scan3A_64 = arith.constant 1 : i32
    scf.for %scan3A_71 = %scan3A_61 to %scan3A_63 step %scan3A_64  : i32 {
      %mul3A_72 = arith.constant 1 : i32
      %mul3A_73 = arith.muli %scan3A_71, %mul3A_72 : i32
      %add3A_74 = arith.constant 0 : i32
      %add3A_75 = arith.addi %add3A_74, %mul3A_73 : i32
      %mul3A_76 = arith.constant 8 : i32
      %mul3A_77 = arith.muli %add3A_75, %mul3A_76 : i32
      %add3A_78 = arith.constant 0 : i32
      %add3A_79 = arith.addi %mul3A_77, %add3A_78 : i32
      %mul3A_80 = arith.constant 128 : i32
      %mul3A_81 = arith.muli %add3A_79, %mul3A_80 : i32
      %dma_start3A = tpu.memref_slice %arg12[%mul3A_81] : memref<8192xf32, #tpu.memory_space<vmem>> -> memref<128xf32, #tpu.memory_space<vmem>>
      %dma_start3A_82 = tpu.memref_slice %arg11[%mul3A_81] : memref<8192xi32, #tpu.memory_space<vmem>> -> memref<128xi32, #tpu.memory_space<vmem>>
      %dma_start3A_83 = arith.constant 0 : i32
      %dma_start3A_84 = tpu.memref_slice %arg5[%dma_start3A_83] : memref<1600000xf32, #tpu.memory_space<hbm>> -> memref<1600000xf32, #tpu.memory_space<hbm>>
      tpu.enqueue_indirect_dma source(%dma_start3A_84 : memref<1600000xf32, #tpu.memory_space<hbm>>) target(%dma_start3A : memref<128xf32, #tpu.memory_space<vmem>>) offsets(%dma_start3A_82 : memref<128xi32, #tpu.memory_space<vmem>>) semaphore(%arg16 : memref<!tpu.dma_semaphore, #tpu.memory_space<semaphore_mem>>)
      %mul3A_85 = arith.constant 8 : i32
      %mul3A_86 = arith.muli %add3A_75, %mul3A_85 : i32
      %add3A_87 = arith.constant 1 : i32
      %add3A_88 = arith.addi %mul3A_86, %add3A_87 : i32
      %mul3A_89 = arith.constant 128 : i32
      %mul3A_90 = arith.muli %add3A_88, %mul3A_89 : i32
      %dma_start3A_91 = tpu.memref_slice %arg12[%mul3A_90] : memref<8192xf32, #tpu.memory_space<vmem>> -> memref<128xf32, #tpu.memory_space<vmem>>
      %dma_start3A_92 = tpu.memref_slice %arg11[%mul3A_90] : memref<8192xi32, #tpu.memory_space<vmem>> -> memref<128xi32, #tpu.memory_space<vmem>>
      %dma_start3A_93 = arith.constant 0 : i32
      %dma_start3A_94 = tpu.memref_slice %arg5[%dma_start3A_93] : memref<1600000xf32, #tpu.memory_space<hbm>> -> memref<1600000xf32, #tpu.memory_space<hbm>>
      tpu.enqueue_indirect_dma source(%dma_start3A_94 : memref<1600000xf32, #tpu.memory_space<hbm>>) target(%dma_start3A_91 : memref<128xf32, #tpu.memory_space<vmem>>) offsets(%dma_start3A_92 : memref<128xi32, #tpu.memory_space<vmem>>) semaphore(%arg16 : memref<!tpu.dma_semaphore, #tpu.memory_space<semaphore_mem>>)
      %mul3A_95 = arith.constant 8 : i32
      %mul3A_96 = arith.muli %add3A_75, %mul3A_95 : i32
      %add3A_97 = arith.constant 2 : i32
      %add3A_98 = arith.addi %mul3A_96, %add3A_97 : i32
      %mul3A_99 = arith.constant 128 : i32
      %mul3A_100 = arith.muli %add3A_98, %mul3A_99 : i32
      %dma_start3A_101 = tpu.memref_slice %arg12[%mul3A_100] : memref<8192xf32, #tpu.memory_space<vmem>> -> memref<128xf32, #tpu.memory_space<vmem>>
      %dma_start3A_102 = tpu.memref_slice %arg11[%mul3A_100] : memref<8192xi32, #tpu.memory_space<vmem>> -> memref<128xi32, #tpu.memory_space<vmem>>
      %dma_start3A_103 = arith.constant 0 : i32
      %dma_start3A_104 = tpu.memref_slice %arg5[%dma_start3A_103] : memref<1600000xf32, #tpu.memory_space<hbm>> -> memref<1600000xf32, #tpu.memory_space<hbm>>
      tpu.enqueue_indirect_dma source(%dma_start3A_104 : memref<1600000xf32, #tpu.memory_space<hbm>>) target(%dma_start3A_101 : memref<128xf32, #tpu.memory_space<vmem>>) offsets(%dma_start3A_102 : memref<128xi32, #tpu.memory_space<vmem>>) semaphore(%arg16 : memref<!tpu.dma_semaphore, #tpu.memory_space<semaphore_mem>>)
      %mul3A_105 = arith.constant 8 : i32
      %mul3A_106 = arith.muli %add3A_75, %mul3A_105 : i32
      %add3A_107 = arith.constant 3 : i32
      %add3A_108 = arith.addi %mul3A_106, %add3A_107 : i32
      %mul3A_109 = arith.constant 128 : i32
      %mul3A_110 = arith.muli %add3A_108, %mul3A_109 : i32
      %dma_start3A_111 = tpu.memref_slice %arg12[%mul3A_110] : memref<8192xf32, #tpu.memory_space<vmem>> -> memref<128xf32, #tpu.memory_space<vmem>>
      %dma_start3A_112 = tpu.memref_slice %arg11[%mul3A_110] : memref<8192xi32, #tpu.memory_space<vmem>> -> memref<128xi32, #tpu.memory_space<vmem>>
      %dma_start3A_113 = arith.constant 0 : i32
      %dma_start3A_114 = tpu.memref_slice %arg5[%dma_start3A_113] : memref<1600000xf32, #tpu.memory_space<hbm>> -> memref<1600000xf32, #tpu.memory_space<hbm>>
      tpu.enqueue_indirect_dma source(%dma_start3A_114 : memref<1600000xf32, #tpu.memory_space<hbm>>) target(%dma_start3A_111 : memref<128xf32, #tpu.memory_space<vmem>>) offsets(%dma_start3A_112 : memref<128xi32, #tpu.memory_space<vmem>>) semaphore(%arg16 : memref<!tpu.dma_semaphore, #tpu.memory_space<semaphore_mem>>)
      %mul3A_115 = arith.constant 8 : i32
      %mul3A_116 = arith.muli %add3A_75, %mul3A_115 : i32
      %add3A_117 = arith.constant 4 : i32
      %add3A_118 = arith.addi %mul3A_116, %add3A_117 : i32
      %mul3A_119 = arith.constant 128 : i32
      %mul3A_120 = arith.muli %add3A_118, %mul3A_119 : i32
      %dma_start3A_121 = tpu.memref_slice %arg12[%mul3A_120] : memref<8192xf32, #tpu.memory_space<vmem>> -> memref<128xf32, #tpu.memory_space<vmem>>
      %dma_start3A_122 = tpu.memref_slice %arg11[%mul3A_120] : memref<8192xi32, #tpu.memory_space<vmem>> -> memref<128xi32, #tpu.memory_space<vmem>>
      %dma_start3A_123 = arith.constant 0 : i32
      %dma_start3A_124 = tpu.memref_slice %arg5[%dma_start3A_123] : memref<1600000xf32, #tpu.memory_space<hbm>> -> memref<1600000xf32, #tpu.memory_space<hbm>>
      tpu.enqueue_indirect_dma source(%dma_start3A_124 : memref<1600000xf32, #tpu.memory_space<hbm>>) target(%dma_start3A_121 : memref<128xf32, #tpu.memory_space<vmem>>) offsets(%dma_start3A_122 : memref<128xi32, #tpu.memory_space<vmem>>) semaphore(%arg16 : memref<!tpu.dma_semaphore, #tpu.memory_space<semaphore_mem>>)
      %mul3A_125 = arith.constant 8 : i32
      %mul3A_126 = arith.muli %add3A_75, %mul3A_125 : i32
      %add3A_127 = arith.constant 5 : i32
      %add3A_128 = arith.addi %mul3A_126, %add3A_127 : i32
      %mul3A_129 = arith.constant 128 : i32
      %mul3A_130 = arith.muli %add3A_128, %mul3A_129 : i32
      %dma_start3A_131 = tpu.memref_slice %arg12[%mul3A_130] : memref<8192xf32, #tpu.memory_space<vmem>> -> memref<128xf32, #tpu.memory_space<vmem>>
      %dma_start3A_132 = tpu.memref_slice %arg11[%mul3A_130] : memref<8192xi32, #tpu.memory_space<vmem>> -> memref<128xi32, #tpu.memory_space<vmem>>
      %dma_start3A_133 = arith.constant 0 : i32
      %dma_start3A_134 = tpu.memref_slice %arg5[%dma_start3A_133] : memref<1600000xf32, #tpu.memory_space<hbm>> -> memref<1600000xf32, #tpu.memory_space<hbm>>
      tpu.enqueue_indirect_dma source(%dma_start3A_134 : memref<1600000xf32, #tpu.memory_space<hbm>>) target(%dma_start3A_131 : memref<128xf32, #tpu.memory_space<vmem>>) offsets(%dma_start3A_132 : memref<128xi32, #tpu.memory_space<vmem>>) semaphore(%arg16 : memref<!tpu.dma_semaphore, #tpu.memory_space<semaphore_mem>>)
      %mul3A_135 = arith.constant 8 : i32
      %mul3A_136 = arith.muli %add3A_75, %mul3A_135 : i32
      %add3A_137 = arith.constant 6 : i32
      %add3A_138 = arith.addi %mul3A_136, %add3A_137 : i32
      %mul3A_139 = arith.constant 128 : i32
      %mul3A_140 = arith.muli %add3A_138, %mul3A_139 : i32
      %dma_start3A_141 = tpu.memref_slice %arg12[%mul3A_140] : memref<8192xf32, #tpu.memory_space<vmem>> -> memref<128xf32, #tpu.memory_space<vmem>>
      %dma_start3A_142 = tpu.memref_slice %arg11[%mul3A_140] : memref<8192xi32, #tpu.memory_space<vmem>> -> memref<128xi32, #tpu.memory_space<vmem>>
      %dma_start3A_143 = arith.constant 0 : i32
      %dma_start3A_144 = tpu.memref_slice %arg5[%dma_start3A_143] : memref<1600000xf32, #tpu.memory_space<hbm>> -> memref<1600000xf32, #tpu.memory_space<hbm>>
      tpu.enqueue_indirect_dma source(%dma_start3A_144 : memref<1600000xf32, #tpu.memory_space<hbm>>) target(%dma_start3A_141 : memref<128xf32, #tpu.memory_space<vmem>>) offsets(%dma_start3A_142 : memref<128xi32, #tpu.memory_space<vmem>>) semaphore(%arg16 : memref<!tpu.dma_semaphore, #tpu.memory_space<semaphore_mem>>)
      %mul3A_145 = arith.constant 8 : i32
      %mul3A_146 = arith.muli %add3A_75, %mul3A_145 : i32
      %add3A_147 = arith.constant 7 : i32
      %add3A_148 = arith.addi %mul3A_146, %add3A_147 : i32
      %mul3A_149 = arith.constant 128 : i32
      %mul3A_150 = arith.muli %add3A_148, %mul3A_149 : i32
      %dma_start3A_151 = tpu.memref_slice %arg12[%mul3A_150] : memref<8192xf32, #tpu.memory_space<vmem>> -> memref<128xf32, #tpu.memory_space<vmem>>
      %dma_start3A_152 = tpu.memref_slice %arg11[%mul3A_150] : memref<8192xi32, #tpu.memory_space<vmem>> -> memref<128xi32, #tpu.memory_space<vmem>>
      %dma_start3A_153 = arith.constant 0 : i32
      %dma_start3A_154 = tpu.memref_slice %arg5[%dma_start3A_153] : memref<1600000xf32, #tpu.memory_space<hbm>> -> memref<1600000xf32, #tpu.memory_space<hbm>>
      tpu.enqueue_indirect_dma source(%dma_start3A_154 : memref<1600000xf32, #tpu.memory_space<hbm>>) target(%dma_start3A_151 : memref<128xf32, #tpu.memory_space<vmem>>) offsets(%dma_start3A_152 : memref<128xi32, #tpu.memory_space<vmem>>) semaphore(%arg16 : memref<!tpu.dma_semaphore, #tpu.memory_space<semaphore_mem>>)
      %dma_wait3A = tpu.memref_slice %arg12[%mul3A_81] : memref<8192xf32, #tpu.memory_space<vmem>> -> memref<128xf32, #tpu.memory_space<vmem>>
      %dma_wait3A_155 = tpu.memref_slice %arg11[%mul3A_81] : memref<8192xi32, #tpu.memory_space<vmem>> -> memref<128xi32, #tpu.memory_space<vmem>>
      %dma_wait3A_156 = arith.constant 0 : i32
      %dma_wait3A_157 = tpu.memref_slice %arg5[%dma_wait3A_156] : memref<1600000xf32, #tpu.memory_space<hbm>> -> memref<1600000xf32, #tpu.memory_space<hbm>>
      tpu.wait_indirect_dma semaphore(%arg16 : memref<!tpu.dma_semaphore, #tpu.memory_space<semaphore_mem>>) src(%dma_wait3A_157 : memref<1600000xf32, #tpu.memory_space<hbm>>) dst(%dma_wait3A : memref<128xf32, #tpu.memory_space<vmem>>)
      %dma_wait3A_158 = tpu.memref_slice %arg12[%mul3A_90] : memref<8192xf32, #tpu.memory_space<vmem>> -> memref<128xf32, #tpu.memory_space<vmem>>
      %dma_wait3A_159 = tpu.memref_slice %arg11[%mul3A_90] : memref<8192xi32, #tpu.memory_space<vmem>> -> memref<128xi32, #tpu.memory_space<vmem>>
      %dma_wait3A_160 = arith.constant 0 : i32
      %dma_wait3A_161 = tpu.memref_slice %arg5[%dma_wait3A_160] : memref<1600000xf32, #tpu.memory_space<hbm>> -> memref<1600000xf32, #tpu.memory_space<hbm>>
      tpu.wait_indirect_dma semaphore(%arg16 : memref<!tpu.dma_semaphore, #tpu.memory_space<semaphore_mem>>) src(%dma_wait3A_161 : memref<1600000xf32, #tpu.memory_space<hbm>>) dst(%dma_wait3A_158 : memref<128xf32, #tpu.memory_space<vmem>>)
      %dma_wait3A_162 = tpu.memref_slice %arg12[%mul3A_100] : memref<8192xf32, #tpu.memory_space<vmem>> -> memref<128xf32, #tpu.memory_space<vmem>>
      %dma_wait3A_163 = tpu.memref_slice %arg11[%mul3A_100] : memref<8192xi32, #tpu.memory_space<vmem>> -> memref<128xi32, #tpu.memory_space<vmem>>
      %dma_wait3A_164 = arith.constant 0 : i32
      %dma_wait3A_165 = tpu.memref_slice %arg5[%dma_wait3A_164] : memref<1600000xf32, #tpu.memory_space<hbm>> -> memref<1600000xf32, #tpu.memory_space<hbm>>
      tpu.wait_indirect_dma semaphore(%arg16 : memref<!tpu.dma_semaphore, #tpu.memory_space<semaphore_mem>>) src(%dma_wait3A_165 : memref<1600000xf32, #tpu.memory_space<hbm>>) dst(%dma_wait3A_162 : memref<128xf32, #tpu.memory_space<vmem>>)
      %dma_wait3A_166 = tpu.memref_slice %arg12[%mul3A_110] : memref<8192xf32, #tpu.memory_space<vmem>> -> memref<128xf32, #tpu.memory_space<vmem>>
      %dma_wait3A_167 = tpu.memref_slice %arg11[%mul3A_110] : memref<8192xi32, #tpu.memory_space<vmem>> -> memref<128xi32, #tpu.memory_space<vmem>>
      %dma_wait3A_168 = arith.constant 0 : i32
      %dma_wait3A_169 = tpu.memref_slice %arg5[%dma_wait3A_168] : memref<1600000xf32, #tpu.memory_space<hbm>> -> memref<1600000xf32, #tpu.memory_space<hbm>>
      tpu.wait_indirect_dma semaphore(%arg16 : memref<!tpu.dma_semaphore, #tpu.memory_space<semaphore_mem>>) src(%dma_wait3A_169 : memref<1600000xf32, #tpu.memory_space<hbm>>) dst(%dma_wait3A_166 : memref<128xf32, #tpu.memory_space<vmem>>)
      %dma_wait3A_170 = tpu.memref_slice %arg12[%mul3A_120] : memref<8192xf32, #tpu.memory_space<vmem>> -> memref<128xf32, #tpu.memory_space<vmem>>
      %dma_wait3A_171 = tpu.memref_slice %arg11[%mul3A_120] : memref<8192xi32, #tpu.memory_space<vmem>> -> memref<128xi32, #tpu.memory_space<vmem>>
      %dma_wait3A_172 = arith.constant 0 : i32
      %dma_wait3A_173 = tpu.memref_slice %arg5[%dma_wait3A_172] : memref<1600000xf32, #tpu.memory_space<hbm>> -> memref<1600000xf32, #tpu.memory_space<hbm>>
      tpu.wait_indirect_dma semaphore(%arg16 : memref<!tpu.dma_semaphore, #tpu.memory_space<semaphore_mem>>) src(%dma_wait3A_173 : memref<1600000xf32, #tpu.memory_space<hbm>>) dst(%dma_wait3A_170 : memref<128xf32, #tpu.memory_space<vmem>>)
      %dma_wait3A_174 = tpu.memref_slice %arg12[%mul3A_130] : memref<8192xf32, #tpu.memory_space<vmem>> -> memref<128xf32, #tpu.memory_space<vmem>>
      %dma_wait3A_175 = tpu.memref_slice %arg11[%mul3A_130] : memref<8192xi32, #tpu.memory_space<vmem>> -> memref<128xi32, #tpu.memory_space<vmem>>
      %dma_wait3A_176 = arith.constant 0 : i32
      %dma_wait3A_177 = tpu.memref_slice %arg5[%dma_wait3A_176] : memref<1600000xf32, #tpu.memory_space<hbm>> -> memref<1600000xf32, #tpu.memory_space<hbm>>
      tpu.wait_indirect_dma semaphore(%arg16 : memref<!tpu.dma_semaphore, #tpu.memory_space<semaphore_mem>>) src(%dma_wait3A_177 : memref<1600000xf32, #tpu.memory_space<hbm>>) dst(%dma_wait3A_174 : memref<128xf32, #tpu.memory_space<vmem>>)
      %dma_wait3A_178 = tpu.memref_slice %arg12[%mul3A_140] : memref<8192xf32, #tpu.memory_space<vmem>> -> memref<128xf32, #tpu.memory_space<vmem>>
      %dma_wait3A_179 = tpu.memref_slice %arg11[%mul3A_140] : memref<8192xi32, #tpu.memory_space<vmem>> -> memref<128xi32, #tpu.memory_space<vmem>>
      %dma_wait3A_180 = arith.constant 0 : i32
      %dma_wait3A_181 = tpu.memref_slice %arg5[%dma_wait3A_180] : memref<1600000xf32, #tpu.memory_space<hbm>> -> memref<1600000xf32, #tpu.memory_space<hbm>>
      tpu.wait_indirect_dma semaphore(%arg16 : memref<!tpu.dma_semaphore, #tpu.memory_space<semaphore_mem>>) src(%dma_wait3A_181 : memref<1600000xf32, #tpu.memory_space<hbm>>) dst(%dma_wait3A_178 : memref<128xf32, #tpu.memory_space<vmem>>)
      %dma_wait3A_182 = tpu.memref_slice %arg12[%mul3A_150] : memref<8192xf32, #tpu.memory_space<vmem>> -> memref<128xf32, #tpu.memory_space<vmem>>
      %dma_wait3A_183 = tpu.memref_slice %arg11[%mul3A_150] : memref<8192xi32, #tpu.memory_space<vmem>> -> memref<128xi32, #tpu.memory_space<vmem>>
      %dma_wait3A_184 = arith.constant 0 : i32
      %dma_wait3A_185 = tpu.memref_slice %arg5[%dma_wait3A_184] : memref<1600000xf32, #tpu.memory_space<hbm>> -> memref<1600000xf32, #tpu.memory_space<hbm>>
      tpu.wait_indirect_dma semaphore(%arg16 : memref<!tpu.dma_semaphore, #tpu.memory_space<semaphore_mem>>) src(%dma_wait3A_185 : memref<1600000xf32, #tpu.memory_space<hbm>>) dst(%dma_wait3A_182 : memref<128xf32, #tpu.memory_space<vmem>>)
    }
    %scan3A_65 = arith.constant 8 : i32
    %scan3A_66 = arith.constant 0 : i32
    %scan3A_67 = arith.constant 32 : i32
    %scan3A_68 = arith.addi %scan3A_66, %scan3A_67 : i32
    %scan3A_69 = arith.constant 1 : i32
    scf.for %scan3A_71 = %scan3A_66 to %scan3A_68 step %scan3A_69  : i32 {
      %mul3A_72 = arith.constant 1 : i32
      %mul3A_73 = arith.muli %scan3A_71, %mul3A_72 : i32
      %add3A_74 = arith.constant 0 : i32
      %add3A_75 = arith.addi %add3A_74, %mul3A_73 : i32
      %broadcast_in_dim3A = arith.constant 0.000000e+00 : f32
      %broadcast_in_dim3A_76 = vector.broadcast %broadcast_in_dim3A : f32 to vector<16xf32>
      %scan3A_77 = arith.constant 0 : i32
      %scan3A_78 = arith.constant 16 : i32
      %scan3A_79 = arith.addi %scan3A_77, %scan3A_78 : i32
      %scan3A_80 = arith.constant 1 : i32
      %scan3A_81 = scf.for %scan3A_84 = %scan3A_77 to %scan3A_79 step %scan3A_80 iter_args(%scan3A_85 = %broadcast_in_dim3A_76) -> (vector<16xf32>)  : i32 {
        %mul3A_86 = arith.constant 256 : i32
        %mul3A_87 = arith.muli %add3A_75, %mul3A_86 : i32
        %mul3A_88 = arith.constant 16 : i32
        %mul3A_89 = arith.muli %scan3A_84, %mul3A_88 : i32
        %add3A_90 = arith.addi %mul3A_87, %mul3A_89 : i32
        %get3A = arith.index_cast %add3A_90 : i32 to index
        %get3A_91 = tpu.vector_load %arg12[%get3A] {strides = array<i32>} : memref<8192xf32, #tpu.memory_space<vmem>>, vector<16xf32>,
        %broadcast_in_dim3A_92 = vector.broadcast %add3A_75 : i32 to vector<16xi32>
        %broadcast_in_dim3A_93 = vector.broadcast %scan3A_84 : i32 to vector<16xi32>
        %gather3A = tpu.vector_load_idx %arg14[%broadcast_in_dim3A_92, %broadcast_in_dim3A_93] : memref<32x16xf32, #tpu.memory_space<vmem>>[vector<16xi32>, vector<16xi32>], vector<16xf32>,
        %mul3A_94 = arith.mulf %gather3A, %get3A_91 : vector<16xf32>
        %add3A_95 = arith.addf %scan3A_85, %mul3A_94 : vector<16xf32>
        scf.yield %add3A_95 : vector<16xf32>
      }
      %scan3A_82 = arith.constant 16 : i32
      %broadcast_in_dim3A_83 = vector.broadcast %add3A_75 : i32 to vector<16xi32>
      tpu.vector_store_idx %arg15[%broadcast_in_dim3A_83, %iota3A], %scan3A_81 : memref<32x16xf32, #tpu.memory_space<vmem>>[vector<16xi32>, vector<16xi32>], vector<16xf32>,
    }
    %scan3A_70 = arith.constant 32 : i32
    "tpu.region"() ({
      %run_scoped3A = tpu.sem_alloc : memref<!tpu.dma_semaphore, #tpu.memory_space<semaphore_mem>>
      %dma_start3A = arith.constant 0 : i32
      %dma_start3A_71 = tpu.memref_slice %arg6[%mul3A_2, %dma_start3A] : memref<1024x16xf32, #tpu.memory_space<hbm>> -> memref<32x16xf32, #tpu.memory_space<hbm>>
      %dma_start3A_72 = arith.constant 0 : i32
      %dma_start3A_73 = tpu.memref_slice %arg6[%mul3A_2, %dma_start3A_72] : memref<1024x16xf32, #tpu.memory_space<hbm>> -> memref<32x16xf32, #tpu.memory_space<hbm>>
      tpu.enqueue_dma source(%arg15 : memref<32x16xf32, #tpu.memory_space<vmem>>) target(%dma_start3A_73 : memref<32x16xf32, #tpu.memory_space<hbm>>) target_semaphore(%run_scoped3A : memref<!tpu.dma_semaphore, #tpu.memory_space<semaphore_mem>>)
      %dma_wait3A = arith.constant 0 : i32
      %dma_wait3A_74 = tpu.memref_slice %arg6[%mul3A_2, %dma_wait3A] : memref<1024x16xf32, #tpu.memory_space<hbm>> -> memref<32x16xf32, #tpu.memory_space<hbm>>
      %dma_wait3A_75 = arith.constant 0 : i32
      %dma_wait3A_76 = tpu.memref_slice %arg6[%mul3A_2, %dma_wait3A_75] : memref<1024x16xf32, #tpu.memory_space<hbm>> -> memref<32x16xf32, #tpu.memory_space<hbm>>
      tpu.wait_dma2 semaphore(%run_scoped3A : memref<!tpu.dma_semaphore, #tpu.memory_space<semaphore_mem>>) src(%arg15 : memref<32x16xf32, #tpu.memory_space<vmem>>) dst(%dma_wait3A_76 : memref<32x16xf32, #tpu.memory_space<hbm>>)
      tpu.yield
    }) : () -> ()
    return
  }
}

module attributes {stable_mosaic.version = 14 : i64} {
  func.func @_tc_body(%arg0: i32, %arg1: memref<1024x512xf32, #tpu.memory_space<vmem>>, %arg2: memref<512x128xf32, #tpu.memory_space<vmem>>, %arg3: memref<2048x128xf32, #tpu.memory_space<vmem>>, %arg4: memref<2048x1024xf32, #tpu.memory_space<vmem>>, %arg5: memref<128x1024xf32, #tpu.memory_space<vmem>>, %arg6: memref<8x1024xf32, #tpu.memory_space<vmem>>, %arg7: memref<128x1024xf32, #tpu.memory_space<vmem>>) attributes {dimension_semantics = [#tpu.dimension_semantics<arbitrary>], iteration_bounds = array<i64: 50>, scalar_prefetch = 0 : i64, scratch_operands = 1 : i64, tpu.core_type = #tpu.core_type<tc>, window_params = [{pipeline_mode = #tpu.pipeline_mode<synchronous>, transform_indices = @transform_0, window_bounds = array<i64: 1024, 512>}, {pipeline_mode = #tpu.pipeline_mode<synchronous>, transform_indices = @transform_1, window_bounds = array<i64: 512, 128>}, {transform_indices = @transform_2, window_bounds = array<i64: 2048, 128>}, {transform_indices = @transform_3, window_bounds = array<i64: 2048, 1024>}, {transform_indices = @transform_4, window_bounds = array<i64: 128, 1024>}, {transform_indices = @transform_5, window_bounds = array<i64: 8, 1024>}]} {
    %eq3A = arith.constant 0 : i32
    %eq3A_0 = arith.cmpi eq, %arg0, %eq3A : i32
    %convert_element_type3A = arith.extui %eq3A_0 : i1 to i32
    %cond3A = arith.constant 0 : i32
    %cond3A_1 = arith.cmpi ne, %convert_element_type3A, %cond3A : i32
    scf.if %cond3A_1 {
      %get3A_30 = arith.constant 0 : index
      %get3A_31 = arith.constant 0 : index
      %get3A_32 = vector.load %arg2[%get3A_30, %get3A_31] : memref<512x128xf32, #tpu.memory_space<vmem>>, vector<512x128xf32>
      %get3A_33 = arith.constant 0 : index
      %get3A_34 = arith.constant 0 : index
      %get3A_35 = vector.load %arg1[%get3A_33, %get3A_34] : memref<1024x512xf32, #tpu.memory_space<vmem>>, vector<1024x512xf32>
      %dot_general3A_36 = arith.constant dense<0.000000e+00> : vector<128x1024xf32>
      %dot_general3A_37 = tpu.matmul %get3A_32, %get3A_35, %dot_general3A_36 {dimension_numbers = #tpu.dot_dimension_numbers<[0], [1], [1], [0], [0, 1, 1, 0], [], []>, transpose_lhs_hint = false} : vector<512x128xf32>, vector<1024x512xf32>, vector<128x1024xf32> -> vector<128x1024xf32>
      %swap3A_38 = arith.constant 0 : index
      %swap3A_39 = arith.constant 0 : index
      %swap3A_40 = vector.load %arg7[%swap3A_38, %swap3A_39] : memref<128x1024xf32, #tpu.memory_space<vmem>>, vector<128x1024xf32>
      tpu.vector_store %arg7[%swap3A_38, %swap3A_39], %dot_general3A_37 {strides = array<i32>} : memref<128x1024xf32, #tpu.memory_space<vmem>>, vector<128x1024xf32>,
    } else {
    }
    %get3A = arith.constant 0 : index
    %get3A_2 = arith.constant 0 : index
    %get3A_3 = vector.load %arg7[%get3A, %get3A_2] : memref<128x1024xf32, #tpu.memory_space<vmem>>, vector<128x1024xf32>
    %mul3A = arith.mulf %get3A_3, %get3A_3 : vector<128x1024xf32>
    %reduce_sum3A = arith.constant dense<0.000000e+00> : vector<1024xf32>
    %reduce_sum3A_4 = vector.multi_reduction <add>, %mul3A, %reduce_sum3A [0] : vector<128x1024xf32> to vector<1024xf32>
    %broadcast_in_dim3A = vector.shape_cast %reduce_sum3A_4 : vector<1024xf32> to vector<1x1024xf32>
    %get3A_5 = arith.constant 0 : index
    %get3A_6 = arith.constant 0 : index
    %get3A_7 = vector.load %arg3[%get3A_5, %get3A_6] : memref<2048x128xf32, #tpu.memory_space<vmem>>, vector<2048x128xf32>
    %mul3A_8 = arith.mulf %get3A_7, %get3A_7 : vector<2048x128xf32>
    %reduce_sum3A_9 = arith.constant dense<0.000000e+00> : vector<2048xf32>
    %reduce_sum3A_10 = vector.multi_reduction <add>, %mul3A_8, %reduce_sum3A_9 [1] : vector<2048x128xf32> to vector<2048xf32>
    %broadcast_in_dim3A_11 = vector.shape_cast %reduce_sum3A_10 : vector<2048xf32> to vector<2048x1xf32>
    %dot_general3A = arith.constant dense<0.000000e+00> : vector<2048x1024xf32>
    %dot_general3A_12 = tpu.matmul %get3A_7, %get3A_3, %dot_general3A {dimension_numbers = #tpu.dot_dimension_numbers<[1], [0], [0], [1], [0, 0, 1, 1], [], []>, transpose_lhs_hint = false} : vector<2048x128xf32>, vector<128x1024xf32>, vector<2048x1024xf32> -> vector<2048x1024xf32>
    %add3A = vector.broadcast %broadcast_in_dim3A_11 : vector<2048x1xf32> to vector<2048x1024xf32>
    %add3A_13 = vector.broadcast %broadcast_in_dim3A : vector<1x1024xf32> to vector<2048x1024xf32>
    %add3A_14 = arith.addf %add3A, %add3A_13 : vector<2048x1024xf32>
    %mul3A_15 = arith.constant 2.000000e+00 : f32
    %mul3A_16 = vector.broadcast %mul3A_15 : f32 to vector<2048x1024xf32>
    %mul3A_17 = arith.mulf %mul3A_16, %dot_general3A_12 : vector<2048x1024xf32>
    %sub3A = arith.subf %add3A_14, %mul3A_17 : vector<2048x1024xf32>
    %swap3A = arith.constant 0 : index
    %swap3A_18 = arith.constant 0 : index
    %swap3A_19 = vector.load %arg4[%swap3A, %swap3A_18] : memref<2048x1024xf32, #tpu.memory_space<vmem>>, vector<2048x1024xf32>
    tpu.vector_store %arg4[%swap3A, %swap3A_18], %sub3A {strides = array<i32>} : memref<2048x1024xf32, #tpu.memory_space<vmem>>, vector<2048x1024xf32>,
    %reshape3A = vector.shape_cast %sub3A : vector<2048x1024xf32> to vector<128x16x1024xf32>
    %reduce_min3A = arith.constant dense<0x7F800000> : vector<128x1024xf32>
    %reduce_min3A_20 = vector.multi_reduction <minimumf>, %reshape3A, %reduce_min3A [1] : vector<128x16x1024xf32> to vector<128x1024xf32>
    %swap3A_21 = arith.constant 0 : index
    %swap3A_22 = arith.constant 0 : index
    %swap3A_23 = vector.load %arg5[%swap3A_21, %swap3A_22] : memref<128x1024xf32, #tpu.memory_space<vmem>>, vector<128x1024xf32>
    tpu.vector_store %arg5[%swap3A_21, %swap3A_22], %reduce_min3A_20 {strides = array<i32>} : memref<128x1024xf32, #tpu.memory_space<vmem>>, vector<128x1024xf32>,
    %reshape3A_24 = vector.shape_cast %reduce_min3A_20 : vector<128x1024xf32> to vector<8x16x1024xf32>
    %reduce_min3A_25 = arith.constant dense<0x7F800000> : vector<8x1024xf32>
    %reduce_min3A_26 = vector.multi_reduction <minimumf>, %reshape3A_24, %reduce_min3A_25 [1] : vector<8x16x1024xf32> to vector<8x1024xf32>
    %swap3A_27 = arith.constant 0 : index
    %swap3A_28 = arith.constant 0 : index
    %swap3A_29 = vector.load %arg6[%swap3A_27, %swap3A_28] : memref<8x1024xf32, #tpu.memory_space<vmem>>, vector<8x1024xf32>
    tpu.vector_store %arg6[%swap3A_27, %swap3A_28], %reduce_min3A_26 {strides = array<i32>} : memref<8x1024xf32, #tpu.memory_space<vmem>>, vector<8x1024xf32>,
    return
  }
  func.func @transform_0(%arg0: i32) -> (i32, i32) {
    %c0_i32 = arith.constant 0 : i32
    %c0_i32_0 = arith.constant 0 : i32
    %c0_i32_1 = arith.constant 0 : i32
    return %c0_i32, %c0_i32_0 : i32, i32
  }
  func.func @transform_1(%arg0: i32) -> (i32, i32) {
    %c0_i32 = arith.constant 0 : i32
    %c0_i32_0 = arith.constant 0 : i32
    %c0_i32_1 = arith.constant 0 : i32
    return %c0_i32, %c0_i32_0 : i32, i32
  }
  func.func @transform_2(%arg0: i32) -> (i32, i32) {
    %c0_i32 = arith.constant 0 : i32
    %c0_i32_0 = arith.constant 0 : i32
    return %arg0, %c0_i32 : i32, i32
  }
  func.func @transform_3(%arg0: i32) -> (i32, i32) {
    %c0_i32 = arith.constant 0 : i32
    %c0_i32_0 = arith.constant 0 : i32
    return %arg0, %c0_i32 : i32, i32
  }
  func.func @transform_4(%arg0: i32) -> (i32, i32) {
    %c0_i32 = arith.constant 0 : i32
    %c0_i32_0 = arith.constant 0 : i32
    return %arg0, %c0_i32 : i32, i32
  }
  func.func @transform_5(%arg0: i32) -> (i32, i32) {
    %c0_i32 = arith.constant 0 : i32
    %c0_i32_0 = arith.constant 0 : i32
    return %arg0, %c0_i32 : i32, i32
  }
}

</mosaic_0001>

<sc_bundles>
// kernel: kernel.4.cloned.1.call-start
scs
__scs_entry_jumppad:
0x0: {  	(pc) =	sbr.rel $0x88, $3  }
0x1: {  	(tag) =	ssettag $0x0;
	lr =	simm.s32 $0x1  }
0x2: {  	[smem:$0x3F9D] =	sst lr;
	_ =	strace $0xD0000000  }
0x3: {  	_ = 	snop  }
0x4: {  	_ = 	snop  }
0x5: {  	_ = 	snop  }
0x6: {  	_ = 	snop  }
0x7: {  	_ = 	snop  }
__scs_overlays_trampoline_lowered:
0x8: {  	[smem:$0x3FAC] =	sst s0  }
0x9: {  	[smem:$0x3FAD] =	sst s1  }
0xa: {  	[smem:$0x3FAE] =	sst s2  }
0xb: {  	[smem:$0x3FAF] =	sst s3  }
0xc: {  	[smem:$0x3FB0] =	sst s4  }
0xd: {  	[smem:$0x3FB1] =	sst s5  }
0xe: {  	[smem:$0x3FB2] =	sst s6  }
0xf: {  	[smem:$0x3FB3] =	sst s7  }
0x10: {  	[smem:$0x3FB4] =	sst s8  }
0x11: {  	[smem:$0x3FB5] =	sst s9;
	s0 =	simm.s32 @!p0 $0x0  }
0x12: {  	s1 =	sld [smem:$0x3F9B];
	s0 =	simm.s32 @p0 $0x1  }
0x13: {  	[smem:$0x3FB6] =	sst s0;
	s0 =	simm.s32 @!p1 $0x0  }
0x14: {  	s2 =	sld [smem:$0x3F9A];
	s0 =	simm.s32 @p1 $0x1  }
0x15: {  	[smem:$0x3FB7] =	sst s0;
	s0 =	simm.s32 @!p2 $0x0  }
0x16: {  	s3 =	sld [smem:$0x3FDB];
	s0 =	simm.s32 @p2 $0x1  }
0x17: {  	s4 =	simm.s32 $0x1BF5;
	[smem:$0x3FB9] =	sst s0  }
0x18: {  	s0 =	sld [smem:$0x3F9C];
	_ =	swait.ge [sflag:s4], $0x0  }
0x19: {  	s7 =	sld [smem:$0x3F9D]  }
0x1a: {  	s8 =	sadd.s32 $0xFFFFE003, lr  }
0x1b: {  	s9 =	sadd.s32 $0xFFFFFEF7, lr;
	s5 =	simm.s32 $0xFFFFFFFF;
	p2 =	slt.u32 s8, $0xFFFFF086  }
0x1c: {  	p1 =	slt.u32 s9, $0xF7A;
	s5 =	simm.s32 @!p2 $0x0  }
0x1d: {  	s5 =	simm.s32 @p1 $0x1;
	p0 =	seq.s32 s7, s2  }
0x1e: {  	s7 =	smul.u32 @!p0 $0xF7A, s2;
	p2 =	seq.s32 @!p0 s5, $0x0  }
0x1f: {  	s9 =	smul.u32 $0xF7A, s1;
	s8 =	simm.s32 @!p0 $0x1BF5;
	p2 =	por !p2, p0  }
0x20: {  	[sflag:s8] =	ssyncset.s32 @!p0 $0xFFFFF086;
	s6 =	sadd.s32 @!p0 s3, s7;
	s7 =	simm.s32 @!p0 $0x108  }
0x21: {  	s3 =	sadd.s32 s3, s9;
	s6 =	sadd.s32 @!p0 $0x88, s6;
	s7 =	simm.s32 @p2 $0x1082  }
0x22: {  	[simem:s7], [sflag:s8] =	dma.local @!p0 [hbm:s6], $0xF7A  }
0x23: {  	s9 =	sor.u32 $0xD0000000, s2;
	s6 =	simm.s32 $0x108;
	_ =	swait.ge @!p0 [sflag:s8], $0x0  }
0x24: {  	s3 =	sadd.s32 $0x88, s3;
	s6 =	simm.s32 @!p1 $0x1082;
	[sflag:s4] =	ssyncset.s32 $0xFFFFF086  }
0x25: {  	[simem:s6], [sflag:s4] =	dma.local [hbm:s3], $0xF7A  }
0x26: {  	[smem:$0x3F9D] =	sst s1;
	(tag) =	ssettag s2;
	_ =	strace s9  }
0x27: {  	s1 =	sld [smem:$0x3FAD]  }
0x28: {  	s2 =	sld [smem:$0x3FAE]  }
0x29: {  	s4 =	sld [smem:$0x3FB0]  }
0x2a: {  	p0 =	seq.s32 s5, $0x0;
	s5 =	sld [smem:$0x3FB1]  }
0x2b: {  	s6 =	sld [smem:$0x3FB2]  }
0x2c: {  	s7 =	sld [smem:$0x3FB3]  }
0x2d: {  	s3 =	simm.s32 $0x108;
	s8 =	sld [smem:$0x3FB4]  }
0x2e: {  	s3 =	simm.s32 @!p0 $0x1082;
	s9 =	sld [smem:$0x3FB5]  }
0x2f: {  	lr =	sadd.s32 s0, s3;
	s0 =	sld [smem:$0x3FAC]  }
0x30: {  	s3 =	sld [smem:$0x3FAF]  }
0x31: {  	[smem:$0x3FB8] =	sst s10  }
0x32: {  	s10 =	sld [smem:$0x3FB6];
	_ =	sdelay $0x3  }
0x33: {  	p0 =	seq.s32 s10, $0x1;
	s10 =	sld [smem:$0x3FB8];
	_ =	sdelay $0x3  }
0x34: {  	[smem:$0x3FB8] =	sst s10  }
0x35: {  	s10 =	sld [smem:$0x3FB7];
	_ =	sdelay $0x3  }
0x36: {  	p1 =	seq.s32 s10, $0x1;
	s10 =	sld [smem:$0x3FB8];
	_ =	sdelay $0x3  }
0x37: {  	[smem:$0x3FB8] =	sst s10  }
0x38: {  	s10 =	sld [smem:$0x3FB9]  }
0x39: {  	_ = 	snop;
	(pc) =	sbr.ind lr, $3  }
0x3a: {  	_ = 	snop  }
0x3b: {  	_ = 	snop  }
0x3c: {  	p2 =	seq.s32 s10, $0x1;
	s10 =	sld [smem:$0x3FB8]  }
0x3d: {  	_ =	shalt  }
0x3e: {  	_ =	shalt  }
0x3f: {  	_ =	shalt  }
0x40: {  	_ =	shalt  }
0x41: {  	_ =	shalt  }
0x42: {  	_ =	shalt  }
0x43: {  	_ =	shalt  }
0x44: {  	_ =	shalt  }
0x45: {  	_ =	shalt  }
0x46: {  	_ =	shalt  }
0x47: {  	_ =	shalt  }
0x48: {  	_ =	shalt  }
0x49: {  	_ =	shalt  }
0x4a: {  	_ =	shalt  }
0x4b: {  	_ =	shalt  }
0x4c: {  	_ =	shalt  }
0x4d: {  	_ =	shalt  }
0x4e: {  	_ =	shalt  }
0x4f: {  	_ =	shalt  }
0x50: {  	_ =	shalt  }
0x51: {  	_ =	shalt  }
0x52: {  	_ =	shalt  }
0x53: {  	_ =	shalt  }
0x54: {  	_ =	shalt  }
0x55: {  	_ =	shalt  }
0x56: {  	_ =	shalt  }
0x57: {  	_ =	shalt  }
0x58: {  	_ =	shalt  }
0x59: {  	_ =	shalt  }
0x5a: {  	_ =	shalt  }
0x5b: {  	_ =	shalt  }
0x5c: {  	_ =	shalt  }
0x5d: {  	_ =	shalt  }
0x5e: {  	_ =	shalt  }
0x5f: {  	_ =	shalt  }
0x60: {  	_ =	shalt  }
0x61: {  	_ =	shalt  }
0x62: {  	_ =	shalt  }
0x63: {  	_ =	shalt  }
0x64: {  	_ =	shalt  }
0x65: {  	_ =	shalt  }
0x66: {  	_ =	shalt  }
0x67: {  	_ =	shalt  }
0x68: {  	_ =	shalt  }
0x69: {  	_ =	shalt  }
0x6a: {  	_ =	shalt  }
0x6b: {  	_ =	shalt  }
0x6c: {  	_ =	shalt  }
0x6d: {  	_ =	shalt  }
0x6e: {  	_ =	shalt  }
0x6f: {  	_ =	shalt  }
0x70: {  	_ =	shalt  }
0x71: {  	_ =	shalt  }
0x72: {  	_ =	shalt  }
0x73: {  	_ =	shalt  }
0x74: {  	_ =	shalt  }
0x75: {  	_ =	shalt  }
0x76: {  	_ =	shalt  }
0x77: {  	_ =	shalt  }
0x78: {  	_ =	shalt  }
0x79: {  	_ =	shalt  }
0x7a: {  	_ =	shalt  }
0x7b: {  	_ =	shalt  }
0x7c: {  	_ =	shalt  }
0x7d: {  	_ =	shalt  }
0x7e: {  	_ =	shalt  }
0x7f: {  	_ =	shalt  }
0x80: {  	_ =	shalt  }
0x81: {  	_ =	shalt  }
0x82: {  	_ =	shalt  }
0x83: {  	_ =	shalt  }
0x84: {  	_ =	shalt  }
0x85: {  	_ =	shalt  }
0x86: {  	_ =	shalt  }
0x87: {  	_ =	shalt  }
.Lfunc_end0:
.L_simem_size_0:
called_computation.1_lowered:
.L_overlay_start_0:
0x88: {  	s2 =	sld [smem:$0x3FD9]  }
0x89: {  	s3 =	sld [smem:$0x3FFE];
	_ =	sdelay $0x1  }
0x8a: {  	s1 =	srdreg.scid  }
0x8b: {  	s0 =	sand.u32 $0x1, s1  }
0x8c: {  	s16 =	sshll.u32 s0, $0xA;
	s2 =	sadd.s32 s3, s2  }
0x8d: {  	s2 =	sadd.s32 s2, s16  }
0x8e: {  	[smem:$0x3FC4] =	sst s2  }
0x8f: {  	_ = 	snop  }
0x90: {  	(tm) =	ssettm $0x1  }
0x91: {  	s17 =	sld [smem:$0x3FFB];
	_ =	sdelay $0x3  }
0x92: {  	_ =	strace s17  }
0x93: {  	s2 =	sld [smem:$0x3FFC];
	_ =	sdelay $0x3  }
0x94: {  	_ =	strace s2  }
0x95: {  	s2 =	sld [smem:$0x3FFD];
	_ =	sdelay $0x3  }
0x96: {  	_ =	strace s2  }
0x97: {  	_ =	strace $0x8FFFFFFF  }
0x98: {  	s18 =	sld [smem:$0x3FDB];
	_ =	sdelay $0x1  }
0x99: {  	s19 =	simm.s32 $_scs_section_size  }
0x9a: {  	s4 =	simm.s32 $_size__tile_overlayer_lowered;
	s5 =	simm.s32 $_tile_overlayer_lowered  }
0x9b: {  	s22 =	simm.s32 $0x1BFF;
	s21 =	sshll.u32 s5, $0x1;
	s2 =	sadd.s32 s19, s18  }
0x9c: {  	s6 =	simm.s32 $0x0;
	s20 =	sshll.u32 s4, $0x1;
	s4 =	sadd.s32 s21, s2  }
0x9d: {  	[timem:s6], [sflag:s22] =	dma.local [hbm:s4], s20  }
0x9e: {  	_ =	swait.ge [sflag:s22], s20  }
0x9f: {  	s3 =	ssub.s32 $0x0, s20;
	[sflag:s22] =	ssyncset.done $0x0  }
0xa0: {  	[sflag:s22] =	ssyncadd.s32 s3;
	_ =	sdelay $0x1  }
0xa1: {  	s23 =	simm.s32 $0x1B8B  }
0xa2: {  	_ =	swait.ge [sflag:s23], $0x1  }
0xa3: {  	[sflag:s23] =	ssyncset.done $0x0  }
0xa4: {  	s25 =	simm.s32 $0x1B8E;
	s24 =	sld [smem:$0x3FFE];
	[sflag:s23] =	ssyncadd.s32 $0xFFFFFFFF  }
0xa5: {  	s26 =	simm.s32 $execute0_lowered;
	[smem:$0x3FD2] =	sst s25  }
0xa6: {  	s4 =	sshll.u32 s26, $0x1;
	_ =	strace $0x80000049;
	[dreg:$0x1] =	wrdreg $0xFFFFFFFF  }
0xa7: {  	s28 =	simm.s32 $_size_execute0_lowered;
	s2 =	sadd.s32 s2, s4;
	[dreg:$0x0] =	wrdreg $0x0  }
0xa8: {  	s4 =	sshll.u32 s28, $0x1;
	[dreg:$0x2] =	wrdreg s2  }
0xa9: {  	[dreg:$0x3] =	wrdreg s4  }
0xaa: {  	[dreg:$0x4] =	wrdreg $0xC0  }
0xab: {  	_ =	task [dreg:s6], $0x5FFFF  }
0xac: {  	[dreg:$0x1] =	wrdreg $0xFFFFFFFF  }
0xad: {  	[dreg:$0x0] =	wrdreg $0x60  }
0xae: {  	[dreg:$0x2] =	wrdreg s24  }
0xaf: {  	[dreg:$0x3] =	wrdreg $0x9  }
0xb0: {  	_ =	task.clear_ibuf [dreg:s6], $0x4FFFF;
	_ =	strace $0x90000049  }
0xb1: {  	s29 =	simm.s32 $0x9;
	_ =	strace $0x8000004B  }
0xb2: {  	_ =	swait.ge [sflag:s29], $0x1  }
0xb3: {  	[sflag:s29] =	ssyncadd.s32 $0xFFFFFFFF  }
0xb4: {  	_ =	strace $0x9000004B  }
0xb5: {  	_ =	sfence  }
0xb6: {  	s30 =	sld [smem:$0x0];
	_ =	sdelay $0x2  }
0xb7: {  	s31 =	sshll.u32 s1, $0xD;
	s1 =	sshrl.u32 s1, $0x2  }
0xb8: {  	s3 =	sand.u32 $0x4000, s31;
	s1 =	sadd.s32 s1, s30  }
0xb9: {  	s0 =	sor.u32 s3, s0;
	s1 =	sshll.u32 s1, $0x11  }
0xba: {  	s0 =	sor.u32 s1, s0  }
0xbb: {  	s0 =	sadd.s32 $0x8F2B, s0  }
0xbc: {  	[sflag:s0] =	ssyncadd.remote.s32 $0x1  }
0xbd: {  	_ =	sfence.sel $0xFFFF  }
0xbe: {  	[dreg:$0x0] =	wrdreg $0xFFFFFFFF;
	(pc) =	sbr.abs _section_cstart, $3  }
0xbf: {  	[dreg:$0x1] =	wrdreg $0xFFFFFFFF  }
0xc0: {  	_ =	task.clear_ibuf [dreg:s6], $0x2FFFF;
	_ =	strace $0x9FFFFFFF  }
0xc1: {  	(tm) =	ssettm $0x7FFFFFFF  }
tec
execute0_lowered:
.L_overlay_start_1:
0x0: {  	(tag) =	ssettag $0x1  }
0x1: {  	s0 =	srdreg.scid;
	s2 =	stileid.u32;
	s3 =	simm.s32 $0x1  }
0x2: {  	s7 =	rddreg [dreg:$0x0];
	s14 =	simm.s32 $0x2;
	s15 =	simm.s32 $0xC800  }
0x3: {  	s16 =	simm.s32 $0x80;
	s24 =	simm.s32 $0x11800;
	s31 =	simm.s32 $0x11880  }
0x4: {  	s29 =	simm.s32 $0x11500;
	s17 =	simm.s32 $0x11780;
	s19 =	simm.s32 $0xD800  }
0x5: {  	s21 =	simm.s32 $0x15800;
	s23 =	simm.s32 $0xE800;
	s25 =	simm.s32 $0x16800  }
0x6: {  	s28 =	simm.s32 $0x0;
	s0 =	sand.u32 $0x1, s0;
	s8 =	sand.u32 $0x3, s2  }
0x7: {  	s5 =	sadd.s32 $0xED9400, s7;
	s6 =	sadd.s32 $0xD5C00, s7;
	s1 =	sshll.u32 s0, $0x4  }
0x8: {  	p1 =	sne.s32 s8, $0x0;
	s0 =	ssub.s32 $0x2, s0;
	s1 =	sor.u32 s2, s1  }
0x9: {  	s2 =	simm.s32 $0x0;
	s11 =	sshrl.u32 s0, $0x1;
	p0 =	seq.s32 s1, $0x0  }
0xa: {  	s4 =	sshrl.u32 s1, $0x2;
	[smem:$0x7FF] =	sst s2;
	p0 =	por !p1, !p0  }
0xb: {  	s10 =	sshll.u32 s1, $0x9;
	s0 =	ssub.s32 s0, s11;
	p0 =	por !p0, !p0  }
0xc: {  	s11 =	simm.s32 $0x11600;
	_ =	strace $0x8000004A;
	s3 =	simm.s32 @!p0 $0x0  }
0xd: {  	s10 =	sadd.s32 s10, s7;
	s0 =	smax.u32 s0, $0x1;
	s3 =	ssub.s32 s4, s3  }
0xe: {  	s30 =	sadd.s32 $0x106A00, s10;
	[dreg:$0x4] =	wrdreg s0;
	s4 =	sshll.u32 s3, $0x7  }
0xf: {  	s10 =	simm.s32 $0x11680;
	s0 =	simm.s32 $0x11700;
	s4 =	sand.u32 $0x1FFFFF80, s4  }
0x10: {  	[dreg:$0x3] =	wrdreg s30;
	s3 =	simm.s32 $0x1;
	s9 =	sadd.s32 s4, s7  }
0x11: {  	v0 =	vlaneseq.u32;
	s4 =	sadd.s32 $0xDC00, s7;
	s7 =	sshll.u32 s1, $0x5;
	s26 =	sadd.s32 $0x1400, s9  }
0x12: {  	v1 =	vmul.u32 $0x400, v0;
	s9 =	sshll.u32 s8, $0x5;
	s8 =	simm.s32 $0x11580;
	[dreg:$0x2] =	wrdreg s26  }
.LBB2_1:
0x13: {  	s1 =	rddreg [dreg:$0x2];
	s12 =	simm.s32 $0x400;
	s13 =	simm.s32 $0x2000  }
0x14: {  	[tilespmem:s2], [sflag:$0x2] =	stream.strided.gather [hbm4b:s1+s12], $0xC800, s13, s12, $0x38;
	[tilespmem:$0x17800] =	vst v63  }
0x15: {  	_ =	swait.ge [sflag:s14], $0xC800  }
0x16: {  	[sflag:s14] =	ssyncset.done $0x0  }
0x17: {  	s1 =	simm.s32 $0x0;
	[sflag:s14] =	ssyncadd.s32 $0xFFFF3800  }
.LBB2_2:
0x18: {  	s12 =	sadd.s32 s9, s1  }
0x19: {  	v2 =	vmov s12  }
0x1a: {  	s30 =	simm.s32 $0x0;
	v2 =	vand.u32 $0x7F, v2  }
0x1b: {  	v3 =	vor.u32 s30, v0;
	v2 =	vbroadcast v2, $0x0  }
0x1c: {  	v4 =	vshll.u32 v3, $0x7  }
0x1d: {  	v4 =	vor.u32 v2, v4;
	_ =	sdelay $0x4  }
0x1e: {  	v4 =	vld.idx.msk [tilespmem:v4+s2+$0x0], $0xffff;
	_ =	sdelay $0x4  }
0x1f: {  	(xrf0) =	vmin.scan.msk.f32 $0xffff, v4;
	_ =	sdelay $0x5  }
0x20: {  	v5, _, _ =	vpop (xrf0)  }
0x21: {  	(v2sf) =	vpush v5, $0xF;
	_ =	sdelay $0xe  }
0x22: {  	s12 =	simm.f32 $3.000000010e+38;
	s18 =	spop (v2sf)  }
0x23: {  	p0 =	slt.f32 s18, s12;
	_ =	sdelay $0x1  }
0x24: {  	(xrf1) =	vsort.ascd.msk.f32 @p0 $0xffff, v4, v3;
	_ =	sdelay $0xa  }
0x25: {  	v3 =	vlaneseq.u32 @p0  }
0x26: {  	v3 =	vmul.u32 @p0 $0xFFFFFFFF, v3;
	_ =	sdelay $0x1  }
0x27: {  	v3 =	vadd.s32 @p0 $0xF, v3;
	v4, v5, _ =	vpop @p0 (xrf1)  }
0x28: {  	v6 =	vperm.xlane @p0 v4, v3  }
0x29: {  	v4 =	vimm.f32 $3.000000010e+38;
	v5 =	vperm.xlane @p0 v5, v3  }
0x2a: {  	v3 =	vimm.s32 $0x0;
	vm0 =	vle.f32 @p0 v4, v6  }
0x2b: {  	v6 =	vsel @p0 vm0, v4, v6;
	v5 =	vsel @p0 vm0, v3, v5  }
0x2c: {  	s18 =	simm.s32 $0x10;
	(xrf1) =	vsort.ascd.msk.f32 @p0 $0xffff, v6, v5  }
.LBB2_3:
0x2d: {  	_ =	sdelay $0x1  }
0x2e: {  	v5 =	vor.u32 s18, v0;
	s18 =	sadd.s32 $0x10, s18  }
0x2f: {  	v6 =	vshll.u32 v5, $0x7;
	p1 =	sne.s32 s18, $0x190  }
0x30: {  	v6 =	vor.u32 v2, v6;
	_ =	sdelay $0x4  }
0x31: {  	v6 =	vld.idx.msk [tilespmem:v6+s2+$0x0], $0xffff;
	_ =	sdelay $0x3  }
0x32: {  	v7, v8, _ =	vpop @p0 (xrf1)  }
0x33: {  	v4 =	vpsel p0, v7, v4;
	v3 =	vpsel p0, v8, v3;
	(xrf0) =	vmax.scan.msk.f32 @p0 $0xffff, v7  }
0x34: {  	(xrf0) =	vmin.scan.msk.f32 $0xffff, v6;
	_ =	sdelay $0x4  }
0x35: {  	v7, _, _ =	vpop @p0 (xrf0)  }
0x36: {  	v8, _, _ =	vpop (xrf0);
	(v2sf) =	vpush @p0 v7, $0xF  }
0x37: {  	(v2sf) =	vpush v8, $0xF;
	_ =	sdelay $0xd  }
0x38: {  	s22 =	spop @p0 (v2sf)  }
0x39: {  	s26 =	spop (v2sf);
	s12 =	smov.u32 @p0 s22  }
0x3a: {  	p0 =	slt.f32 s26, s12;
	_ =	sdelay $0x1  }
0x3b: {  	(xrf1) =	vsort.ascd.msk.f32 @p0 $0xffff, v6, v5;
	_ =	sdelay $0xa  }
0x3c: {  	v5 =	vlaneseq.u32 @p0  }
0x3d: {  	v5 =	vmul.u32 @p0 $0xFFFFFFFF, v5;
	_ =	sdelay $0x1  }
0x3e: {  	v5 =	vadd.s32 @p0 $0xF, v5;
	v6, v7, _ =	vpop @p0 (xrf1)  }
.Ltmp0:
0x3f: {  	v6 =	vperm.xlane @p0 v6, v5;
	(pc) =	sbr.rel @p1 .LBB2_3-.Ltmp0, $4  }
0x40: {  	v5 =	vperm.xlane @p0 v7, v5  }
0x41: {  	vm0 =	vle.f32 @p0 v4, v6  }
0x42: {  	v6 =	vsel @p0 vm0, v4, v6;
	v5 =	vsel @p0 vm0, v3, v5  }
0x43: {  	(xrf1) =	vsort.ascd.msk.f32 @p0 $0xffff, v6, v5  }
0x44: {  	_ =	sdelay $0xc  }
0x45: {  	v2, v4, _ =	vpop @p0 (xrf1)  }
0x46: {  	(xrf0) =	vmax.scan.msk.f32 @p0 $0xffff, v2;
	_ =	sdelay $0x4  }
0x47: {  	s12 =	simm.s32 $0x0  }
0x48: {  	s18 =	sshll.u32 s1, $0x7;
	v5 =	vmov s12;
	v6, _, _ =	vpop @p0 (xrf0)  }
0x49: {  	v5 =	vand.u32 $0x7F, v5;
	v2 =	vmov s18;
	(v2sf) =	vpush @p0 v6, $0xF  }
0x4a: {  	v5 =	vor.u32 v2, v5  }
0x4b: {  	v5 =	vbroadcast v5, $0x0;
	v6 =	vor.u32 s18, v0;
	_ =	sdelay $0x3  }
0x4c: {  	s30 =	simm.s32 $0x1;
	v3 =	vpsel p0, v4, v3  }
0x4d: {  	[tilespmem:v6+s15+$0x0] =	vst.idx.msk $0xffff, v3;
	v3 =	vmov s30  }
0x4e: {  	v4 =	vld.idx.msk [tilespmem:v5+s15+$0x0], $0xffff;
	v3 =	vand.u32 $0x7F, v3  }
0x4f: {  	v3 =	vor.u32 v2, v3  }
0x50: {  	s13 =	sshll.u32 s1, $0x8;
	v6 =	vbroadcast v3, $0x0  }
0x51: {  	s18 =	sand.u32 $0x3FFFFF00, s13  }
0x52: {  	s22 =	sor.u32 s7, s1;
	s26 =	sand.u32 $0x80, s12;
	s18 =	sadd.s32 $0xF800, s18  }
0x53: {  	s20 =	sand.u32 $0x70, s12;
	s26 =	sadd.s32 s26, s18;
	v3 =	vadd.s32 s22, v1;
	v4 =	vshll.u32 v4, $0xE  }
0x54: {  	s22 =	sadd.s32 s20, s26;
	v4 =	vadd.s32 v3, v4  }
0x55: {  	s30 =	simm.s32 $0x2;
	[tilespmem:s22+$0x0] =	vst v4;
	s22 =	spop @p0 (v2sf)  }
0x56: {  	v5 =	vmov s30;
	v4 =	vld.idx.msk [tilespmem:v6+s15+$0x0], $0xffff;
	s22 =	simm.s32 $0x3  }
.LBB2_5:
0x57: {  	p0 =	sne.s32 s22, $0xF;
	v5 =	vand.u32 $0x7F, v5  }
0x58: {  	v5 =	vor.u32 v2, v5  }
0x59: {  	v6 =	vbroadcast v5, $0x0  }
0x5a: {  	s12 =	sadd.s32 $0x10, s12  }
.Ltmp1:
0x5b: {  	s26 =	sand.u32 $0x80, s12;
	(pc) =	sbr.rel @p0 .LBB2_5-.Ltmp1, $4  }
0x5c: {  	s30 =	sand.u32 $0x70, s12;
	s26 =	sadd.s32 s26, s18;
	v4 =	vshll.u32 v4, $0xE  }
0x5d: {  	s26 =	sadd.s32 s30, s26;
	v4 =	vadd.s32 v3, v4  }
0x5e: {  	[tilespmem:s26+$0x0] =	vst v4  }
0x5f: {  	v5 =	vmov s22;
	s22 =	sadd.s32 $0x1, s22;
	v4 =	vld.idx.msk [tilespmem:v6+s15+$0x0], $0xffff  }
0x60: {  	v5 =	vand.u32 $0x7F, v5  }
0x61: {  	v2 =	vor.u32 v2, v5  }
0x62: {  	v2 =	vbroadcast v2, $0x0  }
0x63: {  	s12 =	sadd.s32 $0x10, s12  }
0x64: {  	s22 =	sand.u32 $0x80, s12  }
0x65: {  	s26 =	sand.u32 $0x70, s12;
	s22 =	sadd.s32 s22, s18;
	v4 =	vshll.u32 v4, $0xE  }
0x66: {  	s22 =	sadd.s32 s26, s22;
	v4 =	vadd.s32 v3, v4  }
0x67: {  	[tilespmem:s22+$0x0] =	vst v4  }
0x68: {  	v2 =	vld.idx.msk [tilespmem:v2+s15+$0x0], $0xffff  }
0x69: {  	s1 =	sadd.s32 $0x1, s1  }
0x6a: {  	p0 =	sne.s32 s1, $0x20  }
.Ltmp2:
0x6b: {  	s12 =	sadd.s32 $0x10, s12;
	(pc) =	sbr.rel @p0 .LBB2_2-.Ltmp2, $4  }
0x6c: {  	s26 =	sand.u32 $0x80, s12  }
0x6d: {  	s12 =	sand.u32 $0x70, s12;
	s30 =	sadd.s32 s26, s18;
	v2 =	vshll.u32 v2, $0xE  }
0x6e: {  	s12 =	sadd.s32 s12, s30;
	v2 =	vadd.s32 v3, v2  }
0x6f: {  	[tilespmem:s12+$0x0] =	vst v2  }
0x70: {  	s1 =	simm.s32 $0xF800  }
0x71: {  	[tilespmem:s24], [sflag:$0x1] =	stream.indirect.gather [hbm4b:s4+s16], $0x1, s1, s16, $0xb8;
	[tilespmem:$0x17800] =	vst v63  }
0x72: {  	s18 =	simm.s32 $0xF880  }
0x73: {  	[tilespmem:s31], [sflag:$0x1] =	stream.indirect.gather [hbm4b:s4+s16], $0x1, s18, s16, $0xb8;
	[tilespmem:$0x17800] =	vst v63  }
0x74: {  	s20 =	simm.s32 $0xF900;
	s12 =	simm.s32 $0x11900  }
0x75: {  	[tilespmem:s12], [sflag:$0x1] =	stream.indirect.gather [hbm4b:s4+s16], $0x1, s20, s16, $0xb8;
	[tilespmem:$0x17800] =	vst v63  }
0x76: {  	s22 =	simm.s32 $0xF980;
	s24 =	simm.s32 $0x11980  }
0x77: {  	[tilespmem:s24], [sflag:$0x1] =	stream.indirect.gather [hbm4b:s4+s16], $0x1, s22, s16, $0xb8;
	[tilespmem:$0x17800] =	vst v63  }
0x78: {  	s26 =	simm.s32 $0xFA00;
	s31 =	simm.s32 $0x11A00  }
0x79: {  	[tilespmem:s31], [sflag:$0x1] =	stream.indirect.gather [hbm4b:s4+s16], $0x1, s26, s16, $0xb8;
	[tilespmem:$0x17800] =	vst v63  }
0x7a: {  	s13 =	simm.s32 $0x11A80;
	s12 =	simm.s32 $0xFA80  }
0x7b: {  	[tilespmem:s13], [sflag:$0x1] =	stream.indirect.gather [hbm4b:s4+s16], $0x1, s12, s16, $0xb8;
	[tilespmem:$0x17800] =	vst v63  }
0x7c: {  	s18 =	simm.s32 $0xFB00;
	s20 =	simm.s32 $0x11B00  }
0x7d: {  	[tilespmem:s20], [sflag:$0x1] =	stream.indirect.gather [hbm4b:s4+s16], $0x1, s18, s16, $0xb8;
	[tilespmem:$0x17800] =	vst v63  }
0x7e: {  	s22 =	simm.s32 $0xFB80;
	s24 =	simm.s32 $0x11B80  }
0x7f: {  	[tilespmem:s24], [sflag:$0x1] =	stream.indirect.gather [hbm4b:s4+s16], $0x1, s22, s16, $0xb8;
	[tilespmem:$0x17800] =	vst v63  }
0x80: {  	_ =	swait.ge [sflag:s3], $0x80  }
0x81: {  	[sflag:s3] =	ssyncset.done $0x0  }
0x82: {  	[sflag:s3] =	ssyncadd.s32 $0xFFFFFF80  }
0x83: {  	_ =	swait.ge [sflag:s3], $0x80  }
0x84: {  	[sflag:s3] =	ssyncset.done $0x0  }
0x85: {  	[sflag:s3] =	ssyncadd.s32 $0xFFFFFF80  }
0x86: {  	_ =	swait.ge [sflag:s3], $0x80  }
0x87: {  	[sflag:s3] =	ssyncset.done $0x0  }
0x88: {  	[sflag:s3] =	ssyncadd.s32 $0xFFFFFF80  }
0x89: {  	_ =	swait.ge [sflag:s3], $0x80  }
0x8a: {  	[sflag:s3] =	ssyncset.done $0x0  }
0x8b: {  	[sflag:s3] =	ssyncadd.s32 $0xFFFFFF80  }
0x8c: {  	_ =	swait.ge [sflag:s3], $0x80  }
0x8d: {  	[sflag:s3] =	ssyncset.done $0x0  }
0x8e: {  	[sflag:s3] =	ssyncadd.s32 $0xFFFFFF80  }
0x8f: {  	_ =	swait.ge [sflag:s3], $0x80  }
0x90: {  	[sflag:s3] =	ssyncset.done $0x0  }
0x91: {  	[sflag:s3] =	ssyncadd.s32 $0xFFFFFF80  }
0x92: {  	_ =	swait.ge [sflag:s3], $0x80  }
0x93: {  	[sflag:s3] =	ssyncset.done $0x0  }
0x94: {  	[sflag:s3] =	ssyncadd.s32 $0xFFFFFF80  }
0x95: {  	_ =	swait.ge [sflag:s3], $0x80  }
0x96: {  	[sflag:s3] =	ssyncset.done $0x0  }
0x97: {  	s26 =	simm.s32 $0xFC00;
	s31 =	simm.s32 $0x11C00;
	[sflag:s3] =	ssyncadd.s32 $0xFFFFFF80  }
0x98: {  	[tilespmem:s31], [sflag:$0x1] =	stream.indirect.gather [hbm4b:s4+s16], $0x1, s26, s16, $0xb8;
	[tilespmem:$0x17800] =	vst v63  }
0x99: {  	s12 =	simm.s32 $0xFC80;
	s13 =	simm.s32 $0x11C80  }
0x9a: {  	[tilespmem:s13], [sflag:$0x1] =	stream.indirect.gather [hbm4b:s4+s16], $0x1, s12, s16, $0xb8;
	[tilespmem:$0x17800] =	vst v63  }
0x9b: {  	s18 =	simm.s32 $0xFD00;
	s20 =	simm.s32 $0x11D00  }
0x9c: {  	[tilespmem:s20], [sflag:$0x1] =	stream.indirect.gather [hbm4b:s4+s16], $0x1, s18, s16, $0xb8;
	[tilespmem:$0x17800] =	vst v63  }
0x9d: {  	s22 =	simm.s32 $0xFD80;
	s24 =	simm.s32 $0x11D80  }
0x9e: {  	[tilespmem:s24], [sflag:$0x1] =	stream.indirect.gather [hbm4b:s4+s16], $0x1, s22, s16, $0xb8;
	[tilespmem:$0x17800] =	vst v63  }
0x9f: {  	s26 =	simm.s32 $0xFE00;
	s31 =	simm.s32 $0x11E00  }
0xa0: {  	[tilespmem:s31], [sflag:$0x1] =	stream.indirect.gather [hbm4b:s4+s16], $0x1, s26, s16, $0xb8;
	[tilespmem:$0x17800] =	vst v63  }
0xa1: {  	s12 =	simm.s32 $0xFE80;
	s13 =	simm.s32 $0x11E80  }
0xa2: {  	[tilespmem:s13], [sflag:$0x1] =	stream.indirect.gather [hbm4b:s4+s16], $0x1, s12, s16, $0xb8;
	[tilespmem:$0x17800] =	vst v63  }
0xa3: {  	s18 =	simm.s32 $0xFF00;
	s20 =	simm.s32 $0x11F00  }
0xa4: {  	[tilespmem:s20], [sflag:$0x1] =	stream.indirect.gather [hbm4b:s4+s16], $0x1, s18, s16, $0xb8;
	[tilespmem:$0x17800] =	vst v63  }
0xa5: {  	s22 =	simm.s32 $0xFF80;
	s24 =	simm.s32 $0x11F80  }
0xa6: {  	[tilespmem:s24], [sflag:$0x1] =	stream.indirect.gather [hbm4b:s4+s16], $0x1, s22, s16, $0xb8;
	[tilespmem:$0x17800] =	vst v63  }
0xa7: {  	_ =	swait.ge [sflag:s3], $0x80  }
0xa8: {  	[sflag:s3] =	ssyncset.done $0x0  }
0xa9: {  	[sflag:s3] =	ssyncadd.s32 $0xFFFFFF80  }
0xaa: {  	_ =	swait.ge [sflag:s3], $0x80  }
0xab: {  	[sflag:s3] =	ssyncset.done $0x0  }
0xac: {  	[sflag:s3] =	ssyncadd.s32 $0xFFFFFF80  }
0xad: {  	_ =	swait.ge [sflag:s3], $0x80  }
0xae: {  	[sflag:s3] =	ssyncset.done $0x0  }
0xaf: {  	[sflag:s3] =	ssyncadd.s32 $0xFFFFFF80  }
0xb0: {  	_ =	swait.ge [sflag:s3], $0x80  }
0xb1: {  	[sflag:s3] =	ssyncset.done $0x0  }
0xb2: {  	[sflag:s3] =	ssyncadd.s32 $0xFFFFFF80  }
0xb3: {  	_ =	swait.ge [sflag:s3], $0x80  }
0xb4: {  	[sflag:s3] =	ssyncset.done $0x0  }
0xb5: {  	[sflag:s3] =	ssyncadd.s32 $0xFFFFFF80  }
0xb6: {  	_ =	swait.ge [sflag:s3], $0x80  }
0xb7: {  	[sflag:s3] =	ssyncset.done $0x0  }
0xb8: {  	[sflag:s3] =	ssyncadd.s32 $0xFFFFFF80  }
0xb9: {  	_ =	swait.ge [sflag:s3], $0x80  }
0xba: {  	[sflag:s3] =	ssyncset.done $0x0  }
0xbb: {  	[sflag:s3] =	ssyncadd.s32 $0xFFFFFF80  }
0xbc: {  	_ =	swait.ge [sflag:s3], $0x80  }
0xbd: {  	[sflag:s3] =	ssyncset.done $0x0  }
0xbe: {  	s26 =	simm.s32 $0x10000;
	s31 =	simm.s32 $0x12000;
	[sflag:s3] =	ssyncadd.s32 $0xFFFFFF80  }
0xbf: {  	[tilespmem:s31], [sflag:$0x1] =	stream.indirect.gather [hbm4b:s4+s16], $0x1, s26, s16, $0xb8;
	[tilespmem:$0x17800] =	vst v63  }
0xc0: {  	s12 =	simm.s32 $0x10080;
	s13 =	simm.s32 $0x12080  }
0xc1: {  	[tilespmem:s13], [sflag:$0x1] =	stream.indirect.gather [hbm4b:s4+s16], $0x1, s12, s16, $0xb8;
	[tilespmem:$0x17800] =	vst v63  }
0xc2: {  	s18 =	simm.s32 $0x10100;
	s20 =	simm.s32 $0x12100  }
0xc3: {  	[tilespmem:s20], [sflag:$0x1] =	stream.indirect.gather [hbm4b:s4+s16], $0x1, s18, s16, $0xb8;
	[tilespmem:$0x17800] =	vst v63  }
0xc4: {  	s22 =	simm.s32 $0x10180;
	s24 =	simm.s32 $0x12180  }
0xc5: {  	[tilespmem:s24], [sflag:$0x1] =	stream.indirect.gather [hbm4b:s4+s16], $0x1, s22, s16, $0xb8;
	[tilespmem:$0x17800] =	vst v63  }
0xc6: {  	s26 =	simm.s32 $0x10200;
	s31 =	simm.s32 $0x12200  }
0xc7: {  	[tilespmem:s31], [sflag:$0x1] =	stream.indirect.gather [hbm4b:s4+s16], $0x1, s26, s16, $0xb8;
	[tilespmem:$0x17800] =	vst v63  }
0xc8: {  	s12 =	simm.s32 $0x10280;
	s13 =	simm.s32 $0x12280  }
0xc9: {  	[tilespmem:s13], [sflag:$0x1] =	stream.indirect.gather [hbm4b:s4+s16], $0x1, s12, s16, $0xb8;
	[tilespmem:$0x17800] =	vst v63  }
0xca: {  	s18 =	simm.s32 $0x10300;
	s20 =	simm.s32 $0x12300  }
0xcb: {  	[tilespmem:s20], [sflag:$0x1] =	stream.indirect.gather [hbm4b:s4+s16], $0x1, s18, s16, $0xb8;
	[tilespmem:$0x17800] =	vst v63  }
0xcc: {  	s22 =	simm.s32 $0x10380;
	s24 =	simm.s32 $0x12380  }
0xcd: {  	[tilespmem:s24], [sflag:$0x1] =	stream.indirect.gather [hbm4b:s4+s16], $0x1, s22, s16, $0xb8;
	[tilespmem:$0x17800] =	vst v63  }
0xce: {  	_ =	swait.ge [sflag:s3], $0x80  }
0xcf: {  	[sflag:s3] =	ssyncset.done $0x0  }
0xd0: {  	[sflag:s3] =	ssyncadd.s32 $0xFFFFFF80  }
0xd1: {  	_ =	swait.ge [sflag:s3], $0x80  }
0xd2: {  	[sflag:s3] =	ssyncset.done $0x0  }
0xd3: {  	[sflag:s3] =	ssyncadd.s32 $0xFFFFFF80  }
0xd4: {  	_ =	swait.ge [sflag:s3], $0x80  }
0xd5: {  	[sflag:s3] =	ssyncset.done $0x0  }
0xd6: {  	[sflag:s3] =	ssyncadd.s32 $0xFFFFFF80  }
0xd7: {  	_ =	swait.ge [sflag:s3], $0x80  }
0xd8: {  	[sflag:s3] =	ssyncset.done $0x0  }
0xd9: {  	[sflag:s3] =	ssyncadd.s32 $0xFFFFFF80  }
0xda: {  	_ =	swait.ge [sflag:s3], $0x80  }
0xdb: {  	[sflag:s3] =	ssyncset.done $0x0  }
0xdc: {  	[sflag:s3] =	ssyncadd.s32 $0xFFFFFF80  }
0xdd: {  	_ =	swait.ge [sflag:s3], $0x80  }
0xde: {  	[sflag:s3] =	ssyncset.done $0x0  }
0xdf: {  	[sflag:s3] =	ssyncadd.s32 $0xFFFFFF80  }
0xe0: {  	_ =	swait.ge [sflag:s3], $0x80  }
0xe1: {  	[sflag:s3] =	ssyncset.done $0x0  }
0xe2: {  	[sflag:s3] =	ssyncadd.s32 $0xFFFFFF80  }
0xe3: {  	_ =	swait.ge [sflag:s3], $0x80  }
0xe4: {  	[sflag:s3] =	ssyncset.done $0x0  }
0xe5: {  	s26 =	simm.s32 $0x10400;
	s31 =	simm.s32 $0x12400;
	[sflag:s3] =	ssyncadd.s32 $0xFFFFFF80  }
0xe6: {  	[tilespmem:s31], [sflag:$0x1] =	stream.indirect.gather [hbm4b:s4+s16], $0x1, s26, s16, $0xb8;
	[tilespmem:$0x17800] =	vst v63  }
0xe7: {  	s12 =	simm.s32 $0x10480;
	s13 =	simm.s32 $0x12480  }
0xe8: {  	[tilespmem:s13], [sflag:$0x1] =	stream.indirect.gather [hbm4b:s4+s16], $0x1, s12, s16, $0xb8;
	[tilespmem:$0x17800] =	vst v63  }
0xe9: {  	s18 =	simm.s32 $0x10500;
	s20 =	simm.s32 $0x12500  }
0xea: {  	[tilespmem:s20], [sflag:$0x1] =	stream.indirect.gather [hbm4b:s4+s16], $0x1, s18, s16, $0xb8;
	[tilespmem:$0x17800] =	vst v63  }
0xeb: {  	s22 =	simm.s32 $0x10580;
	s24 =	simm.s32 $0x12580  }
0xec: {  	[tilespmem:s24], [sflag:$0x1] =	stream.indirect.gather [hbm4b:s4+s16], $0x1, s22, s16, $0xb8;
	[tilespmem:$0x17800] =	vst v63  }
0xed: {  	s26 =	simm.s32 $0x10600;
	s31 =	simm.s32 $0x12600  }
0xee: {  	[tilespmem:s31], [sflag:$0x1] =	stream.indirect.gather [hbm4b:s4+s16], $0x1, s26, s16, $0xb8;
	[tilespmem:$0x17800] =	vst v63  }
0xef: {  	s12 =	simm.s32 $0x10680;
	s13 =	simm.s32 $0x12680  }
0xf0: {  	[tilespmem:s13], [sflag:$0x1] =	stream.indirect.gather [hbm4b:s4+s16], $0x1, s12, s16, $0xb8;
	[tilespmem:$0x17800] =	vst v63  }
0xf1: {  	s18 =	simm.s32 $0x10700;
	s20 =	simm.s32 $0x12700  }
0xf2: {  	[tilespmem:s20], [sflag:$0x1] =	stream.indirect.gather [hbm4b:s4+s16], $0x1, s18, s16, $0xb8;
	[tilespmem:$0x17800] =	vst v63  }
0xf3: {  	s22 =	simm.s32 $0x10780;
	s24 =	simm.s32 $0x12780  }
0xf4: {  	[tilespmem:s24], [sflag:$0x1] =	stream.indirect.gather [hbm4b:s4+s16], $0x1, s22, s16, $0xb8;
	[tilespmem:$0x17800] =	vst v63  }
0xf5: {  	_ =	swait.ge [sflag:s3], $0x80  }
0xf6: {  	[sflag:s3] =	ssyncset.done $0x0  }
0xf7: {  	[sflag:s3] =	ssyncadd.s32 $0xFFFFFF80  }
0xf8: {  	_ =	swait.ge [sflag:s3], $0x80  }
0xf9: {  	[sflag:s3] =	ssyncset.done $0x0  }
0xfa: {  	[sflag:s3] =	ssyncadd.s32 $0xFFFFFF80  }
0xfb: {  	_ =	swait.ge [sflag:s3], $0x80  }
0xfc: {  	[sflag:s3] =	ssyncset.done $0x0  }
0xfd: {  	[sflag:s3] =	ssyncadd.s32 $0xFFFFFF80  }
0xfe: {  	_ =	swait.ge [sflag:s3], $0x80  }
0xff: {  	[sflag:s3] =	ssyncset.done $0x0  }
0x100: {  	[sflag:s3] =	ssyncadd.s32 $0xFFFFFF80  }
0x101: {  	_ =	swait.ge [sflag:s3], $0x80  }
0x102: {  	[sflag:s3] =	ssyncset.done $0x0  }
0x103: {  	[sflag:s3] =	ssyncadd.s32 $0xFFFFFF80  }
0x104: {  	_ =	swait.ge [sflag:s3], $0x80  }
0x105: {  	[sflag:s3] =	ssyncset.done $0x0  }
0x106: {  	[sflag:s3] =	ssyncadd.s32 $0xFFFFFF80  }
0x107: {  	_ =	swait.ge [sflag:s3], $0x80  }
0x108: {  	[sflag:s3] =	ssyncset.done $0x0  }
0x109: {  	[sflag:s3] =	ssyncadd.s32 $0xFFFFFF80  }
0x10a: {  	_ =	swait.ge [sflag:s3], $0x80  }
0x10b: {  	[sflag:s3] =	ssyncset.done $0x0  }
0x10c: {  	s26 =	simm.s32 $0x10800;
	s31 =	simm.s32 $0x12800;
	[sflag:s3] =	ssyncadd.s32 $0xFFFFFF80  }
0x10d: {  	[tilespmem:s31], [sflag:$0x1] =	stream.indirect.gather [hbm4b:s4+s16], $0x1, s26, s16, $0xb8;
	[tilespmem:$0x17800] =	vst v63  }
0x10e: {  	s12 =	simm.s32 $0x10880;
	s13 =	simm.s32 $0x12880  }
0x10f: {  	[tilespmem:s13], [sflag:$0x1] =	stream.indirect.gather [hbm4b:s4+s16], $0x1, s12, s16, $0xb8;
	[tilespmem:$0x17800] =	vst v63  }
0x110: {  	s18 =	simm.s32 $0x10900;
	s20 =	simm.s32 $0x12900  }
0x111: {  	[tilespmem:s20], [sflag:$0x1] =	stream.indirect.gather [hbm4b:s4+s16], $0x1, s18, s16, $0xb8;
	[tilespmem:$0x17800] =	vst v63  }
0x112: {  	s22 =	simm.s32 $0x10980;
	s24 =	simm.s32 $0x12980  }
0x113: {  	[tilespmem:s24], [sflag:$0x1] =	stream.indirect.gather [hbm4b:s4+s16], $0x1, s22, s16, $0xb8;
	[tilespmem:$0x17800] =	vst v63  }
0x114: {  	s26 =	simm.s32 $0x10A00;
	s31 =	simm.s32 $0x12A00  }
0x115: {  	[tilespmem:s31], [sflag:$0x1] =	stream.indirect.gather [hbm4b:s4+s16], $0x1, s26, s16, $0xb8;
	[tilespmem:$0x17800] =	vst v63  }
0x116: {  	s12 =	simm.s32 $0x10A80;
	s13 =	simm.s32 $0x12A80  }
0x117: {  	[tilespmem:s13], [sflag:$0x1] =	stream.indirect.gather [hbm4b:s4+s16], $0x1, s12, s16, $0xb8;
	[tilespmem:$0x17800] =	vst v63  }
0x118: {  	s18 =	simm.s32 $0x10B00;
	s20 =	simm.s32 $0x12B00  }
0x119: {  	[tilespmem:s20], [sflag:$0x1] =	stream.indirect.gather [hbm4b:s4+s16], $0x1, s18, s16, $0xb8;
	[tilespmem:$0x17800] =	vst v63  }
0x11a: {  	s22 =	simm.s32 $0x10B80;
	s24 =	simm.s32 $0x12B80  }
0x11b: {  	[tilespmem:s24], [sflag:$0x1] =	stream.indirect.gather [hbm4b:s4+s16], $0x1, s22, s16, $0xb8;
	[tilespmem:$0x17800] =	vst v63  }
0x11c: {  	_ =	swait.ge [sflag:s3], $0x80  }
0x11d: {  	[sflag:s3] =	ssyncset.done $0x0  }
0x11e: {  	[sflag:s3] =	ssyncadd.s32 $0xFFFFFF80  }
0x11f: {  	_ =	swait.ge [sflag:s3], $0x80  }
0x120: {  	[sflag:s3] =	ssyncset.done $0x0  }
0x121: {  	[sflag:s3] =	ssyncadd.s32 $0xFFFFFF80  }
0x122: {  	_ =	swait.ge [sflag:s3], $0x80  }
0x123: {  	[sflag:s3] =	ssyncset.done $0x0  }
0x124: {  	[sflag:s3] =	ssyncadd.s32 $0xFFFFFF80  }
0x125: {  	_ =	swait.ge [sflag:s3], $0x80  }
0x126: {  	[sflag:s3] =	ssyncset.done $0x0  }
0x127: {  	[sflag:s3] =	ssyncadd.s32 $0xFFFFFF80  }
0x128: {  	_ =	swait.ge [sflag:s3], $0x80  }
0x129: {  	[sflag:s3] =	ssyncset.done $0x0  }
0x12a: {  	[sflag:s3] =	ssyncadd.s32 $0xFFFFFF80  }
0x12b: {  	_ =	swait.ge [sflag:s3], $0x80  }
0x12c: {  	[sflag:s3] =	ssyncset.done $0x0  }
0x12d: {  	[sflag:s3] =	ssyncadd.s32 $0xFFFFFF80  }
0x12e: {  	_ =	swait.ge [sflag:s3], $0x80  }
0x12f: {  	[sflag:s3] =	ssyncset.done $0x0  }
0x130: {  	[sflag:s3] =	ssyncadd.s32 $0xFFFFFF80  }
0x131: {  	_ =	swait.ge [sflag:s3], $0x80  }
0x132: {  	[sflag:s3] =	ssyncset.done $0x0  }
0x133: {  	s26 =	simm.s32 $0x10C00;
	s31 =	simm.s32 $0x12C00;
	[sflag:s3] =	ssyncadd.s32 $0xFFFFFF80  }
0x134: {  	[tilespmem:s31], [sflag:$0x1] =	stream.indirect.gather [hbm4b:s4+s16], $0x1, s26, s16, $0xb8;
	[tilespmem:$0x17800] =	vst v63  }
0x135: {  	s12 =	simm.s32 $0x10C80;
	s13 =	simm.s32 $0x12C80  }
0x136: {  	[tilespmem:s13], [sflag:$0x1] =	stream.indirect.gather [hbm4b:s4+s16], $0x1, s12, s16, $0xb8;
	[tilespmem:$0x17800] =	vst v63  }
0x137: {  	s18 =	simm.s32 $0x10D00;
	s20 =	simm.s32 $0x12D00  }
0x138: {  	[tilespmem:s20], [sflag:$0x1] =	stream.indirect.gather [hbm4b:s4+s16], $0x1, s18, s16, $0xb8;
	[tilespmem:$0x17800] =	vst v63  }
0x139: {  	s22 =	simm.s32 $0x10D80;
	s24 =	simm.s32 $0x12D80  }
0x13a: {  	[tilespmem:s24], [sflag:$0x1] =	stream.indirect.gather [hbm4b:s4+s16], $0x1, s22, s16, $0xb8;
	[tilespmem:$0x17800] =	vst v63  }
0x13b: {  	s26 =	simm.s32 $0x10E00;
	s31 =	simm.s32 $0x12E00  }
0x13c: {  	[tilespmem:s31], [sflag:$0x1] =	stream.indirect.gather [hbm4b:s4+s16], $0x1, s26, s16, $0xb8;
	[tilespmem:$0x17800] =	vst v63  }
0x13d: {  	s12 =	simm.s32 $0x10E80;
	s13 =	simm.s32 $0x12E80  }
0x13e: {  	[tilespmem:s13], [sflag:$0x1] =	stream.indirect.gather [hbm4b:s4+s16], $0x1, s12, s16, $0xb8;
	[tilespmem:$0x17800] =	vst v63  }
0x13f: {  	s18 =	simm.s32 $0x10F00;
	s20 =	simm.s32 $0x12F00  }
0x140: {  	[tilespmem:s20], [sflag:$0x1] =	stream.indirect.gather [hbm4b:s4+s16], $0x1, s18, s16, $0xb8;
	[tilespmem:$0x17800] =	vst v63  }
0x141: {  	s22 =	simm.s32 $0x10F80;
	s24 =	simm.s32 $0x12F80  }
0x142: {  	[tilespmem:s24], [sflag:$0x1] =	stream.indirect.gather [hbm4b:s4+s16], $0x1, s22, s16, $0xb8;
	[tilespmem:$0x17800] =	vst v63  }
0x143: {  	_ =	swait.ge [sflag:s3], $0x80  }
0x144: {  	[sflag:s3] =	ssyncset.done $0x0  }
0x145: {  	[sflag:s3] =	ssyncadd.s32 $0xFFFFFF80  }
0x146: {  	_ =	swait.ge [sflag:s3], $0x80  }
0x147: {  	[sflag:s3] =	ssyncset.done $0x0  }
0x148: {  	[sflag:s3] =	ssyncadd.s32 $0xFFFFFF80  }
0x149: {  	_ =	swait.ge [sflag:s3], $0x80  }
0x14a: {  	[sflag:s3] =	ssyncset.done $0x0  }
0x14b: {  	[sflag:s3] =	ssyncadd.s32 $0xFFFFFF80  }
0x14c: {  	_ =	swait.ge [sflag:s3], $0x80  }
0x14d: {  	[sflag:s3] =	ssyncset.done $0x0  }
0x14e: {  	[sflag:s3] =	ssyncadd.s32 $0xFFFFFF80  }
0x14f: {  	_ =	swait.ge [sflag:s3], $0x80  }
0x150: {  	[sflag:s3] =	ssyncset.done $0x0  }
0x151: {  	[sflag:s3] =	ssyncadd.s32 $0xFFFFFF80  }
0x152: {  	_ =	swait.ge [sflag:s3], $0x80  }
0x153: {  	[sflag:s3] =	ssyncset.done $0x0  }
0x154: {  	[sflag:s3] =	ssyncadd.s32 $0xFFFFFF80  }
0x155: {  	_ =	swait.ge [sflag:s3], $0x80  }
0x156: {  	[sflag:s3] =	ssyncset.done $0x0  }
0x157: {  	[sflag:s3] =	ssyncadd.s32 $0xFFFFFF80  }
0x158: {  	_ =	swait.ge [sflag:s3], $0x80  }
0x159: {  	[sflag:s3] =	ssyncset.done $0x0  }
0x15a: {  	s26 =	simm.s32 $0x11000;
	s31 =	simm.s32 $0x13000;
	[sflag:s3] =	ssyncadd.s32 $0xFFFFFF80  }
0x15b: {  	[tilespmem:s31], [sflag:$0x1] =	stream.indirect.gather [hbm4b:s4+s16], $0x1, s26, s16, $0xb8;
	[tilespmem:$0x17800] =	vst v63  }
0x15c: {  	s12 =	simm.s32 $0x11080;
	s13 =	simm.s32 $0x13080  }
0x15d: {  	[tilespmem:s13], [sflag:$0x1] =	stream.indirect.gather [hbm4b:s4+s16], $0x1, s12, s16, $0xb8;
	[tilespmem:$0x17800] =	vst v63  }
0x15e: {  	s18 =	simm.s32 $0x11100;
	s20 =	simm.s32 $0x13100  }
0x15f: {  	[tilespmem:s20], [sflag:$0x1] =	stream.indirect.gather [hbm4b:s4+s16], $0x1, s18, s16, $0xb8;
	[tilespmem:$0x17800] =	vst v63  }
0x160: {  	s22 =	simm.s32 $0x11180;
	s24 =	simm.s32 $0x13180  }
0x161: {  	[tilespmem:s24], [sflag:$0x1] =	stream.indirect.gather [hbm4b:s4+s16], $0x1, s22, s16, $0xb8;
	[tilespmem:$0x17800] =	vst v63  }
0x162: {  	s26 =	simm.s32 $0x11200;
	s31 =	simm.s32 $0x13200  }
0x163: {  	[tilespmem:s31], [sflag:$0x1] =	stream.indirect.gather [hbm4b:s4+s16], $0x1, s26, s16, $0xb8;
	[tilespmem:$0x17800] =	vst v63  }
0x164: {  	s12 =	simm.s32 $0x11280;
	s13 =	simm.s32 $0x13280  }
0x165: {  	[tilespmem:s13], [sflag:$0x1] =	stream.indirect.gather [hbm4b:s4+s16], $0x1, s12, s16, $0xb8;
	[tilespmem:$0x17800] =	vst v63  }
0x166: {  	s18 =	simm.s32 $0x11300;
	s20 =	simm.s32 $0x13300  }
0x167: {  	[tilespmem:s20], [sflag:$0x1] =	stream.indirect.gather [hbm4b:s4+s16], $0x1, s18, s16, $0xb8;
	[tilespmem:$0x17800] =	vst v63  }
0x168: {  	s22 =	simm.s32 $0x11380;
	s24 =	simm.s32 $0x13380  }
0x169: {  	[tilespmem:s24], [sflag:$0x1] =	stream.indirect.gather [hbm4b:s4+s16], $0x1, s22, s16, $0xb8;
	[tilespmem:$0x17800] =	vst v63  }
0x16a: {  	_ =	swait.ge [sflag:s3], $0x80  }
0x16b: {  	[sflag:s3] =	ssyncset.done $0x0  }
0x16c: {  	[sflag:s3] =	ssyncadd.s32 $0xFFFFFF80  }
0x16d: {  	_ =	swait.ge [sflag:s3], $0x80  }
0x16e: {  	[sflag:s3] =	ssyncset.done $0x0  }
0x16f: {  	[sflag:s3] =	ssyncadd.s32 $0xFFFFFF80  }
0x170: {  	_ =	swait.ge [sflag:s3], $0x80  }
0x171: {  	[sflag:s3] =	ssyncset.done $0x0  }
0x172: {  	[sflag:s3] =	ssyncadd.s32 $0xFFFFFF80  }
0x173: {  	_ =	swait.ge [sflag:s3], $0x80  }
0x174: {  	[sflag:s3] =	ssyncset.done $0x0  }
0x175: {  	[sflag:s3] =	ssyncadd.s32 $0xFFFFFF80  }
0x176: {  	_ =	swait.ge [sflag:s3], $0x80  }
0x177: {  	[sflag:s3] =	ssyncset.done $0x0  }
0x178: {  	[sflag:s3] =	ssyncadd.s32 $0xFFFFFF80  }
0x179: {  	_ =	swait.ge [sflag:s3], $0x80  }
0x17a: {  	[sflag:s3] =	ssyncset.done $0x0  }
0x17b: {  	[sflag:s3] =	ssyncadd.s32 $0xFFFFFF80  }
0x17c: {  	_ =	swait.ge [sflag:s3], $0x80  }
0x17d: {  	[sflag:s3] =	ssyncset.done $0x0  }
0x17e: {  	[sflag:s3] =	ssyncadd.s32 $0xFFFFFF80  }
0x17f: {  	_ =	swait.ge [sflag:s3], $0x80  }
0x180: {  	[sflag:s3] =	ssyncset.done $0x0  }
0x181: {  	s26 =	simm.s32 $0x11400;
	s31 =	simm.s32 $0x13400;
	[sflag:s3] =	ssyncadd.s32 $0xFFFFFF80  }
0x182: {  	[tilespmem:s31], [sflag:$0x1] =	stream.indirect.gather [hbm4b:s4+s16], $0x1, s26, s16, $0xb8;
	[tilespmem:$0x17800] =	vst v63  }
0x183: {  	s12 =	simm.s32 $0x11480;
	s13 =	simm.s32 $0x13480  }
0x184: {  	[tilespmem:s13], [sflag:$0x1] =	stream.indirect.gather [hbm4b:s4+s16], $0x1, s12, s16, $0xb8;
	[tilespmem:$0x17800] =	vst v63  }
0x185: {  	s18 =	simm.s32 $0x13500  }
0x186: {  	[tilespmem:s18], [sflag:$0x1] =	stream.indirect.gather [hbm4b:s4+s16], $0x1, s29, s16, $0xb8;
	[tilespmem:$0x17800] =	vst v63  }
0x187: {  	s20 =	simm.s32 $0x13580  }
0x188: {  	[tilespmem:s20], [sflag:$0x1] =	stream.indirect.gather [hbm4b:s4+s16], $0x1, s8, s16, $0xb8;
	[tilespmem:$0x17800] =	vst v63  }
0x189: {  	s22 =	simm.s32 $0x13600  }
0x18a: {  	[tilespmem:s22], [sflag:$0x1] =	stream.indirect.gather [hbm4b:s4+s16], $0x1, s11, s16, $0xb8;
	[tilespmem:$0x17800] =	vst v63  }
0x18b: {  	s24 =	simm.s32 $0x13680  }
0x18c: {  	[tilespmem:s24], [sflag:$0x1] =	stream.indirect.gather [hbm4b:s4+s16], $0x1, s10, s16, $0xb8;
	[tilespmem:$0x17800] =	vst v63  }
0x18d: {  	s26 =	simm.s32 $0x13700  }
0x18e: {  	[tilespmem:s26], [sflag:$0x1] =	stream.indirect.gather [hbm4b:s4+s16], $0x1, s0, s16, $0xb8;
	[tilespmem:$0x17800] =	vst v63  }
0x18f: {  	s31 =	simm.s32 $0x13780  }
0x190: {  	[tilespmem:s31], [sflag:$0x1] =	stream.indirect.gather [hbm4b:s4+s16], $0x1, s17, s16, $0xb8;
	[tilespmem:$0x17800] =	vst v63  }
0x191: {  	_ =	swait.ge [sflag:s3], $0x80  }
0x192: {  	[sflag:s3] =	ssyncset.done $0x0  }
0x193: {  	[sflag:s3] =	ssyncadd.s32 $0xFFFFFF80  }
0x194: {  	_ =	swait.ge [sflag:s3], $0x80  }
0x195: {  	[sflag:s3] =	ssyncset.done $0x0  }
0x196: {  	[sflag:s3] =	ssyncadd.s32 $0xFFFFFF80  }
0x197: {  	_ =	swait.ge [sflag:s3], $0x80  }
0x198: {  	[sflag:s3] =	ssyncset.done $0x0  }
0x199: {  	[sflag:s3] =	ssyncadd.s32 $0xFFFFFF80  }
0x19a: {  	_ =	swait.ge [sflag:s3], $0x80  }
0x19b: {  	[sflag:s3] =	ssyncset.done $0x0  }
0x19c: {  	[sflag:s3] =	ssyncadd.s32 $0xFFFFFF80  }
0x19d: {  	_ =	swait.ge [sflag:s3], $0x80  }
0x19e: {  	[sflag:s3] =	ssyncset.done $0x0  }
0x19f: {  	[sflag:s3] =	ssyncadd.s32 $0xFFFFFF80  }
0x1a0: {  	_ =	swait.ge [sflag:s3], $0x80  }
0x1a1: {  	[sflag:s3] =	ssyncset.done $0x0  }
0x1a2: {  	[sflag:s3] =	ssyncadd.s32 $0xFFFFFF80  }
0x1a3: {  	_ =	swait.ge [sflag:s3], $0x80  }
0x1a4: {  	[sflag:s3] =	ssyncset.done $0x0  }
0x1a5: {  	[sflag:s3] =	ssyncadd.s32 $0xFFFFFF80  }
0x1a6: {  	_ =	swait.ge [sflag:s3], $0x80  }
0x1a7: {  	[sflag:s3] =	ssyncset.done $0x0  }
0x1a8: {  	s30 =	simm.s32 $0x0;
	s1 =	simm.s32 $0x0;
	[sflag:s3] =	ssyncadd.s32 $0xFFFFFF80  }
.LBB2_8:
0x1a9: {  	s12 =	sshll.u32 s30, $0xA  }
0x1aa: {  	s12 =	sshrl.u32 s12, $0x2  }
0x1ab: {  	s22 =	sand.u32 $0x80, s1;
	s18 =	sadd.s32 $0x11800, s12  }
0x1ac: {  	s26 =	sand.u32 $0x70, s1;
	s22 =	sadd.s32 s22, s18  }
0x1ad: {  	s22 =	sadd.s32 s26, s22  }
0x1ae: {  	v3 =	vld [tilespmem:s22+$0x0];
	_ =	sdelay $0x4  }
0x1af: {  	(xrf0) =	vmin.scan.msk.f32 $0xffff, v3;
	_ =	sdelay $0x5  }
0x1b0: {  	v2, _, _ =	vpop (xrf0)  }
0x1b1: {  	(v2sf) =	vpush v2, $0xF;
	_ =	sdelay $0x3  }
0x1b2: {  	s20 =	sshll.u32 s30, $0x7;
	v4 =	vmov s1  }
0x1b3: {  	v4 =	vand.u32 $0x7F, v4;
	v2 =	vmov s20  }
0x1b4: {  	v4 =	vadd.s32 v2, v4  }
0x1b5: {  	v4 =	vbroadcast v4, $0x0;
	_ =	sdelay $0x5  }
0x1b6: {  	v4 =	vld.idx.msk [tilespmem:v4+s15+$0x0], $0xffff;
	_ =	sdelay $0x1  }
0x1b7: {  	s22 =	simm.f32 $3.000000010e+38;
	s24 =	spop (v2sf)  }
0x1b8: {  	p0 =	slt.f32 s24, s22;
	_ =	sdelay $0x1  }
0x1b9: {  	v4 =	vshll.u32 @p0 v4, $0x4;
	v5 =	vlaneseq.u32 @p0  }
0x1ba: {  	v4 =	vor.u32 @p0 v5, v4  }
0x1bb: {  	(xrf1) =	vsort.ascd.msk.f32 @p0 $0xffff, v3, v4;
	_ =	sdelay $0xb  }
0x1bc: {  	v3 =	vmul.u32 @p0 $0xFFFFFFFF, v5;
	_ =	sdelay $0x1  }
0x1bd: {  	v3 =	vadd.s32 @p0 $0xF, v3;
	v4, v5, _ =	vpop @p0 (xrf1)  }
0x1be: {  	v6 =	vperm.xlane @p0 v4, v3  }
0x1bf: {  	v4 =	vimm.f32 $3.000000010e+38;
	v5 =	vperm.xlane @p0 v5, v3  }
0x1c0: {  	v3 =	vimm.s32 $0x0;
	vm0 =	vle.f32 @p0 v4, v6  }
0x1c1: {  	v6 =	vsel @p0 vm0, v4, v6;
	v5 =	vsel @p0 vm0, v3, v5  }
0x1c2: {  	(xrf1) =	vsort.ascd.msk.f32 @p0 $0xffff, v6, v5;
	_ =	sdelay $0x6  }
0x1c3: {  	s31 =	simm.s32 $0x10;
	s26 =	simm.s32 $0x1  }
.LBB2_9:
0x1c4: {  	s13 =	sand.u32 $0x80, s31;
	s20 =	smov.u32 s26;
	s26 =	sadd.s32 $0x1, s26  }
0x1c5: {  	s24 =	sand.u32 $0x70, s31;
	s13 =	sadd.s32 s13, s18;
	p1 =	sne.s32 s26, $0x10  }
0x1c6: {  	s13 =	sadd.s32 s24, s13  }
0x1c7: {  	v5 =	vld [tilespmem:s13+$0x0];
	_ =	sdelay $0x2  }
0x1c8: {  	v6, v7, _ =	vpop @p0 (xrf1)  }
0x1c9: {  	v4 =	vpsel p0, v6, v4;
	v3 =	vpsel p0, v7, v3;
	(xrf0) =	vmax.scan.msk.f32 @p0 $0xffff, v6  }
0x1ca: {  	(xrf0) =	vmin.scan.msk.f32 $0xffff, v5;
	_ =	sdelay $0x4  }
0x1cb: {  	v6, _, _ =	vpop @p0 (xrf0)  }
0x1cc: {  	v7, _, _ =	vpop (xrf0);
	(v2sf) =	vpush @p0 v6, $0xF  }
0x1cd: {  	(v2sf) =	vpush v7, $0xF;
	_ =	sdelay $0x2  }
0x1ce: {  	v6 =	vmov s20  }
0x1cf: {  	v6 =	vand.u32 $0x7F, v6  }
0x1d0: {  	v6 =	vadd.s32 v2, v6  }
0x1d1: {  	v6 =	vbroadcast v6, $0x0;
	_ =	sdelay $0x5  }
0x1d2: {  	v6 =	vld.idx.msk [tilespmem:v6+s15+$0x0], $0xffff;
	_ =	sdelay $0x1  }
0x1d3: {  	s13 =	spop @p0 (v2sf)  }
0x1d4: {  	s20 =	spop (v2sf);
	s22 =	smov.u32 @p0 s13  }
0x1d5: {  	p0 =	slt.f32 s20, s22;
	_ =	sdelay $0x1  }
0x1d6: {  	v6 =	vshll.u32 @p0 v6, $0x4;
	v7 =	vlaneseq.u32 @p0  }
0x1d7: {  	v6 =	vor.u32 @p0 v7, v6  }
0x1d8: {  	(xrf1) =	vsort.ascd.msk.f32 @p0 $0xffff, v5, v6;
	_ =	sdelay $0xb  }
0x1d9: {  	v5 =	vmul.u32 @p0 $0xFFFFFFFF, v7;
	_ =	sdelay $0x1  }
0x1da: {  	v5 =	vadd.s32 @p0 $0xF, v5;
	v6, v7, _ =	vpop @p0 (xrf1)  }
0x1db: {  	v6 =	vperm.xlane @p0 v6, v5  }
0x1dc: {  	v5 =	vperm.xlane @p0 v7, v5  }
0x1dd: {  	vm0 =	vle.f32 @p0 v4, v6  }
0x1de: {  	v6 =	vsel @p0 vm0, v4, v6;
	v5 =	vsel @p0 vm0, v3, v5  }
0x1df: {  	(xrf1) =	vsort.ascd.msk.f32 @p0 $0xffff, v6, v5;
	_ =	sdelay $0x2  }
.Ltmp3:
0x1e0: {  	(pc) =	sbr.rel @p1 .LBB2_9-.Ltmp3, $2  }
0x1e1: {  	_ =	sdelay $0x2  }
0x1e2: {  	s31 =	sadd.s32 $0x10, s31  }
0x1e3: {  	_ =	sdelay $0x5  }
0x1e4: {  	v4, v5, _ =	vpop @p0 (xrf1)  }
0x1e5: {  	(xrf0) =	vmax.scan.msk.f32 @p0 $0xffff, v4;
	_ =	sdelay $0x3  }
0x1e6: {  	s18 =	simm.s32 $0x0  }
0x1e7: {  	v4 =	vmov s18  }
0x1e8: {  	v7 =	vbroadcast v2, $0x0;
	v4 =	vand.u32 $0x7F, v4;
	v6, _, _ =	vpop @p0 (xrf0)  }
0x1e9: {  	v4 =	vor.u32 v2, v4;
	(v2sf) =	vpush @p0 v6, $0xF  }
0x1ea: {  	v4 =	vbroadcast v4, $0x0;
	v6 =	vor.u32 v0, v7;
	_ =	sdelay $0x3  }
0x1eb: {  	s13 =	simm.s32 $0x1;
	v3 =	vpsel p0, v5, v3  }
0x1ec: {  	[tilespmem:v6+s19+$0x0] =	vst.idx.msk $0xffff, v3;
	v3 =	vmov s13  }
0x1ed: {  	v4 =	vld.idx.msk [tilespmem:v4+s19+$0x0], $0xffff;
	v3 =	vand.u32 $0x7F, v3  }
0x1ee: {  	v3 =	vor.u32 v2, v3  }
0x1ef: {  	v6 =	vbroadcast v3, $0x0;
	_ =	sdelay $0x1  }
0x1f0: {  	s24 =	sor.u32 s7, s30;
	s12 =	sadd.s32 $0xF800, s12;
	s20 =	sand.u32 $0x80, s18  }
0x1f1: {  	s26 =	sand.u32 $0x70, s18;
	s20 =	sadd.s32 s20, s12;
	v3 =	vadd.s32 s24, v1;
	v4 =	vshll.u32 v4, $0xE  }
0x1f2: {  	s13 =	sadd.s32 s26, s20;
	v4 =	vadd.s32 v3, v4  }
0x1f3: {  	s31 =	simm.s32 $0x2;
	[tilespmem:s13+$0x0] =	vst v4  }
0x1f4: {  	s22 =	simm.s32 $0x3;
	v5 =	vmov s31;
	v4 =	vld.idx.msk [tilespmem:v6+s19+$0x0], $0xffff;
	s13 =	spop @p0 (v2sf)  }
.LBB2_11:
0x1f5: {  	p0 =	sne.s32 s22, $0xF;
	v5 =	vand.u32 $0x7F, v5  }
0x1f6: {  	v5 =	vor.u32 v2, v5  }
0x1f7: {  	v6 =	vbroadcast v5, $0x0  }
0x1f8: {  	s18 =	sadd.s32 $0x10, s18  }
.Ltmp4:
0x1f9: {  	s13 =	sand.u32 $0x80, s18;
	(pc) =	sbr.rel @p0 .LBB2_11-.Ltmp4, $4  }
0x1fa: {  	s20 =	sand.u32 $0x70, s18;
	s13 =	sadd.s32 s13, s12;
	v4 =	vshll.u32 v4, $0xE  }
0x1fb: {  	s13 =	sadd.s32 s20, s13;
	v4 =	vadd.s32 v3, v4  }
0x1fc: {  	[tilespmem:s13+$0x0] =	vst v4  }
0x1fd: {  	v5 =	vmov s22;
	s22 =	sadd.s32 $0x1, s22;
	v4 =	vld.idx.msk [tilespmem:v6+s19+$0x0], $0xffff  }
0x1fe: {  	v5 =	vand.u32 $0x7F, v5  }
0x1ff: {  	v2 =	vor.u32 v2, v5  }
0x200: {  	v2 =	vbroadcast v2, $0x0  }
0x201: {  	s13 =	sadd.s32 $0x10, s18  }
0x202: {  	s18 =	sand.u32 $0x80, s13  }
0x203: {  	s20 =	sand.u32 $0x70, s13;
	s18 =	sadd.s32 s18, s12;
	v4 =	vshll.u32 v4, $0xE  }
0x204: {  	s18 =	sadd.s32 s20, s18;
	v4 =	vadd.s32 v3, v4  }
0x205: {  	[tilespmem:s18+$0x0] =	vst v4  }
0x206: {  	v2 =	vld.idx.msk [tilespmem:v2+s19+$0x0], $0xffff  }
0x207: {  	s30 =	sadd.s32 $0x1, s30  }
0x208: {  	p0 =	sne.s32 s30, $0x20  }
.Ltmp5:
0x209: {  	s13 =	sadd.s32 $0x10, s13;
	(pc) =	sbr.rel @p0 .LBB2_8-.Ltmp5, $4  }
0x20a: {  	s26 =	sand.u32 $0x80, s13  }
0x20b: {  	s13 =	sand.u32 $0x70, s13;
	s31 =	sadd.s32 s26, s12;
	v2 =	vshll.u32 v2, $0xE  }
0x20c: {  	s12 =	sadd.s32 s13, s31;
	v2 =	vadd.s32 v3, v2  }
0x20d: {  	[tilespmem:s12+$0x0] =	vst v2  }
0x20e: {  	s1 =	simm.s32 $0xF800;
	s12 =	simm.s32 $0x13800  }
0x20f: {  	[tilespmem:s12], [sflag:$0x1] =	stream.indirect.gather [hbm4b:s5+s16], $0x1, s1, s16, $0xb8;
	[tilespmem:$0x17800] =	vst v63  }
0x210: {  	s13 =	simm.s32 $0x13880;
	s12 =	simm.s32 $0xF880  }
0x211: {  	[tilespmem:s13], [sflag:$0x1] =	stream.indirect.gather [hbm4b:s5+s16], $0x1, s12, s16, $0xb8;
	[tilespmem:$0x17800] =	vst v63  }
0x212: {  	s18 =	simm.s32 $0xF900;
	s20 =	simm.s32 $0x13900  }
0x213: {  	[tilespmem:s20], [sflag:$0x1] =	stream.indirect.gather [hbm4b:s5+s16], $0x1, s18, s16, $0xb8;
	[tilespmem:$0x17800] =	vst v63  }
0x214: {  	s22 =	simm.s32 $0xF980;
	s24 =	simm.s32 $0x13980  }
0x215: {  	[tilespmem:s24], [sflag:$0x1] =	stream.indirect.gather [hbm4b:s5+s16], $0x1, s22, s16, $0xb8;
	[tilespmem:$0x17800] =	vst v63  }
0x216: {  	s26 =	simm.s32 $0xFA00;
	s31 =	simm.s32 $0x13A00  }
0x217: {  	[tilespmem:s31], [sflag:$0x1] =	stream.indirect.gather [hbm4b:s5+s16], $0x1, s26, s16, $0xb8;
	[tilespmem:$0x17800] =	vst v63  }
0x218: {  	s12 =	simm.s32 $0xFA80;
	s13 =	simm.s32 $0x13A80  }
0x219: {  	[tilespmem:s13], [sflag:$0x1] =	stream.indirect.gather [hbm4b:s5+s16], $0x1, s12, s16, $0xb8;
	[tilespmem:$0x17800] =	vst v63  }
0x21a: {  	s18 =	simm.s32 $0xFB00;
	s20 =	simm.s32 $0x13B00  }
0x21b: {  	[tilespmem:s20], [sflag:$0x1] =	stream.indirect.gather [hbm4b:s5+s16], $0x1, s18, s16, $0xb8;
	[tilespmem:$0x17800] =	vst v63  }
0x21c: {  	s22 =	simm.s32 $0xFB80;
	s24 =	simm.s32 $0x13B80  }
0x21d: {  	[tilespmem:s24], [sflag:$0x1] =	stream.indirect.gather [hbm4b:s5+s16], $0x1, s22, s16, $0xb8;
	[tilespmem:$0x17800] =	vst v63  }
0x21e: {  	_ =	swait.ge [sflag:s3], $0x80  }
0x21f: {  	[sflag:s3] =	ssyncset.done $0x0  }
0x220: {  	[sflag:s3] =	ssyncadd.s32 $0xFFFFFF80  }
0x221: {  	_ =	swait.ge [sflag:s3], $0x80  }
0x222: {  	[sflag:s3] =	ssyncset.done $0x0  }
0x223: {  	[sflag:s3] =	ssyncadd.s32 $0xFFFFFF80  }
0x224: {  	_ =	swait.ge [sflag:s3], $0x80  }
0x225: {  	[sflag:s3] =	ssyncset.done $0x0  }
0x226: {  	[sflag:s3] =	ssyncadd.s32 $0xFFFFFF80  }
0x227: {  	_ =	swait.ge [sflag:s3], $0x80  }
0x228: {  	[sflag:s3] =	ssyncset.done $0x0  }
0x229: {  	[sflag:s3] =	ssyncadd.s32 $0xFFFFFF80  }
0x22a: {  	_ =	swait.ge [sflag:s3], $0x80  }
0x22b: {  	[sflag:s3] =	ssyncset.done $0x0  }
0x22c: {  	[sflag:s3] =	ssyncadd.s32 $0xFFFFFF80  }
0x22d: {  	_ =	swait.ge [sflag:s3], $0x80  }
0x22e: {  	[sflag:s3] =	ssyncset.done $0x0  }
0x22f: {  	[sflag:s3] =	ssyncadd.s32 $0xFFFFFF80  }
0x230: {  	_ =	swait.ge [sflag:s3], $0x80  }
0x231: {  	[sflag:s3] =	ssyncset.done $0x0  }
0x232: {  	[sflag:s3] =	ssyncadd.s32 $0xFFFFFF80  }
0x233: {  	_ =	swait.ge [sflag:s3], $0x80  }
0x234: {  	[sflag:s3] =	ssyncset.done $0x0  }
0x235: {  	s26 =	simm.s32 $0xFC00;
	s31 =	simm.s32 $0x13C00;
	[sflag:s3] =	ssyncadd.s32 $0xFFFFFF80  }
0x236: {  	[tilespmem:s31], [sflag:$0x1] =	stream.indirect.gather [hbm4b:s5+s16], $0x1, s26, s16, $0xb8;
	[tilespmem:$0x17800] =	vst v63  }
0x237: {  	s12 =	simm.s32 $0xFC80;
	s13 =	simm.s32 $0x13C80  }
0x238: {  	[tilespmem:s13], [sflag:$0x1] =	stream.indirect.gather [hbm4b:s5+s16], $0x1, s12, s16, $0xb8;
	[tilespmem:$0x17800] =	vst v63  }
0x239: {  	s18 =	simm.s32 $0xFD00;
	s20 =	simm.s32 $0x13D00  }
0x23a: {  	[tilespmem:s20], [sflag:$0x1] =	stream.indirect.gather [hbm4b:s5+s16], $0x1, s18, s16, $0xb8;
	[tilespmem:$0x17800] =	vst v63  }
0x23b: {  	s22 =	simm.s32 $0xFD80;
	s24 =	simm.s32 $0x13D80  }
0x23c: {  	[tilespmem:s24], [sflag:$0x1] =	stream.indirect.gather [hbm4b:s5+s16], $0x1, s22, s16, $0xb8;
	[tilespmem:$0x17800] =	vst v63  }
0x23d: {  	s26 =	simm.s32 $0xFE00;
	s31 =	simm.s32 $0x13E00  }
0x23e: {  	[tilespmem:s31], [sflag:$0x1] =	stream.indirect.gather [hbm4b:s5+s16], $0x1, s26, s16, $0xb8;
	[tilespmem:$0x17800] =	vst v63  }
0x23f: {  	s12 =	simm.s32 $0xFE80;
	s13 =	simm.s32 $0x13E80  }
0x240: {  	[tilespmem:s13], [sflag:$0x1] =	stream.indirect.gather [hbm4b:s5+s16], $0x1, s12, s16, $0xb8;
	[tilespmem:$0x17800] =	vst v63  }
0x241: {  	s18 =	simm.s32 $0xFF00;
	s20 =	simm.s32 $0x13F00  }
0x242: {  	[tilespmem:s20], [sflag:$0x1] =	stream.indirect.gather [hbm4b:s5+s16], $0x1, s18, s16, $0xb8;
	[tilespmem:$0x17800] =	vst v63  }
0x243: {  	s22 =	simm.s32 $0xFF80;
	s24 =	simm.s32 $0x13F80  }
0x244: {  	[tilespmem:s24], [sflag:$0x1] =	stream.indirect.gather [hbm4b:s5+s16], $0x1, s22, s16, $0xb8;
	[tilespmem:$0x17800] =	vst v63  }
0x245: {  	_ =	swait.ge [sflag:s3], $0x80  }
0x246: {  	[sflag:s3] =	ssyncset.done $0x0  }
0x247: {  	[sflag:s3] =	ssyncadd.s32 $0xFFFFFF80  }
0x248: {  	_ =	swait.ge [sflag:s3], $0x80  }
0x249: {  	[sflag:s3] =	ssyncset.done $0x0  }
0x24a: {  	[sflag:s3] =	ssyncadd.s32 $0xFFFFFF80  }
0x24b: {  	_ =	swait.ge [sflag:s3], $0x80  }
0x24c: {  	[sflag:s3] =	ssyncset.done $0x0  }
0x24d: {  	[sflag:s3] =	ssyncadd.s32 $0xFFFFFF80  }
0x24e: {  	_ =	swait.ge [sflag:s3], $0x80  }
0x24f: {  	[sflag:s3] =	ssyncset.done $0x0  }
0x250: {  	[sflag:s3] =	ssyncadd.s32 $0xFFFFFF80  }
0x251: {  	_ =	swait.ge [sflag:s3], $0x80  }
0x252: {  	[sflag:s3] =	ssyncset.done $0x0  }
0x253: {  	[sflag:s3] =	ssyncadd.s32 $0xFFFFFF80  }
0x254: {  	_ =	swait.ge [sflag:s3], $0x80  }
0x255: {  	[sflag:s3] =	ssyncset.done $0x0  }
0x256: {  	[sflag:s3] =	ssyncadd.s32 $0xFFFFFF80  }
0x257: {  	_ =	swait.ge [sflag:s3], $0x80  }
0x258: {  	[sflag:s3] =	ssyncset.done $0x0  }
0x259: {  	[sflag:s3] =	ssyncadd.s32 $0xFFFFFF80  }
0x25a: {  	_ =	swait.ge [sflag:s3], $0x80  }
0x25b: {  	[sflag:s3] =	ssyncset.done $0x0  }
0x25c: {  	s26 =	simm.s32 $0x10000;
	s31 =	simm.s32 $0x14000;
	[sflag:s3] =	ssyncadd.s32 $0xFFFFFF80  }
0x25d: {  	[tilespmem:s31], [sflag:$0x1] =	stream.indirect.gather [hbm4b:s5+s16], $0x1, s26, s16, $0xb8;
	[tilespmem:$0x17800] =	vst v63  }
0x25e: {  	s12 =	simm.s32 $0x10080;
	s13 =	simm.s32 $0x14080  }
0x25f: {  	[tilespmem:s13], [sflag:$0x1] =	stream.indirect.gather [hbm4b:s5+s16], $0x1, s12, s16, $0xb8;
	[tilespmem:$0x17800] =	vst v63  }
0x260: {  	s18 =	simm.s32 $0x10100;
	s20 =	simm.s32 $0x14100  }
0x261: {  	[tilespmem:s20], [sflag:$0x1] =	stream.indirect.gather [hbm4b:s5+s16], $0x1, s18, s16, $0xb8;
	[tilespmem:$0x17800] =	vst v63  }
0x262: {  	s22 =	simm.s32 $0x10180;
	s24 =	simm.s32 $0x14180  }
0x263: {  	[tilespmem:s24], [sflag:$0x1] =	stream.indirect.gather [hbm4b:s5+s16], $0x1, s22, s16, $0xb8;
	[tilespmem:$0x17800] =	vst v63  }
0x264: {  	s26 =	simm.s32 $0x10200;
	s31 =	simm.s32 $0x14200  }
0x265: {  	[tilespmem:s31], [sflag:$0x1] =	stream.indirect.gather [hbm4b:s5+s16], $0x1, s26, s16, $0xb8;
	[tilespmem:$0x17800] =	vst v63  }
0x266: {  	s12 =	simm.s32 $0x10280;
	s13 =	simm.s32 $0x14280  }
0x267: {  	[tilespmem:s13], [sflag:$0x1] =	stream.indirect.gather [hbm4b:s5+s16], $0x1, s12, s16, $0xb8;
	[tilespmem:$0x17800] =	vst v63  }
0x268: {  	s18 =	simm.s32 $0x10300;
	s20 =	simm.s32 $0x14300  }
0x269: {  	[tilespmem:s20], [sflag:$0x1] =	stream.indirect.gather [hbm4b:s5+s16], $0x1, s18, s16, $0xb8;
	[tilespmem:$0x17800] =	vst v63  }
0x26a: {  	s22 =	simm.s32 $0x10380;
	s24 =	simm.s32 $0x14380  }
0x26b: {  	[tilespmem:s24], [sflag:$0x1] =	stream.indirect.gather [hbm4b:s5+s16], $0x1, s22, s16, $0xb8;
	[tilespmem:$0x17800] =	vst v63  }
0x26c: {  	_ =	swait.ge [sflag:s3], $0x80  }
0x26d: {  	[sflag:s3] =	ssyncset.done $0x0  }
0x26e: {  	[sflag:s3] =	ssyncadd.s32 $0xFFFFFF80  }
0x26f: {  	_ =	swait.ge [sflag:s3], $0x80  }
0x270: {  	[sflag:s3] =	ssyncset.done $0x0  }
0x271: {  	[sflag:s3] =	ssyncadd.s32 $0xFFFFFF80  }
0x272: {  	_ =	swait.ge [sflag:s3], $0x80  }
0x273: {  	[sflag:s3] =	ssyncset.done $0x0  }
0x274: {  	[sflag:s3] =	ssyncadd.s32 $0xFFFFFF80  }
0x275: {  	_ =	swait.ge [sflag:s3], $0x80  }
0x276: {  	[sflag:s3] =	ssyncset.done $0x0  }
0x277: {  	[sflag:s3] =	ssyncadd.s32 $0xFFFFFF80  }
0x278: {  	_ =	swait.ge [sflag:s3], $0x80  }
0x279: {  	[sflag:s3] =	ssyncset.done $0x0  }
0x27a: {  	[sflag:s3] =	ssyncadd.s32 $0xFFFFFF80  }
0x27b: {  	_ =	swait.ge [sflag:s3], $0x80  }
0x27c: {  	[sflag:s3] =	ssyncset.done $0x0  }
0x27d: {  	[sflag:s3] =	ssyncadd.s32 $0xFFFFFF80  }
0x27e: {  	_ =	swait.ge [sflag:s3], $0x80  }
0x27f: {  	[sflag:s3] =	ssyncset.done $0x0  }
0x280: {  	[sflag:s3] =	ssyncadd.s32 $0xFFFFFF80  }
0x281: {  	_ =	swait.ge [sflag:s3], $0x80  }
0x282: {  	[sflag:s3] =	ssyncset.done $0x0  }
0x283: {  	s26 =	simm.s32 $0x10400;
	s31 =	simm.s32 $0x14400;
	[sflag:s3] =	ssyncadd.s32 $0xFFFFFF80  }
0x284: {  	[tilespmem:s31], [sflag:$0x1] =	stream.indirect.gather [hbm4b:s5+s16], $0x1, s26, s16, $0xb8;
	[tilespmem:$0x17800] =	vst v63  }
0x285: {  	s12 =	simm.s32 $0x10480;
	s13 =	simm.s32 $0x14480  }
0x286: {  	[tilespmem:s13], [sflag:$0x1] =	stream.indirect.gather [hbm4b:s5+s16], $0x1, s12, s16, $0xb8;
	[tilespmem:$0x17800] =	vst v63  }
0x287: {  	s18 =	simm.s32 $0x10500;
	s20 =	simm.s32 $0x14500  }
0x288: {  	[tilespmem:s20], [sflag:$0x1] =	stream.indirect.gather [hbm4b:s5+s16], $0x1, s18, s16, $0xb8;
	[tilespmem:$0x17800] =	vst v63  }
0x289: {  	s22 =	simm.s32 $0x10580;
	s24 =	simm.s32 $0x14580  }
0x28a: {  	[tilespmem:s24], [sflag:$0x1] =	stream.indirect.gather [hbm4b:s5+s16], $0x1, s22, s16, $0xb8;
	[tilespmem:$0x17800] =	vst v63  }
0x28b: {  	s26 =	simm.s32 $0x10600;
	s31 =	simm.s32 $0x14600  }
0x28c: {  	[tilespmem:s31], [sflag:$0x1] =	stream.indirect.gather [hbm4b:s5+s16], $0x1, s26, s16, $0xb8;
	[tilespmem:$0x17800] =	vst v63  }
0x28d: {  	s12 =	simm.s32 $0x10680;
	s13 =	simm.s32 $0x14680  }
0x28e: {  	[tilespmem:s13], [sflag:$0x1] =	stream.indirect.gather [hbm4b:s5+s16], $0x1, s12, s16, $0xb8;
	[tilespmem:$0x17800] =	vst v63  }
0x28f: {  	s18 =	simm.s32 $0x10700;
	s20 =	simm.s32 $0x14700  }
0x290: {  	[tilespmem:s20], [sflag:$0x1] =	stream.indirect.gather [hbm4b:s5+s16], $0x1, s18, s16, $0xb8;
	[tilespmem:$0x17800] =	vst v63  }
0x291: {  	s22 =	simm.s32 $0x10780;
	s24 =	simm.s32 $0x14780  }
0x292: {  	[tilespmem:s24], [sflag:$0x1] =	stream.indirect.gather [hbm4b:s5+s16], $0x1, s22, s16, $0xb8;
	[tilespmem:$0x17800] =	vst v63  }
0x293: {  	_ =	swait.ge [sflag:s3], $0x80  }
0x294: {  	[sflag:s3] =	ssyncset.done $0x0  }
0x295: {  	[sflag:s3] =	ssyncadd.s32 $0xFFFFFF80  }
0x296: {  	_ =	swait.ge [sflag:s3], $0x80  }
0x297: {  	[sflag:s3] =	ssyncset.done $0x0  }
0x298: {  	[sflag:s3] =	ssyncadd.s32 $0xFFFFFF80  }
0x299: {  	_ =	swait.ge [sflag:s3], $0x80  }
0x29a: {  	[sflag:s3] =	ssyncset.done $0x0  }
0x29b: {  	[sflag:s3] =	ssyncadd.s32 $0xFFFFFF80  }
0x29c: {  	_ =	swait.ge [sflag:s3], $0x80  }
0x29d: {  	[sflag:s3] =	ssyncset.done $0x0  }
0x29e: {  	[sflag:s3] =	ssyncadd.s32 $0xFFFFFF80  }
0x29f: {  	_ =	swait.ge [sflag:s3], $0x80  }
0x2a0: {  	[sflag:s3] =	ssyncset.done $0x0  }
0x2a1: {  	[sflag:s3] =	ssyncadd.s32 $0xFFFFFF80  }
0x2a2: {  	_ =	swait.ge [sflag:s3], $0x80  }
0x2a3: {  	[sflag:s3] =	ssyncset.done $0x0  }
0x2a4: {  	[sflag:s3] =	ssyncadd.s32 $0xFFFFFF80  }
0x2a5: {  	_ =	swait.ge [sflag:s3], $0x80  }
0x2a6: {  	[sflag:s3] =	ssyncset.done $0x0  }
0x2a7: {  	[sflag:s3] =	ssyncadd.s32 $0xFFFFFF80  }
0x2a8: {  	_ =	swait.ge [sflag:s3], $0x80  }
0x2a9: {  	[sflag:s3] =	ssyncset.done $0x0  }
0x2aa: {  	s26 =	simm.s32 $0x10800;
	s31 =	simm.s32 $0x14800;
	[sflag:s3] =	ssyncadd.s32 $0xFFFFFF80  }
0x2ab: {  	[tilespmem:s31], [sflag:$0x1] =	stream.indirect.gather [hbm4b:s5+s16], $0x1, s26, s16, $0xb8;
	[tilespmem:$0x17800] =	vst v63  }
0x2ac: {  	s12 =	simm.s32 $0x10880;
	s13 =	simm.s32 $0x14880  }
0x2ad: {  	[tilespmem:s13], [sflag:$0x1] =	stream.indirect.gather [hbm4b:s5+s16], $0x1, s12, s16, $0xb8;
	[tilespmem:$0x17800] =	vst v63  }
0x2ae: {  	s18 =	simm.s32 $0x10900;
	s20 =	simm.s32 $0x14900  }
0x2af: {  	[tilespmem:s20], [sflag:$0x1] =	stream.indirect.gather [hbm4b:s5+s16], $0x1, s18, s16, $0xb8;
	[tilespmem:$0x17800] =	vst v63  }
0x2b0: {  	s22 =	simm.s32 $0x10980;
	s24 =	simm.s32 $0x14980  }
0x2b1: {  	[tilespmem:s24], [sflag:$0x1] =	stream.indirect.gather [hbm4b:s5+s16], $0x1, s22, s16, $0xb8;
	[tilespmem:$0x17800] =	vst v63  }
0x2b2: {  	s26 =	simm.s32 $0x10A00;
	s31 =	simm.s32 $0x14A00  }
0x2b3: {  	[tilespmem:s31], [sflag:$0x1] =	stream.indirect.gather [hbm4b:s5+s16], $0x1, s26, s16, $0xb8;
	[tilespmem:$0x17800] =	vst v63  }
0x2b4: {  	s12 =	simm.s32 $0x10A80;
	s13 =	simm.s32 $0x14A80  }
0x2b5: {  	[tilespmem:s13], [sflag:$0x1] =	stream.indirect.gather [hbm4b:s5+s16], $0x1, s12, s16, $0xb8;
	[tilespmem:$0x17800] =	vst v63  }
0x2b6: {  	s18 =	simm.s32 $0x10B00;
	s20 =	simm.s32 $0x14B00  }
0x2b7: {  	[tilespmem:s20], [sflag:$0x1] =	stream.indirect.gather [hbm4b:s5+s16], $0x1, s18, s16, $0xb8;
	[tilespmem:$0x17800] =	vst v63  }
0x2b8: {  	s22 =	simm.s32 $0x10B80;
	s24 =	simm.s32 $0x14B80  }
0x2b9: {  	[tilespmem:s24], [sflag:$0x1] =	stream.indirect.gather [hbm4b:s5+s16], $0x1, s22, s16, $0xb8;
	[tilespmem:$0x17800] =	vst v63  }
0x2ba: {  	_ =	swait.ge [sflag:s3], $0x80  }
0x2bb: {  	[sflag:s3] =	ssyncset.done $0x0  }
0x2bc: {  	[sflag:s3] =	ssyncadd.s32 $0xFFFFFF80  }
0x2bd: {  	_ =	swait.ge [sflag:s3], $0x80  }
0x2be: {  	[sflag:s3] =	ssyncset.done $0x0  }
0x2bf: {  	[sflag:s3] =	ssyncadd.s32 $0xFFFFFF80  }
0x2c0: {  	_ =	swait.ge [sflag:s3], $0x80  }
0x2c1: {  	[sflag:s3] =	ssyncset.done $0x0  }
0x2c2: {  	[sflag:s3] =	ssyncadd.s32 $0xFFFFFF80  }
0x2c3: {  	_ =	swait.ge [sflag:s3], $0x80  }
0x2c4: {  	[sflag:s3] =	ssyncset.done $0x0  }
0x2c5: {  	[sflag:s3] =	ssyncadd.s32 $0xFFFFFF80  }
0x2c6: {  	_ =	swait.ge [sflag:s3], $0x80  }
0x2c7: {  	[sflag:s3] =	ssyncset.done $0x0  }
0x2c8: {  	[sflag:s3] =	ssyncadd.s32 $0xFFFFFF80  }
0x2c9: {  	_ =	swait.ge [sflag:s3], $0x80  }
0x2ca: {  	[sflag:s3] =	ssyncset.done $0x0  }
0x2cb: {  	[sflag:s3] =	ssyncadd.s32 $0xFFFFFF80  }
0x2cc: {  	_ =	swait.ge [sflag:s3], $0x80  }
0x2cd: {  	[sflag:s3] =	ssyncset.done $0x0  }
0x2ce: {  	[sflag:s3] =	ssyncadd.s32 $0xFFFFFF80  }
0x2cf: {  	_ =	swait.ge [sflag:s3], $0x80  }
0x2d0: {  	[sflag:s3] =	ssyncset.done $0x0  }
0x2d1: {  	s26 =	simm.s32 $0x10C00;
	s31 =	simm.s32 $0x14C00;
	[sflag:s3] =	ssyncadd.s32 $0xFFFFFF80  }
0x2d2: {  	[tilespmem:s31], [sflag:$0x1] =	stream.indirect.gather [hbm4b:s5+s16], $0x1, s26, s16, $0xb8;
	[tilespmem:$0x17800] =	vst v63  }
0x2d3: {  	s12 =	simm.s32 $0x10C80;
	s13 =	simm.s32 $0x14C80  }
0x2d4: {  	[tilespmem:s13], [sflag:$0x1] =	stream.indirect.gather [hbm4b:s5+s16], $0x1, s12, s16, $0xb8;
	[tilespmem:$0x17800] =	vst v63  }
0x2d5: {  	s18 =	simm.s32 $0x10D00;
	s20 =	simm.s32 $0x14D00  }
0x2d6: {  	[tilespmem:s20], [sflag:$0x1] =	stream.indirect.gather [hbm4b:s5+s16], $0x1, s18, s16, $0xb8;
	[tilespmem:$0x17800] =	vst v63  }
0x2d7: {  	s22 =	simm.s32 $0x10D80;
	s24 =	simm.s32 $0x14D80  }
0x2d8: {  	[tilespmem:s24], [sflag:$0x1] =	stream.indirect.gather [hbm4b:s5+s16], $0x1, s22, s16, $0xb8;
	[tilespmem:$0x17800] =	vst v63  }
0x2d9: {  	s26 =	simm.s32 $0x10E00;
	s31 =	simm.s32 $0x14E00  }
0x2da: {  	[tilespmem:s31], [sflag:$0x1] =	stream.indirect.gather [hbm4b:s5+s16], $0x1, s26, s16, $0xb8;
	[tilespmem:$0x17800] =	vst v63  }
0x2db: {  	s12 =	simm.s32 $0x10E80;
	s13 =	simm.s32 $0x14E80  }
0x2dc: {  	[tilespmem:s13], [sflag:$0x1] =	stream.indirect.gather [hbm4b:s5+s16], $0x1, s12, s16, $0xb8;
	[tilespmem:$0x17800] =	vst v63  }
0x2dd: {  	s18 =	simm.s32 $0x10F00;
	s20 =	simm.s32 $0x14F00  }
0x2de: {  	[tilespmem:s20], [sflag:$0x1] =	stream.indirect.gather [hbm4b:s5+s16], $0x1, s18, s16, $0xb8;
	[tilespmem:$0x17800] =	vst v63  }
0x2df: {  	s22 =	simm.s32 $0x10F80;
	s24 =	simm.s32 $0x14F80  }
0x2e0: {  	[tilespmem:s24], [sflag:$0x1] =	stream.indirect.gather [hbm4b:s5+s16], $0x1, s22, s16, $0xb8;
	[tilespmem:$0x17800] =	vst v63  }
0x2e1: {  	_ =	swait.ge [sflag:s3], $0x80  }
0x2e2: {  	[sflag:s3] =	ssyncset.done $0x0  }
0x2e3: {  	[sflag:s3] =	ssyncadd.s32 $0xFFFFFF80  }
0x2e4: {  	_ =	swait.ge [sflag:s3], $0x80  }
0x2e5: {  	[sflag:s3] =	ssyncset.done $0x0  }
0x2e6: {  	[sflag:s3] =	ssyncadd.s32 $0xFFFFFF80  }
0x2e7: {  	_ =	swait.ge [sflag:s3], $0x80  }
0x2e8: {  	[sflag:s3] =	ssyncset.done $0x0  }
0x2e9: {  	[sflag:s3] =	ssyncadd.s32 $0xFFFFFF80  }
0x2ea: {  	_ =	swait.ge [sflag:s3], $0x80  }
0x2eb: {  	[sflag:s3] =	ssyncset.done $0x0  }
0x2ec: {  	[sflag:s3] =	ssyncadd.s32 $0xFFFFFF80  }
0x2ed: {  	_ =	swait.ge [sflag:s3], $0x80  }
0x2ee: {  	[sflag:s3] =	ssyncset.done $0x0  }
0x2ef: {  	[sflag:s3] =	ssyncadd.s32 $0xFFFFFF80  }
0x2f0: {  	_ =	swait.ge [sflag:s3], $0x80  }
0x2f1: {  	[sflag:s3] =	ssyncset.done $0x0  }
0x2f2: {  	[sflag:s3] =	ssyncadd.s32 $0xFFFFFF80  }
0x2f3: {  	_ =	swait.ge [sflag:s3], $0x80  }
0x2f4: {  	[sflag:s3] =	ssyncset.done $0x0  }
0x2f5: {  	[sflag:s3] =	ssyncadd.s32 $0xFFFFFF80  }
0x2f6: {  	_ =	swait.ge [sflag:s3], $0x80  }
0x2f7: {  	[sflag:s3] =	ssyncset.done $0x0  }
0x2f8: {  	s26 =	simm.s32 $0x11000;
	s31 =	simm.s32 $0x15000;
	[sflag:s3] =	ssyncadd.s32 $0xFFFFFF80  }
0x2f9: {  	[tilespmem:s31], [sflag:$0x1] =	stream.indirect.gather [hbm4b:s5+s16], $0x1, s26, s16, $0xb8;
	[tilespmem:$0x17800] =	vst v63  }
0x2fa: {  	s12 =	simm.s32 $0x11080;
	s13 =	simm.s32 $0x15080  }
0x2fb: {  	[tilespmem:s13], [sflag:$0x1] =	stream.indirect.gather [hbm4b:s5+s16], $0x1, s12, s16, $0xb8;
	[tilespmem:$0x17800] =	vst v63  }
0x2fc: {  	s18 =	simm.s32 $0x11100;
	s20 =	simm.s32 $0x15100  }
0x2fd: {  	[tilespmem:s20], [sflag:$0x1] =	stream.indirect.gather [hbm4b:s5+s16], $0x1, s18, s16, $0xb8;
	[tilespmem:$0x17800] =	vst v63  }
0x2fe: {  	s22 =	simm.s32 $0x11180;
	s24 =	simm.s32 $0x15180  }
0x2ff: {  	[tilespmem:s24], [sflag:$0x1] =	stream.indirect.gather [hbm4b:s5+s16], $0x1, s22, s16, $0xb8;
	[tilespmem:$0x17800] =	vst v63  }
0x300: {  	s26 =	simm.s32 $0x11200;
	s31 =	simm.s32 $0x15200  }
0x301: {  	[tilespmem:s31], [sflag:$0x1] =	stream.indirect.gather [hbm4b:s5+s16], $0x1, s26, s16, $0xb8;
	[tilespmem:$0x17800] =	vst v63  }
0x302: {  	s12 =	simm.s32 $0x11280;
	s13 =	simm.s32 $0x15280  }
0x303: {  	[tilespmem:s13], [sflag:$0x1] =	stream.indirect.gather [hbm4b:s5+s16], $0x1, s12, s16, $0xb8;
	[tilespmem:$0x17800] =	vst v63  }
0x304: {  	s18 =	simm.s32 $0x11300;
	s20 =	simm.s32 $0x15300  }
0x305: {  	[tilespmem:s20], [sflag:$0x1] =	stream.indirect.gather [hbm4b:s5+s16], $0x1, s18, s16, $0xb8;
	[tilespmem:$0x17800] =	vst v63  }
0x306: {  	s22 =	simm.s32 $0x11380;
	s24 =	simm.s32 $0x15380  }
0x307: {  	[tilespmem:s24], [sflag:$0x1] =	stream.indirect.gather [hbm4b:s5+s16], $0x1, s22, s16, $0xb8;
	[tilespmem:$0x17800] =	vst v63  }
0x308: {  	_ =	swait.ge [sflag:s3], $0x80  }
0x309: {  	[sflag:s3] =	ssyncset.done $0x0  }
0x30a: {  	[sflag:s3] =	ssyncadd.s32 $0xFFFFFF80  }
0x30b: {  	_ =	swait.ge [sflag:s3], $0x80  }
0x30c: {  	[sflag:s3] =	ssyncset.done $0x0  }
0x30d: {  	[sflag:s3] =	ssyncadd.s32 $0xFFFFFF80  }
0x30e: {  	_ =	swait.ge [sflag:s3], $0x80  }
0x30f: {  	[sflag:s3] =	ssyncset.done $0x0  }
0x310: {  	[sflag:s3] =	ssyncadd.s32 $0xFFFFFF80  }
0x311: {  	_ =	swait.ge [sflag:s3], $0x80  }
0x312: {  	[sflag:s3] =	ssyncset.done $0x0  }
0x313: {  	[sflag:s3] =	ssyncadd.s32 $0xFFFFFF80  }
0x314: {  	_ =	swait.ge [sflag:s3], $0x80  }
0x315: {  	[sflag:s3] =	ssyncset.done $0x0  }
0x316: {  	[sflag:s3] =	ssyncadd.s32 $0xFFFFFF80  }
0x317: {  	_ =	swait.ge [sflag:s3], $0x80  }
0x318: {  	[sflag:s3] =	ssyncset.done $0x0  }
0x319: {  	[sflag:s3] =	ssyncadd.s32 $0xFFFFFF80  }
0x31a: {  	_ =	swait.ge [sflag:s3], $0x80  }
0x31b: {  	[sflag:s3] =	ssyncset.done $0x0  }
0x31c: {  	[sflag:s3] =	ssyncadd.s32 $0xFFFFFF80  }
0x31d: {  	_ =	swait.ge [sflag:s3], $0x80  }
0x31e: {  	[sflag:s3] =	ssyncset.done $0x0  }
0x31f: {  	s26 =	simm.s32 $0x11400;
	s31 =	simm.s32 $0x15400;
	[sflag:s3] =	ssyncadd.s32 $0xFFFFFF80  }
0x320: {  	[tilespmem:s31], [sflag:$0x1] =	stream.indirect.gather [hbm4b:s5+s16], $0x1, s26, s16, $0xb8;
	[tilespmem:$0x17800] =	vst v63  }
0x321: {  	s12 =	simm.s32 $0x11480;
	s13 =	simm.s32 $0x15480  }
0x322: {  	[tilespmem:s13], [sflag:$0x1] =	stream.indirect.gather [hbm4b:s5+s16], $0x1, s12, s16, $0xb8;
	[tilespmem:$0x17800] =	vst v63  }
0x323: {  	s18 =	simm.s32 $0x15500  }
0x324: {  	[tilespmem:s18], [sflag:$0x1] =	stream.indirect.gather [hbm4b:s5+s16], $0x1, s29, s16, $0xb8;
	[tilespmem:$0x17800] =	vst v63  }
0x325: {  	s20 =	simm.s32 $0x15580  }
0x326: {  	[tilespmem:s20], [sflag:$0x1] =	stream.indirect.gather [hbm4b:s5+s16], $0x1, s8, s16, $0xb8;
	[tilespmem:$0x17800] =	vst v63  }
0x327: {  	s22 =	simm.s32 $0x15600  }
0x328: {  	[tilespmem:s22], [sflag:$0x1] =	stream.indirect.gather [hbm4b:s5+s16], $0x1, s11, s16, $0xb8;
	[tilespmem:$0x17800] =	vst v63  }
0x329: {  	s24 =	simm.s32 $0x15680  }
0x32a: {  	[tilespmem:s24], [sflag:$0x1] =	stream.indirect.gather [hbm4b:s5+s16], $0x1, s10, s16, $0xb8;
	[tilespmem:$0x17800] =	vst v63  }
0x32b: {  	s26 =	simm.s32 $0x15700  }
0x32c: {  	[tilespmem:s26], [sflag:$0x1] =	stream.indirect.gather [hbm4b:s5+s16], $0x1, s0, s16, $0xb8;
	[tilespmem:$0x17800] =	vst v63  }
0x32d: {  	s31 =	simm.s32 $0x15780  }
0x32e: {  	[tilespmem:s31], [sflag:$0x1] =	stream.indirect.gather [hbm4b:s5+s16], $0x1, s17, s16, $0xb8;
	[tilespmem:$0x17800] =	vst v63  }
0x32f: {  	_ =	swait.ge [sflag:s3], $0x80  }
0x330: {  	[sflag:s3] =	ssyncset.done $0x0  }
0x331: {  	[sflag:s3] =	ssyncadd.s32 $0xFFFFFF80  }
0x332: {  	_ =	swait.ge [sflag:s3], $0x80  }
0x333: {  	[sflag:s3] =	ssyncset.done $0x0  }
0x334: {  	[sflag:s3] =	ssyncadd.s32 $0xFFFFFF80  }
0x335: {  	_ =	swait.ge [sflag:s3], $0x80  }
0x336: {  	[sflag:s3] =	ssyncset.done $0x0  }
0x337: {  	[sflag:s3] =	ssyncadd.s32 $0xFFFFFF80  }
0x338: {  	_ =	swait.ge [sflag:s3], $0x80  }
0x339: {  	[sflag:s3] =	ssyncset.done $0x0  }
0x33a: {  	[sflag:s3] =	ssyncadd.s32 $0xFFFFFF80  }
0x33b: {  	_ =	swait.ge [sflag:s3], $0x80  }
0x33c: {  	[sflag:s3] =	ssyncset.done $0x0  }
0x33d: {  	[sflag:s3] =	ssyncadd.s32 $0xFFFFFF80  }
0x33e: {  	_ =	swait.ge [sflag:s3], $0x80  }
0x33f: {  	[sflag:s3] =	ssyncset.done $0x0  }
0x340: {  	[sflag:s3] =	ssyncadd.s32 $0xFFFFFF80  }
0x341: {  	_ =	swait.ge [sflag:s3], $0x80  }
0x342: {  	[sflag:s3] =	ssyncset.done $0x0  }
0x343: {  	[sflag:s3] =	ssyncadd.s32 $0xFFFFFF80  }
0x344: {  	_ =	swait.ge [sflag:s3], $0x80  }
0x345: {  	[sflag:s3] =	ssyncset.done $0x0  }
0x346: {  	s30 =	simm.s32 $0x0;
	s1 =	simm.s32 $0x0;
	[sflag:s3] =	ssyncadd.s32 $0xFFFFFF80  }
.LBB2_14:
0x347: {  	s12 =	sshll.u32 s1, $0xA  }
0x348: {  	s12 =	sshrl.u32 s12, $0x2  }
0x349: {  	s13 =	sand.u32 $0x80, s30;
	s18 =	sadd.s32 $0x13800, s12  }
0x34a: {  	s20 =	sand.u32 $0x70, s30;
	s13 =	sadd.s32 s13, s18  }
0x34b: {  	s13 =	sadd.s32 s20, s13  }
0x34c: {  	v3 =	vld [tilespmem:s13+$0x0];
	_ =	sdelay $0x4  }
0x34d: {  	(xrf0) =	vmin.scan.msk.f32 $0xffff, v3;
	_ =	sdelay $0x5  }
0x34e: {  	v2, _, _ =	vpop (xrf0)  }
0x34f: {  	(v2sf) =	vpush v2, $0xF;
	_ =	sdelay $0x3  }
0x350: {  	s24 =	sshll.u32 s1, $0x7;
	v4 =	vmov s30  }
0x351: {  	v4 =	vand.u32 $0x7F, v4;
	v2 =	vmov s24  }
0x352: {  	v4 =	vadd.s32 v2, v4  }
0x353: {  	v4 =	vbroadcast v4, $0x0;
	_ =	sdelay $0x5  }
0x354: {  	v4 =	vld.idx.msk [tilespmem:v4+s19+$0x0], $0xffff;
	_ =	sdelay $0x1  }
0x355: {  	s22 =	simm.f32 $3.000000010e+38;
	s26 =	spop (v2sf)  }
0x356: {  	p0 =	slt.f32 s26, s22;
	_ =	sdelay $0x1  }
0x357: {  	v4 =	vshll.u32 @p0 v4, $0x4;
	v5 =	vlaneseq.u32 @p0  }
0x358: {  	v4 =	vor.u32 @p0 v5, v4  }
0x359: {  	(xrf1) =	vsort.ascd.msk.f32 @p0 $0xffff, v3, v4;
	_ =	sdelay $0xb  }
0x35a: {  	v3 =	vmul.u32 @p0 $0xFFFFFFFF, v5;
	_ =	sdelay $0x1  }
0x35b: {  	v3 =	vadd.s32 @p0 $0xF, v3;
	v4, v5, _ =	vpop @p0 (xrf1)  }
0x35c: {  	v6 =	vperm.xlane @p0 v4, v3  }
0x35d: {  	v4 =	vimm.f32 $3.000000010e+38;
	v5 =	vperm.xlane @p0 v5, v3  }
0x35e: {  	v3 =	vimm.s32 $0x0;
	vm0 =	vle.f32 @p0 v4, v6  }
0x35f: {  	v6 =	vsel @p0 vm0, v4, v6;
	v5 =	vsel @p0 vm0, v3, v5  }
0x360: {  	(xrf1) =	vsort.ascd.msk.f32 @p0 $0xffff, v6, v5;
	_ =	sdelay $0x6  }
0x361: {  	s31 =	simm.s32 $0x10;
	s26 =	simm.s32 $0x1  }
.LBB2_15:
0x362: {  	s13 =	sand.u32 $0x80, s31;
	s20 =	smov.u32 s26;
	s26 =	sadd.s32 $0x1, s26  }
0x363: {  	s24 =	sand.u32 $0x70, s31;
	s13 =	sadd.s32 s13, s18;
	p1 =	sne.s32 s26, $0x10  }
0x364: {  	s13 =	sadd.s32 s24, s13  }
0x365: {  	v5 =	vld [tilespmem:s13+$0x0];
	_ =	sdelay $0x2  }
0x366: {  	v6, v7, _ =	vpop @p0 (xrf1)  }
0x367: {  	v4 =	vpsel p0, v6, v4;
	v3 =	vpsel p0, v7, v3;
	(xrf0) =	vmax.scan.msk.f32 @p0 $0xffff, v6  }
0x368: {  	(xrf0) =	vmin.scan.msk.f32 $0xffff, v5;
	_ =	sdelay $0x4  }
0x369: {  	v6, _, _ =	vpop @p0 (xrf0)  }
0x36a: {  	v7, _, _ =	vpop (xrf0);
	(v2sf) =	vpush @p0 v6, $0xF  }
0x36b: {  	(v2sf) =	vpush v7, $0xF;
	_ =	sdelay $0x2  }
0x36c: {  	v6 =	vmov s20  }
0x36d: {  	v6 =	vand.u32 $0x7F, v6  }
0x36e: {  	v6 =	vadd.s32 v2, v6  }
0x36f: {  	v6 =	vbroadcast v6, $0x0;
	_ =	sdelay $0x5  }
0x370: {  	v6 =	vld.idx.msk [tilespmem:v6+s19+$0x0], $0xffff;
	_ =	sdelay $0x1  }
0x371: {  	s13 =	spop @p0 (v2sf)  }
0x372: {  	s20 =	spop (v2sf);
	s22 =	smov.u32 @p0 s13  }
0x373: {  	p0 =	slt.f32 s20, s22;
	_ =	sdelay $0x1  }
0x374: {  	v6 =	vshll.u32 @p0 v6, $0x4;
	v7 =	vlaneseq.u32 @p0  }
0x375: {  	v6 =	vor.u32 @p0 v7, v6  }
0x376: {  	(xrf1) =	vsort.ascd.msk.f32 @p0 $0xffff, v5, v6;
	_ =	sdelay $0xb  }
0x377: {  	v5 =	vmul.u32 @p0 $0xFFFFFFFF, v7;
	_ =	sdelay $0x1  }
0x378: {  	v5 =	vadd.s32 @p0 $0xF, v5;
	v6, v7, _ =	vpop @p0 (xrf1)  }
0x379: {  	v6 =	vperm.xlane @p0 v6, v5  }
0x37a: {  	v5 =	vperm.xlane @p0 v7, v5  }
0x37b: {  	vm0 =	vle.f32 @p0 v4, v6  }
0x37c: {  	v6 =	vsel @p0 vm0, v4, v6;
	v5 =	vsel @p0 vm0, v3, v5  }
0x37d: {  	(xrf1) =	vsort.ascd.msk.f32 @p0 $0xffff, v6, v5;
	_ =	sdelay $0x2  }
.Ltmp6:
0x37e: {  	(pc) =	sbr.rel @p1 .LBB2_15-.Ltmp6, $2  }
0x37f: {  	_ =	sdelay $0x2  }
0x380: {  	s31 =	sadd.s32 $0x10, s31  }
0x381: {  	_ =	sdelay $0x5  }
0x382: {  	v5, v6, _ =	vpop @p0 (xrf1)  }
0x383: {  	v4 =	vpsel p0, v5, v4  }
0x384: {  	v4 =	vmax.f32 v4, $9.999999960e-13  }
0x385: {  	v7 =	vshra.s32 v4, $0x1;
	v8 =	vmul.f32 $5.000000000e-01, v4  }
0x386: {  	v7 =	vsub.s32 $0x5F3759DF, v7  }
0x387: {  	v9 =	vmul.f32 v7, v8;
	_ =	sdelay $0x1  }
0x388: {  	v9 =	vmul.f32 v7, v9;
	_ =	sdelay $0x1  }
0x389: {  	v9 =	vsub.f32 $1.500000000e+00, v9;
	_ =	sdelay $0x1  }
0x38a: {  	v7 =	vmul.f32 v7, v9;
	_ =	sdelay $0x1  }
0x38b: {  	v9 =	vmul.f32 v7, v8;
	_ =	sdelay $0x1  }
0x38c: {  	v9 =	vmul.f32 v9, v7;
	_ =	sdelay $0x1  }
0x38d: {  	v9 =	vsub.f32 $1.500000000e+00, v9;
	_ =	sdelay $0x1  }
0x38e: {  	v7 =	vmul.f32 v9, v7;
	_ =	sdelay $0x1  }
0x38f: {  	v8 =	vmul.f32 v7, v8;
	_ =	sdelay $0x1  }
0x390: {  	v8 =	vmul.f32 v8, v7;
	_ =	sdelay $0x1  }
0x391: {  	v8 =	vsub.f32 $1.500000000e+00, v8;
	_ =	sdelay $0x1  }
0x392: {  	v7 =	vmul.f32 v8, v7;
	_ =	sdelay $0x1  }
0x393: {  	v4 =	vmul.f32 v7, v4  }
0x394: {  	(xrf0) =	vmax.scan.msk.f32 @p0 $0xffff, v5  }
0x395: {  	(xrf0) =	vmin.scan.msk.f32 $0xffff, v4;
	_ =	sdelay $0x4  }
0x396: {  	v5, _, _ =	vpop @p0 (xrf0)  }
0x397: {  	v7, _, _ =	vpop (xrf0)  }
0x398: {  	v7 =	vbroadcast v7, $0xF;
	_ =	sdelay $0x1  }
0x399: {  	v4 =	vsub.f32 v7, v4;
	_ =	sdelay $0x1  }
0x39a: {  	v4 =	vmul.f32 $1.442695020e+00, v4;
	_ =	sdelay $0x1  }
0x39b: {  	(erf) = vpow2.f32 v4;
	_ =	sdelay $0x8  }
0x39c: {  	v4 =	vpop (erf)  }
0x39d: {  	(xrf2) =	vadd.scan.msk.f32 $0xffff, v4;
	_ =	sdelay $0x9  }
0x39e: {  	v7, _, _ =	vpop (xrf2)  }
0x39f: {  	v7 =	vbroadcast v7, $0xF;
	_ =	sdelay $0x1  }
0x3a0: {  	(erf) = vrcp.f32 v7;
	_ =	sdelay $0x3  }
0x3a1: {  	s18 =	simm.s32 $0x0  }
0x3a2: {  	v62 =	vmov s18;
	v7 =	vbroadcast v2, $0x0  }
0x3a3: {  	v8 =	vand.u32 $0x7F, v62  }
0x3a4: {  	(v2sf) =	vpush @p0 v5, $0xF;
	v5 =	vor.u32 v0, v7;
	v7 =	vor.u32 v2, v8  }
0x3a5: {  	v7 =	vbroadcast v7, $0x0  }
0x3a6: {  	v63 =	vpop (erf)  }
0x3a7: {  	v4 =	vmul.f32 v63, v4;
	_ =	sdelay $0x1  }
0x3a8: {  	s13 =	simm.s32 $0x1;
	v3 =	vpsel p0, v6, v3;
	[tilespmem:v5+s21+$0x0] =	vst.idx.msk $0xffff, v4  }
0x3a9: {  	[tilespmem:v5+s23+$0x0] =	vst.idx.msk $0xffff, v3;
	v3 =	vmov s13  }
0x3aa: {  	v4 =	vld.idx.msk [tilespmem:v7+s23+$0x0], $0xffff;
	v3 =	vand.u32 $0x7F, v3  }
0x3ab: {  	v3 =	vor.u32 v2, v3  }
0x3ac: {  	v3 =	vbroadcast v3, $0x0;
	_ =	sdelay $0x1  }
0x3ad: {  	s12 =	sadd.s32 $0xF800, s12;
	s26 =	sand.u32 $0x80, s18  }
0x3ae: {  	s20 =	sand.u32 $0x70, s18;
	s13 =	sadd.s32 s26, s12;
	v4 =	vshll.u32 v4, $0x4  }
0x3af: {  	s13 =	sadd.s32 s20, s13;
	v4 =	vor.u32 v0, v4  }
0x3b0: {  	s31 =	simm.s32 $0x2;
	[tilespmem:s13+$0x0] =	vst v4  }
0x3b1: {  	s22 =	simm.s32 $0x3;
	s13 =	spop @p0 (v2sf);
	v4 =	vmov s31;
	v3 =	vld.idx.msk [tilespmem:v3+s23+$0x0], $0xffff  }
.LBB2_17:
0x3b2: {  	p0 =	sne.s32 s22, $0xF;
	v4 =	vand.u32 $0x7F, v4  }
0x3b3: {  	v4 =	vor.u32 v2, v4  }
0x3b4: {  	v5 =	vbroadcast v4, $0x0  }
0x3b5: {  	s18 =	sadd.s32 $0x10, s18  }
.Ltmp7:
0x3b6: {  	s13 =	sand.u32 $0x80, s18;
	(pc) =	sbr.rel @p0 .LBB2_17-.Ltmp7, $4  }
0x3b7: {  	s20 =	sand.u32 $0x70, s18;
	s13 =	sadd.s32 s13, s12;
	v3 =	vshll.u32 v3, $0x4  }
0x3b8: {  	s13 =	sadd.s32 s20, s13;
	v3 =	vor.u32 v0, v3  }
0x3b9: {  	[tilespmem:s13+$0x0] =	vst v3  }
0x3ba: {  	v4 =	vmov s22;
	s22 =	sadd.s32 $0x1, s22;
	v3 =	vld.idx.msk [tilespmem:v5+s23+$0x0], $0xffff  }
0x3bb: {  	v4 =	vand.u32 $0x7F, v4  }
0x3bc: {  	v2 =	vor.u32 v2, v4  }
0x3bd: {  	v2 =	vbroadcast v2, $0x0  }
0x3be: {  	s13 =	sadd.s32 $0x10, s18  }
0x3bf: {  	s18 =	sand.u32 $0x80, s13  }
0x3c0: {  	s20 =	sand.u32 $0x70, s13;
	s18 =	sadd.s32 s18, s12;
	v3 =	vshll.u32 v3, $0x4  }
0x3c1: {  	s18 =	sadd.s32 s20, s18;
	v3 =	vor.u32 v0, v3  }
0x3c2: {  	[tilespmem:s18+$0x0] =	vst v3  }
0x3c3: {  	v2 =	vld.idx.msk [tilespmem:v2+s23+$0x0], $0xffff  }
0x3c4: {  	s1 =	sadd.s32 $0x1, s1  }
0x3c5: {  	p0 =	sne.s32 s1, $0x20  }
.Ltmp8:
0x3c6: {  	s13 =	sadd.s32 $0x10, s13;
	(pc) =	sbr.rel @p0 .LBB2_14-.Ltmp8, $4  }
0x3c7: {  	s26 =	sand.u32 $0x80, s13  }
0x3c8: {  	s13 =	sand.u32 $0x70, s13;
	s31 =	sadd.s32 s26, s12;
	v2 =	vshll.u32 v2, $0x4  }
0x3c9: {  	s12 =	sadd.s32 s13, s31;
	v2 =	vor.u32 v0, v2  }
0x3ca: {  	[tilespmem:s12+$0x0] =	vst v2  }
0x3cb: {  	s1 =	simm.s32 $0xF800;
	s24 =	simm.s32 $0x11800  }
0x3cc: {  	[tilespmem:s24], [sflag:$0x1] =	stream.indirect.gather [hbm4b:s6+s16], $0x1, s1, s16, $0xb8;
	[tilespmem:$0x17800] =	vst v63  }
0x3cd: {  	s20 =	simm.s32 $0xF880;
	s31 =	simm.s32 $0x11880  }
0x3ce: {  	[tilespmem:s31], [sflag:$0x1] =	stream.indirect.gather [hbm4b:s6+s16], $0x1, s20, s16, $0xb8;
	[tilespmem:$0x17800] =	vst v63  }
0x3cf: {  	s22 =	simm.s32 $0xF900;
	s12 =	simm.s32 $0x11900  }
0x3d0: {  	[tilespmem:s12], [sflag:$0x1] =	stream.indirect.gather [hbm4b:s6+s16], $0x1, s22, s16, $0xb8;
	[tilespmem:$0x17800] =	vst v63  }
0x3d1: {  	s26 =	simm.s32 $0xF980;
	s30 =	simm.s32 $0x11980  }
0x3d2: {  	[tilespmem:s30], [sflag:$0x1] =	stream.indirect.gather [hbm4b:s6+s16], $0x1, s26, s16, $0xb8;
	[tilespmem:$0x17800] =	vst v63  }
0x3d3: {  	s13 =	simm.s32 $0xFA00;
	s18 =	simm.s32 $0x11A00  }
0x3d4: {  	[tilespmem:s18], [sflag:$0x1] =	stream.indirect.gather [hbm4b:s6+s16], $0x1, s13, s16, $0xb8;
	[tilespmem:$0x17800] =	vst v63  }
0x3d5: {  	s20 =	simm.s32 $0xFA80;
	s22 =	simm.s32 $0x11A80  }
0x3d6: {  	[tilespmem:s22], [sflag:$0x1] =	stream.indirect.gather [hbm4b:s6+s16], $0x1, s20, s16, $0xb8;
	[tilespmem:$0x17800] =	vst v63  }
0x3d7: {  	s26 =	simm.s32 $0xFB00;
	s30 =	simm.s32 $0x11B00  }
0x3d8: {  	[tilespmem:s30], [sflag:$0x1] =	stream.indirect.gather [hbm4b:s6+s16], $0x1, s26, s16, $0xb8;
	[tilespmem:$0x17800] =	vst v63  }
0x3d9: {  	s13 =	simm.s32 $0xFB80;
	s18 =	simm.s32 $0x11B80  }
0x3da: {  	[tilespmem:s18], [sflag:$0x1] =	stream.indirect.gather [hbm4b:s6+s16], $0x1, s13, s16, $0xb8;
	[tilespmem:$0x17800] =	vst v63  }
0x3db: {  	_ =	swait.ge [sflag:s3], $0x80  }
0x3dc: {  	[sflag:s3] =	ssyncset.done $0x0  }
0x3dd: {  	[sflag:s3] =	ssyncadd.s32 $0xFFFFFF80  }
0x3de: {  	_ =	swait.ge [sflag:s3], $0x80  }
0x3df: {  	[sflag:s3] =	ssyncset.done $0x0  }
0x3e0: {  	[sflag:s3] =	ssyncadd.s32 $0xFFFFFF80  }
0x3e1: {  	_ =	swait.ge [sflag:s3], $0x80  }
0x3e2: {  	[sflag:s3] =	ssyncset.done $0x0  }
0x3e3: {  	[sflag:s3] =	ssyncadd.s32 $0xFFFFFF80  }
0x3e4: {  	_ =	swait.ge [sflag:s3], $0x80  }
0x3e5: {  	[sflag:s3] =	ssyncset.done $0x0  }
0x3e6: {  	[sflag:s3] =	ssyncadd.s32 $0xFFFFFF80  }
0x3e7: {  	_ =	swait.ge [sflag:s3], $0x80  }
0x3e8: {  	[sflag:s3] =	ssyncset.done $0x0  }
0x3e9: {  	[sflag:s3] =	ssyncadd.s32 $0xFFFFFF80  }
0x3ea: {  	_ =	swait.ge [sflag:s3], $0x80  }
0x3eb: {  	[sflag:s3] =	ssyncset.done $0x0  }
0x3ec: {  	[sflag:s3] =	ssyncadd.s32 $0xFFFFFF80  }
0x3ed: {  	_ =	swait.ge [sflag:s3], $0x80  }
0x3ee: {  	[sflag:s3] =	ssyncset.done $0x0  }
0x3ef: {  	[sflag:s3] =	ssyncadd.s32 $0xFFFFFF80  }
0x3f0: {  	_ =	swait.ge [sflag:s3], $0x80  }
0x3f1: {  	[sflag:s3] =	ssyncset.done $0x0  }
0x3f2: {  	s20 =	simm.s32 $0xFC00;
	s22 =	simm.s32 $0x11C00;
	[sflag:s3] =	ssyncadd.s32 $0xFFFFFF80  }
0x3f3: {  	[tilespmem:s22], [sflag:$0x1] =	stream.indirect.gather [hbm4b:s6+s16], $0x1, s20, s16, $0xb8;
	[tilespmem:$0x17800] =	vst v63  }
0x3f4: {  	s26 =	simm.s32 $0xFC80;
	s30 =	simm.s32 $0x11C80  }
0x3f5: {  	[tilespmem:s30], [sflag:$0x1] =	stream.indirect.gather [hbm4b:s6+s16], $0x1, s26, s16, $0xb8;
	[tilespmem:$0x17800] =	vst v63  }
0x3f6: {  	s13 =	simm.s32 $0xFD00;
	s18 =	simm.s32 $0x11D00  }
0x3f7: {  	[tilespmem:s18], [sflag:$0x1] =	stream.indirect.gather [hbm4b:s6+s16], $0x1, s13, s16, $0xb8;
	[tilespmem:$0x17800] =	vst v63  }
0x3f8: {  	s20 =	simm.s32 $0xFD80;
	s22 =	simm.s32 $0x11D80  }
0x3f9: {  	[tilespmem:s22], [sflag:$0x1] =	stream.indirect.gather [hbm4b:s6+s16], $0x1, s20, s16, $0xb8;
	[tilespmem:$0x17800] =	vst v63  }
0x3fa: {  	s26 =	simm.s32 $0xFE00;
	s30 =	simm.s32 $0x11E00  }
0x3fb: {  	[tilespmem:s30], [sflag:$0x1] =	stream.indirect.gather [hbm4b:s6+s16], $0x1, s26, s16, $0xb8;
	[tilespmem:$0x17800] =	vst v63  }
0x3fc: {  	s13 =	simm.s32 $0xFE80;
	s18 =	simm.s32 $0x11E80  }
0x3fd: {  	[tilespmem:s18], [sflag:$0x1] =	stream.indirect.gather [hbm4b:s6+s16], $0x1, s13, s16, $0xb8;
	[tilespmem:$0x17800] =	vst v63  }
0x3fe: {  	s20 =	simm.s32 $0xFF00;
	s22 =	simm.s32 $0x11F00  }
0x3ff: {  	[tilespmem:s22], [sflag:$0x1] =	stream.indirect.gather [hbm4b:s6+s16], $0x1, s20, s16, $0xb8;
	[tilespmem:$0x17800] =	vst v63  }
0x400: {  	s26 =	simm.s32 $0xFF80;
	s30 =	simm.s32 $0x11F80  }
0x401: {  	[tilespmem:s30], [sflag:$0x1] =	stream.indirect.gather [hbm4b:s6+s16], $0x1, s26, s16, $0xb8;
	[tilespmem:$0x17800] =	vst v63  }
0x402: {  	_ =	swait.ge [sflag:s3], $0x80  }
0x403: {  	[sflag:s3] =	ssyncset.done $0x0  }
0x404: {  	[sflag:s3] =	ssyncadd.s32 $0xFFFFFF80  }
0x405: {  	_ =	swait.ge [sflag:s3], $0x80  }
0x406: {  	[sflag:s3] =	ssyncset.done $0x0  }
0x407: {  	[sflag:s3] =	ssyncadd.s32 $0xFFFFFF80  }
0x408: {  	_ =	swait.ge [sflag:s3], $0x80  }
0x409: {  	[sflag:s3] =	ssyncset.done $0x0  }
0x40a: {  	[sflag:s3] =	ssyncadd.s32 $0xFFFFFF80  }
0x40b: {  	_ =	swait.ge [sflag:s3], $0x80  }
0x40c: {  	[sflag:s3] =	ssyncset.done $0x0  }
0x40d: {  	[sflag:s3] =	ssyncadd.s32 $0xFFFFFF80  }
0x40e: {  	_ =	swait.ge [sflag:s3], $0x80  }
0x40f: {  	[sflag:s3] =	ssyncset.done $0x0  }
0x410: {  	[sflag:s3] =	ssyncadd.s32 $0xFFFFFF80  }
0x411: {  	_ =	swait.ge [sflag:s3], $0x80  }
0x412: {  	[sflag:s3] =	ssyncset.done $0x0  }
0x413: {  	[sflag:s3] =	ssyncadd.s32 $0xFFFFFF80  }
0x414: {  	_ =	swait.ge [sflag:s3], $0x80  }
0x415: {  	[sflag:s3] =	ssyncset.done $0x0  }
0x416: {  	[sflag:s3] =	ssyncadd.s32 $0xFFFFFF80  }
0x417: {  	_ =	swait.ge [sflag:s3], $0x80  }
0x418: {  	[sflag:s3] =	ssyncset.done $0x0  }
0x419: {  	s13 =	simm.s32 $0x10000;
	s18 =	simm.s32 $0x12000;
	[sflag:s3] =	ssyncadd.s32 $0xFFFFFF80  }
0x41a: {  	[tilespmem:s18], [sflag:$0x1] =	stream.indirect.gather [hbm4b:s6+s16], $0x1, s13, s16, $0xb8;
	[tilespmem:$0x17800] =	vst v63  }
0x41b: {  	s20 =	simm.s32 $0x10080;
	s22 =	simm.s32 $0x12080  }
0x41c: {  	[tilespmem:s22], [sflag:$0x1] =	stream.indirect.gather [hbm4b:s6+s16], $0x1, s20, s16, $0xb8;
	[tilespmem:$0x17800] =	vst v63  }
0x41d: {  	s26 =	simm.s32 $0x10100;
	s30 =	simm.s32 $0x12100  }
0x41e: {  	[tilespmem:s30], [sflag:$0x1] =	stream.indirect.gather [hbm4b:s6+s16], $0x1, s26, s16, $0xb8;
	[tilespmem:$0x17800] =	vst v63  }
0x41f: {  	s13 =	simm.s32 $0x10180;
	s18 =	simm.s32 $0x12180  }
0x420: {  	[tilespmem:s18], [sflag:$0x1] =	stream.indirect.gather [hbm4b:s6+s16], $0x1, s13, s16, $0xb8;
	[tilespmem:$0x17800] =	vst v63  }
0x421: {  	s20 =	simm.s32 $0x10200;
	s22 =	simm.s32 $0x12200  }
0x422: {  	[tilespmem:s22], [sflag:$0x1] =	stream.indirect.gather [hbm4b:s6+s16], $0x1, s20, s16, $0xb8;
	[tilespmem:$0x17800] =	vst v63  }
0x423: {  	s26 =	simm.s32 $0x10280;
	s30 =	simm.s32 $0x12280  }
0x424: {  	[tilespmem:s30], [sflag:$0x1] =	stream.indirect.gather [hbm4b:s6+s16], $0x1, s26, s16, $0xb8;
	[tilespmem:$0x17800] =	vst v63  }
0x425: {  	s13 =	simm.s32 $0x10300;
	s18 =	simm.s32 $0x12300  }
0x426: {  	[tilespmem:s18], [sflag:$0x1] =	stream.indirect.gather [hbm4b:s6+s16], $0x1, s13, s16, $0xb8;
	[tilespmem:$0x17800] =	vst v63  }
0x427: {  	s20 =	simm.s32 $0x10380;
	s22 =	simm.s32 $0x12380  }
0x428: {  	[tilespmem:s22], [sflag:$0x1] =	stream.indirect.gather [hbm4b:s6+s16], $0x1, s20, s16, $0xb8;
	[tilespmem:$0x17800] =	vst v63  }
0x429: {  	_ =	swait.ge [sflag:s3], $0x80  }
0x42a: {  	[sflag:s3] =	ssyncset.done $0x0  }
0x42b: {  	[sflag:s3] =	ssyncadd.s32 $0xFFFFFF80  }
0x42c: {  	_ =	swait.ge [sflag:s3], $0x80  }
0x42d: {  	[sflag:s3] =	ssyncset.done $0x0  }
0x42e: {  	[sflag:s3] =	ssyncadd.s32 $0xFFFFFF80  }
0x42f: {  	_ =	swait.ge [sflag:s3], $0x80  }
0x430: {  	[sflag:s3] =	ssyncset.done $0x0  }
0x431: {  	[sflag:s3] =	ssyncadd.s32 $0xFFFFFF80  }
0x432: {  	_ =	swait.ge [sflag:s3], $0x80  }
0x433: {  	[sflag:s3] =	ssyncset.done $0x0  }
0x434: {  	[sflag:s3] =	ssyncadd.s32 $0xFFFFFF80  }
0x435: {  	_ =	swait.ge [sflag:s3], $0x80  }
0x436: {  	[sflag:s3] =	ssyncset.done $0x0  }
0x437: {  	[sflag:s3] =	ssyncadd.s32 $0xFFFFFF80  }
0x438: {  	_ =	swait.ge [sflag:s3], $0x80  }
0x439: {  	[sflag:s3] =	ssyncset.done $0x0  }
0x43a: {  	[sflag:s3] =	ssyncadd.s32 $0xFFFFFF80  }
0x43b: {  	_ =	swait.ge [sflag:s3], $0x80  }
0x43c: {  	[sflag:s3] =	ssyncset.done $0x0  }
0x43d: {  	[sflag:s3] =	ssyncadd.s32 $0xFFFFFF80  }
0x43e: {  	_ =	swait.ge [sflag:s3], $0x80  }
0x43f: {  	[sflag:s3] =	ssyncset.done $0x0  }
0x440: {  	s26 =	simm.s32 $0x10400;
	s30 =	simm.s32 $0x12400;
	[sflag:s3] =	ssyncadd.s32 $0xFFFFFF80  }
0x441: {  	[tilespmem:s30], [sflag:$0x1] =	stream.indirect.gather [hbm4b:s6+s16], $0x1, s26, s16, $0xb8;
	[tilespmem:$0x17800] =	vst v63  }
0x442: {  	s13 =	simm.s32 $0x10480;
	s18 =	simm.s32 $0x12480  }
0x443: {  	[tilespmem:s18], [sflag:$0x1] =	stream.indirect.gather [hbm4b:s6+s16], $0x1, s13, s16, $0xb8;
	[tilespmem:$0x17800] =	vst v63  }
0x444: {  	s20 =	simm.s32 $0x10500;
	s22 =	simm.s32 $0x12500  }
0x445: {  	[tilespmem:s22], [sflag:$0x1] =	stream.indirect.gather [hbm4b:s6+s16], $0x1, s20, s16, $0xb8;
	[tilespmem:$0x17800] =	vst v63  }
0x446: {  	s26 =	simm.s32 $0x10580;
	s30 =	simm.s32 $0x12580  }
0x447: {  	[tilespmem:s30], [sflag:$0x1] =	stream.indirect.gather [hbm4b:s6+s16], $0x1, s26, s16, $0xb8;
	[tilespmem:$0x17800] =	vst v63  }
0x448: {  	s13 =	simm.s32 $0x10600;
	s18 =	simm.s32 $0x12600  }
0x449: {  	[tilespmem:s18], [sflag:$0x1] =	stream.indirect.gather [hbm4b:s6+s16], $0x1, s13, s16, $0xb8;
	[tilespmem:$0x17800] =	vst v63  }
0x44a: {  	s20 =	simm.s32 $0x10680;
	s22 =	simm.s32 $0x12680  }
0x44b: {  	[tilespmem:s22], [sflag:$0x1] =	stream.indirect.gather [hbm4b:s6+s16], $0x1, s20, s16, $0xb8;
	[tilespmem:$0x17800] =	vst v63  }
0x44c: {  	s26 =	simm.s32 $0x10700;
	s30 =	simm.s32 $0x12700  }
0x44d: {  	[tilespmem:s30], [sflag:$0x1] =	stream.indirect.gather [hbm4b:s6+s16], $0x1, s26, s16, $0xb8;
	[tilespmem:$0x17800] =	vst v63  }
0x44e: {  	s13 =	simm.s32 $0x10780;
	s18 =	simm.s32 $0x12780  }
0x44f: {  	[tilespmem:s18], [sflag:$0x1] =	stream.indirect.gather [hbm4b:s6+s16], $0x1, s13, s16, $0xb8;
	[tilespmem:$0x17800] =	vst v63  }
0x450: {  	_ =	swait.ge [sflag:s3], $0x80  }
0x451: {  	[sflag:s3] =	ssyncset.done $0x0  }
0x452: {  	[sflag:s3] =	ssyncadd.s32 $0xFFFFFF80  }
0x453: {  	_ =	swait.ge [sflag:s3], $0x80  }
0x454: {  	[sflag:s3] =	ssyncset.done $0x0  }
0x455: {  	[sflag:s3] =	ssyncadd.s32 $0xFFFFFF80  }
0x456: {  	_ =	swait.ge [sflag:s3], $0x80  }
0x457: {  	[sflag:s3] =	ssyncset.done $0x0  }
0x458: {  	[sflag:s3] =	ssyncadd.s32 $0xFFFFFF80  }
0x459: {  	_ =	swait.ge [sflag:s3], $0x80  }
0x45a: {  	[sflag:s3] =	ssyncset.done $0x0  }
0x45b: {  	[sflag:s3] =	ssyncadd.s32 $0xFFFFFF80  }
0x45c: {  	_ =	swait.ge [sflag:s3], $0x80  }
0x45d: {  	[sflag:s3] =	ssyncset.done $0x0  }
0x45e: {  	[sflag:s3] =	ssyncadd.s32 $0xFFFFFF80  }
0x45f: {  	_ =	swait.ge [sflag:s3], $0x80  }
0x460: {  	[sflag:s3] =	ssyncset.done $0x0  }
0x461: {  	[sflag:s3] =	ssyncadd.s32 $0xFFFFFF80  }
0x462: {  	_ =	swait.ge [sflag:s3], $0x80  }
0x463: {  	[sflag:s3] =	ssyncset.done $0x0  }
0x464: {  	[sflag:s3] =	ssyncadd.s32 $0xFFFFFF80  }
0x465: {  	_ =	swait.ge [sflag:s3], $0x80  }
0x466: {  	[sflag:s3] =	ssyncset.done $0x0  }
0x467: {  	s20 =	simm.s32 $0x10800;
	s22 =	simm.s32 $0x12800;
	[sflag:s3] =	ssyncadd.s32 $0xFFFFFF80  }
0x468: {  	[tilespmem:s22], [sflag:$0x1] =	stream.indirect.gather [hbm4b:s6+s16], $0x1, s20, s16, $0xb8;
	[tilespmem:$0x17800] =	vst v63  }
0x469: {  	s26 =	simm.s32 $0x10880;
	s30 =	simm.s32 $0x12880  }
0x46a: {  	[tilespmem:s30], [sflag:$0x1] =	stream.indirect.gather [hbm4b:s6+s16], $0x1, s26, s16, $0xb8;
	[tilespmem:$0x17800] =	vst v63  }
0x46b: {  	s13 =	simm.s32 $0x10900;
	s18 =	simm.s32 $0x12900  }
0x46c: {  	[tilespmem:s18], [sflag:$0x1] =	stream.indirect.gather [hbm4b:s6+s16], $0x1, s13, s16, $0xb8;
	[tilespmem:$0x17800] =	vst v63  }
0x46d: {  	s20 =	simm.s32 $0x10980;
	s22 =	simm.s32 $0x12980  }
0x46e: {  	[tilespmem:s22], [sflag:$0x1] =	stream.indirect.gather [hbm4b:s6+s16], $0x1, s20, s16, $0xb8;
	[tilespmem:$0x17800] =	vst v63  }
0x46f: {  	s26 =	simm.s32 $0x10A00;
	s30 =	simm.s32 $0x12A00  }
0x470: {  	[tilespmem:s30], [sflag:$0x1] =	stream.indirect.gather [hbm4b:s6+s16], $0x1, s26, s16, $0xb8;
	[tilespmem:$0x17800] =	vst v63  }
0x471: {  	s13 =	simm.s32 $0x10A80;
	s18 =	simm.s32 $0x12A80  }
0x472: {  	[tilespmem:s18], [sflag:$0x1] =	stream.indirect.gather [hbm4b:s6+s16], $0x1, s13, s16, $0xb8;
	[tilespmem:$0x17800] =	vst v63  }
0x473: {  	s20 =	simm.s32 $0x10B00;
	s22 =	simm.s32 $0x12B00  }
0x474: {  	[tilespmem:s22], [sflag:$0x1] =	stream.indirect.gather [hbm4b:s6+s16], $0x1, s20, s16, $0xb8;
	[tilespmem:$0x17800] =	vst v63  }
0x475: {  	s26 =	simm.s32 $0x10B80;
	s30 =	simm.s32 $0x12B80  }
0x476: {  	[tilespmem:s30], [sflag:$0x1] =	stream.indirect.gather [hbm4b:s6+s16], $0x1, s26, s16, $0xb8;
	[tilespmem:$0x17800] =	vst v63  }
0x477: {  	_ =	swait.ge [sflag:s3], $0x80  }
0x478: {  	[sflag:s3] =	ssyncset.done $0x0  }
0x479: {  	[sflag:s3] =	ssyncadd.s32 $0xFFFFFF80  }
0x47a: {  	_ =	swait.ge [sflag:s3], $0x80  }
0x47b: {  	[sflag:s3] =	ssyncset.done $0x0  }
0x47c: {  	[sflag:s3] =	ssyncadd.s32 $0xFFFFFF80  }
0x47d: {  	_ =	swait.ge [sflag:s3], $0x80  }
0x47e: {  	[sflag:s3] =	ssyncset.done $0x0  }
0x47f: {  	[sflag:s3] =	ssyncadd.s32 $0xFFFFFF80  }
0x480: {  	_ =	swait.ge [sflag:s3], $0x80  }
0x481: {  	[sflag:s3] =	ssyncset.done $0x0  }
0x482: {  	[sflag:s3] =	ssyncadd.s32 $0xFFFFFF80  }
0x483: {  	_ =	swait.ge [sflag:s3], $0x80  }
0x484: {  	[sflag:s3] =	ssyncset.done $0x0  }
0x485: {  	[sflag:s3] =	ssyncadd.s32 $0xFFFFFF80  }
0x486: {  	_ =	swait.ge [sflag:s3], $0x80  }
0x487: {  	[sflag:s3] =	ssyncset.done $0x0  }
0x488: {  	[sflag:s3] =	ssyncadd.s32 $0xFFFFFF80  }
0x489: {  	_ =	swait.ge [sflag:s3], $0x80  }
0x48a: {  	[sflag:s3] =	ssyncset.done $0x0  }
0x48b: {  	[sflag:s3] =	ssyncadd.s32 $0xFFFFFF80  }
0x48c: {  	_ =	swait.ge [sflag:s3], $0x80  }
0x48d: {  	[sflag:s3] =	ssyncset.done $0x0  }
0x48e: {  	s13 =	simm.s32 $0x10C00;
	s18 =	simm.s32 $0x12C00;
	[sflag:s3] =	ssyncadd.s32 $0xFFFFFF80  }
0x48f: {  	[tilespmem:s18], [sflag:$0x1] =	stream.indirect.gather [hbm4b:s6+s16], $0x1, s13, s16, $0xb8;
	[tilespmem:$0x17800] =	vst v63  }
0x490: {  	s20 =	simm.s32 $0x10C80;
	s22 =	simm.s32 $0x12C80  }
0x491: {  	[tilespmem:s22], [sflag:$0x1] =	stream.indirect.gather [hbm4b:s6+s16], $0x1, s20, s16, $0xb8;
	[tilespmem:$0x17800] =	vst v63  }
0x492: {  	s26 =	simm.s32 $0x10D00;
	s30 =	simm.s32 $0x12D00  }
0x493: {  	[tilespmem:s30], [sflag:$0x1] =	stream.indirect.gather [hbm4b:s6+s16], $0x1, s26, s16, $0xb8;
	[tilespmem:$0x17800] =	vst v63  }
0x494: {  	s13 =	simm.s32 $0x10D80;
	s18 =	simm.s32 $0x12D80  }
0x495: {  	[tilespmem:s18], [sflag:$0x1] =	stream.indirect.gather [hbm4b:s6+s16], $0x1, s13, s16, $0xb8;
	[tilespmem:$0x17800] =	vst v63  }
0x496: {  	s20 =	simm.s32 $0x10E00;
	s22 =	simm.s32 $0x12E00  }
0x497: {  	[tilespmem:s22], [sflag:$0x1] =	stream.indirect.gather [hbm4b:s6+s16], $0x1, s20, s16, $0xb8;
	[tilespmem:$0x17800] =	vst v63  }
0x498: {  	s26 =	simm.s32 $0x10E80;
	s30 =	simm.s32 $0x12E80  }
0x499: {  	[tilespmem:s30], [sflag:$0x1] =	stream.indirect.gather [hbm4b:s6+s16], $0x1, s26, s16, $0xb8;
	[tilespmem:$0x17800] =	vst v63  }
0x49a: {  	s13 =	simm.s32 $0x10F00;
	s18 =	simm.s32 $0x12F00  }
0x49b: {  	[tilespmem:s18], [sflag:$0x1] =	stream.indirect.gather [hbm4b:s6+s16], $0x1, s13, s16, $0xb8;
	[tilespmem:$0x17800] =	vst v63  }
0x49c: {  	s20 =	simm.s32 $0x10F80;
	s22 =	simm.s32 $0x12F80  }
0x49d: {  	[tilespmem:s22], [sflag:$0x1] =	stream.indirect.gather [hbm4b:s6+s16], $0x1, s20, s16, $0xb8;
	[tilespmem:$0x17800] =	vst v63  }
0x49e: {  	_ =	swait.ge [sflag:s3], $0x80  }
0x49f: {  	[sflag:s3] =	ssyncset.done $0x0  }
0x4a0: {  	[sflag:s3] =	ssyncadd.s32 $0xFFFFFF80  }
0x4a1: {  	_ =	swait.ge [sflag:s3], $0x80  }
0x4a2: {  	[sflag:s3] =	ssyncset.done $0x0  }
0x4a3: {  	[sflag:s3] =	ssyncadd.s32 $0xFFFFFF80  }
0x4a4: {  	_ =	swait.ge [sflag:s3], $0x80  }
0x4a5: {  	[sflag:s3] =	ssyncset.done $0x0  }
0x4a6: {  	[sflag:s3] =	ssyncadd.s32 $0xFFFFFF80  }
0x4a7: {  	_ =	swait.ge [sflag:s3], $0x80  }
0x4a8: {  	[sflag:s3] =	ssyncset.done $0x0  }
0x4a9: {  	[sflag:s3] =	ssyncadd.s32 $0xFFFFFF80  }
0x4aa: {  	_ =	swait.ge [sflag:s3], $0x80  }
0x4ab: {  	[sflag:s3] =	ssyncset.done $0x0  }
0x4ac: {  	[sflag:s3] =	ssyncadd.s32 $0xFFFFFF80  }
0x4ad: {  	_ =	swait.ge [sflag:s3], $0x80  }
0x4ae: {  	[sflag:s3] =	ssyncset.done $0x0  }
0x4af: {  	[sflag:s3] =	ssyncadd.s32 $0xFFFFFF80  }
0x4b0: {  	_ =	swait.ge [sflag:s3], $0x80  }
0x4b1: {  	[sflag:s3] =	ssyncset.done $0x0  }
0x4b2: {  	[sflag:s3] =	ssyncadd.s32 $0xFFFFFF80  }
0x4b3: {  	_ =	swait.ge [sflag:s3], $0x80  }
0x4b4: {  	[sflag:s3] =	ssyncset.done $0x0  }
0x4b5: {  	s26 =	simm.s32 $0x11000;
	s30 =	simm.s32 $0x13000;
	[sflag:s3] =	ssyncadd.s32 $0xFFFFFF80  }
0x4b6: {  	[tilespmem:s30], [sflag:$0x1] =	stream.indirect.gather [hbm4b:s6+s16], $0x1, s26, s16, $0xb8;
	[tilespmem:$0x17800] =	vst v63  }
0x4b7: {  	s13 =	simm.s32 $0x11080;
	s18 =	simm.s32 $0x13080  }
0x4b8: {  	[tilespmem:s18], [sflag:$0x1] =	stream.indirect.gather [hbm4b:s6+s16], $0x1, s13, s16, $0xb8;
	[tilespmem:$0x17800] =	vst v63  }
0x4b9: {  	s20 =	simm.s32 $0x11100;
	s22 =	simm.s32 $0x13100  }
0x4ba: {  	[tilespmem:s22], [sflag:$0x1] =	stream.indirect.gather [hbm4b:s6+s16], $0x1, s20, s16, $0xb8;
	[tilespmem:$0x17800] =	vst v63  }
0x4bb: {  	s26 =	simm.s32 $0x11180;
	s30 =	simm.s32 $0x13180  }
0x4bc: {  	[tilespmem:s30], [sflag:$0x1] =	stream.indirect.gather [hbm4b:s6+s16], $0x1, s26, s16, $0xb8;
	[tilespmem:$0x17800] =	vst v63  }
0x4bd: {  	s13 =	simm.s32 $0x11200;
	s18 =	simm.s32 $0x13200  }
0x4be: {  	[tilespmem:s18], [sflag:$0x1] =	stream.indirect.gather [hbm4b:s6+s16], $0x1, s13, s16, $0xb8;
	[tilespmem:$0x17800] =	vst v63  }
0x4bf: {  	s20 =	simm.s32 $0x11280;
	s22 =	simm.s32 $0x13280  }
0x4c0: {  	[tilespmem:s22], [sflag:$0x1] =	stream.indirect.gather [hbm4b:s6+s16], $0x1, s20, s16, $0xb8;
	[tilespmem:$0x17800] =	vst v63  }
0x4c1: {  	s26 =	simm.s32 $0x11300;
	s30 =	simm.s32 $0x13300  }
0x4c2: {  	[tilespmem:s30], [sflag:$0x1] =	stream.indirect.gather [hbm4b:s6+s16], $0x1, s26, s16, $0xb8;
	[tilespmem:$0x17800] =	vst v63  }
0x4c3: {  	s13 =	simm.s32 $0x11380;
	s18 =	simm.s32 $0x13380  }
0x4c4: {  	[tilespmem:s18], [sflag:$0x1] =	stream.indirect.gather [hbm4b:s6+s16], $0x1, s13, s16, $0xb8;
	[tilespmem:$0x17800] =	vst v63  }
0x4c5: {  	_ =	swait.ge [sflag:s3], $0x80  }
0x4c6: {  	[sflag:s3] =	ssyncset.done $0x0  }
0x4c7: {  	[sflag:s3] =	ssyncadd.s32 $0xFFFFFF80  }
0x4c8: {  	_ =	swait.ge [sflag:s3], $0x80  }
0x4c9: {  	[sflag:s3] =	ssyncset.done $0x0  }
0x4ca: {  	[sflag:s3] =	ssyncadd.s32 $0xFFFFFF80  }
0x4cb: {  	_ =	swait.ge [sflag:s3], $0x80  }
0x4cc: {  	[sflag:s3] =	ssyncset.done $0x0  }
0x4cd: {  	[sflag:s3] =	ssyncadd.s32 $0xFFFFFF80  }
0x4ce: {  	_ =	swait.ge [sflag:s3], $0x80  }
0x4cf: {  	[sflag:s3] =	ssyncset.done $0x0  }
0x4d0: {  	[sflag:s3] =	ssyncadd.s32 $0xFFFFFF80  }
0x4d1: {  	_ =	swait.ge [sflag:s3], $0x80  }
0x4d2: {  	[sflag:s3] =	ssyncset.done $0x0  }
0x4d3: {  	[sflag:s3] =	ssyncadd.s32 $0xFFFFFF80  }
0x4d4: {  	_ =	swait.ge [sflag:s3], $0x80  }
0x4d5: {  	[sflag:s3] =	ssyncset.done $0x0  }
0x4d6: {  	[sflag:s3] =	ssyncadd.s32 $0xFFFFFF80  }
0x4d7: {  	_ =	swait.ge [sflag:s3], $0x80  }
0x4d8: {  	[sflag:s3] =	ssyncset.done $0x0  }
0x4d9: {  	[sflag:s3] =	ssyncadd.s32 $0xFFFFFF80  }
0x4da: {  	_ =	swait.ge [sflag:s3], $0x80  }
0x4db: {  	[sflag:s3] =	ssyncset.done $0x0  }
0x4dc: {  	s20 =	simm.s32 $0x11400;
	s22 =	simm.s32 $0x13400;
	[sflag:s3] =	ssyncadd.s32 $0xFFFFFF80  }
0x4dd: {  	[tilespmem:s22], [sflag:$0x1] =	stream.indirect.gather [hbm4b:s6+s16], $0x1, s20, s16, $0xb8;
	[tilespmem:$0x17800] =	vst v63  }
0x4de: {  	s26 =	simm.s32 $0x11480;
	s30 =	simm.s32 $0x13480  }
0x4df: {  	[tilespmem:s30], [sflag:$0x1] =	stream.indirect.gather [hbm4b:s6+s16], $0x1, s26, s16, $0xb8;
	[tilespmem:$0x17800] =	vst v63  }
0x4e0: {  	s13 =	simm.s32 $0x13500  }
0x4e1: {  	[tilespmem:s13], [sflag:$0x1] =	stream.indirect.gather [hbm4b:s6+s16], $0x1, s29, s16, $0xb8;
	[tilespmem:$0x17800] =	vst v63  }
0x4e2: {  	s18 =	simm.s32 $0x13580  }
0x4e3: {  	[tilespmem:s18], [sflag:$0x1] =	stream.indirect.gather [hbm4b:s6+s16], $0x1, s8, s16, $0xb8;
	[tilespmem:$0x17800] =	vst v63  }
0x4e4: {  	s20 =	simm.s32 $0x13600  }
0x4e5: {  	[tilespmem:s20], [sflag:$0x1] =	stream.indirect.gather [hbm4b:s6+s16], $0x1, s11, s16, $0xb8;
	[tilespmem:$0x17800] =	vst v63  }
0x4e6: {  	s22 =	simm.s32 $0x13680  }
0x4e7: {  	[tilespmem:s22], [sflag:$0x1] =	stream.indirect.gather [hbm4b:s6+s16], $0x1, s10, s16, $0xb8;
	[tilespmem:$0x17800] =	vst v63  }
0x4e8: {  	s26 =	simm.s32 $0x13700  }
0x4e9: {  	[tilespmem:s26], [sflag:$0x1] =	stream.indirect.gather [hbm4b:s6+s16], $0x1, s0, s16, $0xb8;
	[tilespmem:$0x17800] =	vst v63  }
0x4ea: {  	s30 =	simm.s32 $0x13780  }
0x4eb: {  	[tilespmem:s30], [sflag:$0x1] =	stream.indirect.gather [hbm4b:s6+s16], $0x1, s17, s16, $0xb8;
	[tilespmem:$0x17800] =	vst v63  }
0x4ec: {  	_ =	swait.ge [sflag:s3], $0x80  }
0x4ed: {  	[sflag:s3] =	ssyncset.done $0x0  }
0x4ee: {  	[sflag:s3] =	ssyncadd.s32 $0xFFFFFF80  }
0x4ef: {  	_ =	swait.ge [sflag:s3], $0x80  }
0x4f0: {  	[sflag:s3] =	ssyncset.done $0x0  }
0x4f1: {  	[sflag:s3] =	ssyncadd.s32 $0xFFFFFF80  }
0x4f2: {  	_ =	swait.ge [sflag:s3], $0x80  }
0x4f3: {  	[sflag:s3] =	ssyncset.done $0x0  }
0x4f4: {  	[sflag:s3] =	ssyncadd.s32 $0xFFFFFF80  }
0x4f5: {  	_ =	swait.ge [sflag:s3], $0x80  }
0x4f6: {  	[sflag:s3] =	ssyncset.done $0x0  }
0x4f7: {  	[sflag:s3] =	ssyncadd.s32 $0xFFFFFF80  }
0x4f8: {  	_ =	swait.ge [sflag:s3], $0x80  }
0x4f9: {  	[sflag:s3] =	ssyncset.done $0x0  }
0x4fa: {  	[sflag:s3] =	ssyncadd.s32 $0xFFFFFF80  }
0x4fb: {  	_ =	swait.ge [sflag:s3], $0x80  }
0x4fc: {  	[sflag:s3] =	ssyncset.done $0x0  }
0x4fd: {  	[sflag:s3] =	ssyncadd.s32 $0xFFFFFF80  }
0x4fe: {  	_ =	swait.ge [sflag:s3], $0x80  }
0x4ff: {  	[sflag:s3] =	ssyncset.done $0x0  }
0x500: {  	[sflag:s3] =	ssyncadd.s32 $0xFFFFFF80  }
0x501: {  	_ =	swait.ge [sflag:s3], $0x80  }
0x502: {  	[sflag:s3] =	ssyncset.done $0x0  }
0x503: {  	s1 =	simm.s32 $0x0;
	s12 =	simm.s32 $0x0;
	[sflag:s3] =	ssyncadd.s32 $0xFFFFFF80  }
.LBB2_20:
0x504: {  	s13 =	sshll.u32 s12, $0x7;
	v3 =	vmov s1  }
0x505: {  	v2 =	vmov s13;
	v3 =	vand.u32 $0x7F, v3  }
0x506: {  	v3 =	vadd.s32 v2, v3  }
0x507: {  	s22 =	sshll.u32 s12, $0x8;
	v3 =	vbroadcast v3, $0x0  }
0x508: {  	s20 =	simm.s32 $0x1;
	s13 =	sand.u32 $0x3FFFFF00, s22  }
0x509: {  	s26 =	sand.u32 $0x80, s1;
	v4 =	vmov s20;
	s18 =	sadd.s32 $0x11800, s13  }
0x50a: {  	s30 =	sand.u32 $0x70, s1;
	v4 =	vand.u32 $0x7F, v4;
	s13 =	sadd.s32 s26, s18  }
0x50b: {  	v5 =	vadd.s32 v2, v4;
	s13 =	sadd.s32 s30, s13  }
0x50c: {  	v5 =	vbroadcast v5, $0x0;
	v6 =	vld [tilespmem:s13+$0x0]  }
0x50d: {  	v4 =	vld.idx.msk [tilespmem:v3+s21+$0x0], $0xffff  }
0x50e: {  	s22 =	simm.s32 $0x2;
	s26 =	simm.s32 $0x0;
	v3 =	vimm.f32 $0.0e+00  }
.LBB2_21:
0x50f: {  	v7 =	vmov s22;
	p0 =	sne.s32 s22, $0xF;
	s22 =	sadd.s32 $0x1, s22;
	s26 =	sadd.s32 $0x10, s26  }
.Ltmp9:
0x510: {  	v7 =	vand.u32 $0x7F, v7;
	s13 =	sand.u32 $0x80, s26;
	(pc) =	sbr.rel @p0 .LBB2_21-.Ltmp9, $4  }
0x511: {  	s20 =	sand.u32 $0x70, s26;
	v7 =	vadd.s32 v2, v7;
	s13 =	sadd.s32 s13, s18  }
0x512: {  	s13 =	sadd.s32 s20, s13;
	v8 =	vmul.f32 v4, v6;
	v4 =	vld.idx.msk [tilespmem:v5+s21+$0x0], $0xffff;
	v5 =	vbroadcast v7, $0x0  }
0x513: {  	v6 =	vld [tilespmem:s13+$0x0]  }
0x514: {  	v3 =	vadd.f32 v8, v3  }
0x515: {  	_ = 	snop  }
0x516: {  	s13 =	sadd.s32 $0x10, s26  }
0x517: {  	s20 =	sand.u32 $0x80, s13  }
0x518: {  	s13 =	sand.u32 $0x70, s13;
	s18 =	sadd.s32 s20, s18  }
0x519: {  	v5 =	vld.idx.msk [tilespmem:v5+s21+$0x0], $0xffff;
	s13 =	sadd.s32 s13, s18  }
0x51a: {  	v7 =	vld [tilespmem:s13+$0x0];
	_ =	sdelay $0x1  }
0x51b: {  	v2 =	vbroadcast v2, $0x0  }
0x51c: {  	s12 =	sadd.s32 $0x1, s12;
	v4 =	vmul.f32 v4, v6  }
0x51d: {  	p0 =	sne.s32 s12, $0x20;
	v2 =	vor.u32 v0, v2  }
.Ltmp10:
0x51e: {  	v3 =	vadd.f32 v4, v3;
	v63 =	vmul.f32 v5, v7;
	(pc) =	sbr.rel @p0 .LBB2_20-.Ltmp10, $3  }
0x51f: {  	_ = 	snop  }
0x520: {  	v3 =	vadd.f32 v63, v3;
	_ =	sdelay $0x1  }
0x521: {  	[tilespmem:v2+s25+$0x0] =	vst.idx.msk $0xffff, v3  }
0x522: {  	s1 =	rddreg [dreg:$0x3]  }
0x523: {  	[hbm4b:s1+s2] =	stream.linear.scatter [tilespmem:s25], [sflag:$0x2], $0x1000, $0x38;
	[tilespmem:$0x17800] =	vst v63  }
0x524: {  	_ =	swait.ge [sflag:s14], $0x1000  }
0x525: {  	s28 =	sadd.s32 $0x1, s28;
	s30 =	rddreg [dreg:$0x4]  }
0x526: {  	p0 =	sne.s32 s28, s30  }
.Ltmp11:
0x527: {  	_ = 	snop;
	(pc) =	sbr.rel @p0 .LBB2_1-.Ltmp11, $3  }
0x528: {  	_ =	sdelay $0x1  }
0x529: {  	[sflag:s14] =	ssyncset.done $0x0  }
0x52a: {  	[sflag:s14] =	ssyncadd.s32 $0xFFFFF000  }
0x52b: {  	_ =	sfence.sel $0x180000  }
0x52c: {  	[bflag:$0x0] =	sbarrier.arrive $0xFFFF  }
0x52d: {  	_ =	strace $0x9000004A  }
0x52e: {  	s0 =	stileid.u32;
	[bflag:$0x2] =	sbarrier.arrive $0xFFFF  }
0x52f: {  	p0 =	sne.s32 s0, $0x0;
	s0 =	rddreg [dreg:$0x1]  }
0x530: {  	s0 =	sadd.s32 @!p0 $0x100000, s0  }
0x531: {  	[sflag:s0] =	ssyncadd.tile.s32 @!p0 $0x1;
	_ =	shalt  }
.Lfunc_end2:
_tile_overlayer_lowered:
.L_overlay_start_2:
0x532: {  	(tag) =	ssettag $0x2  }
0x533: {  	s0 =	rddreg [dreg:$0x0];
	s2 =	stileid.u32  }
0x534: {  	s1 =	rddreg [dreg:$0x1];
	p0 =	sne.s32 s2, $0x0  }
0x535: {  	s3 =	rddreg [dreg:$0x2];
	[bflag:$0x3] =	sbarrier.arrive $0xFFFF;
	s2 =	simm.s32 @!p0 $0x1C02  }
0x536: {  	[timem:s3], [sflag:s2] =	dma.local @!p0 [hbm:s0], s1  }
0x537: {  	s0 =	simm.s32 @!p0 $0x2  }
0x538: {  	_ =	swait.ge @!p0 [sflag:s0], s1  }
0x539: {  	s1 =	ssub.s32 @!p0 $0x0, s1;
	[sflag:s0] =	ssyncset.done @!p0 $0x0  }
0x53a: {  	[sflag:s0] =	ssyncadd.s32 @!p0 s1  }
0x53b: {  	[bflag:$0x3] =	sbarrier.arrive $0xFFFF  }
0x53c: {  	_ =	shalt  }

// kernel: sparse-core-data-format-call.cloned.1.call-start
scs
called_computation_lowered:
.L_overlay_start_0:
0x0: {  	s1 =	sld [smem:$0x3FD9]  }
0x1: {  	s2 =	sld [smem:$0x3FFE];
	_ =	sdelay $0x1  }
0x2: {  	s3 =	srdreg.scid  }
0x3: {  	s0 =	sand.u32 $0x1, s3  }
0x4: {  	s17 =	sshll.u32 s0, $0xA;
	s1 =	sadd.s32 s2, s1  }
0x5: {  	s1 =	sadd.s32 s1, s17  }
0x6: {  	[smem:$0x3FC4] =	sst s1  }
0x7: {  	_ = 	snop  }
0x8: {  	(tm) =	ssettm $0x1  }
0x9: {  	s18 =	sld [smem:$0x3FFB];
	_ =	sdelay $0x3  }
0xa: {  	_ =	strace s18  }
0xb: {  	s1 =	sld [smem:$0x3FFC];
	_ =	sdelay $0x3  }
0xc: {  	_ =	strace s1  }
0xd: {  	s1 =	sld [smem:$0x3FFD];
	_ =	sdelay $0x3  }
0xe: {  	_ =	strace s1  }
0xf: {  	_ =	strace $0x8FFFFFFF  }
0x10: {  	s19 =	sld [smem:$0x3FDB];
	_ =	sdelay $0x1  }
0x11: {  	s20 =	simm.s32 $_scs_section_size  }
0x12: {  	s4 =	simm.s32 $_size__tile_overlayer_lowered;
	s5 =	simm.s32 $_tile_overlayer_lowered  }
0x13: {  	s23 =	simm.s32 $0x1BFF;
	s22 =	sshll.u32 s5, $0x1;
	s1 =	sadd.s32 s20, s19  }
0x14: {  	s6 =	simm.s32 $0x0;
	s21 =	sshll.u32 s4, $0x1;
	s4 =	sadd.s32 s22, s1  }
0x15: {  	[timem:s6], [sflag:s23] =	dma.local [hbm:s4], s21  }
0x16: {  	_ =	swait.ge [sflag:s23], s21  }
0x17: {  	s2 =	ssub.s32 $0x0, s21;
	[sflag:s23] =	ssyncset.done $0x0  }
0x18: {  	[sflag:s23] =	ssyncadd.s32 s2;
	_ =	sdelay $0x1  }
0x19: {  	s24 =	simm.s32 $0x1B8B  }
0x1a: {  	_ =	swait.ge [sflag:s24], $0x1  }
0x1b: {  	[sflag:s24] =	ssyncset.done $0x0  }
0x1c: {  	s26 =	simm.s32 $0x1B8E;
	s25 =	sld [smem:$0x3FFE];
	[sflag:s24] =	ssyncadd.s32 $0xFFFFFFFF  }
0x1d: {  	s27 =	simm.s32 $execute0_lowered;
	[smem:$0x3FD2] =	sst s26  }
0x1e: {  	s4 =	sshll.u32 s27, $0x1;
	_ =	strace $0x80000046;
	[dreg:$0x1] =	wrdreg $0xFFFFFFFF  }
0x1f: {  	s28 =	simm.s32 $_size_execute0_lowered;
	s1 =	sadd.s32 s1, s4;
	[dreg:$0x0] =	wrdreg $0x0  }
0x20: {  	s4 =	sshll.u32 s28, $0x1;
	[dreg:$0x2] =	wrdreg s1  }
0x21: {  	[dreg:$0x3] =	wrdreg s4  }
0x22: {  	[dreg:$0x4] =	wrdreg $0xC0  }
0x23: {  	_ =	task [dreg:s6], $0x5FFFF  }
0x24: {  	[dreg:$0x1] =	wrdreg $0xFFFFFFFF  }
0x25: {  	[dreg:$0x0] =	wrdreg $0x60  }
0x26: {  	[dreg:$0x2] =	wrdreg s25  }
0x27: {  	[dreg:$0x3] =	wrdreg $0x9  }
0x28: {  	_ =	task.clear_ibuf [dreg:s6], $0x4FFFF;
	_ =	strace $0x90000046  }
0x29: {  	s29 =	simm.s32 $0x9;
	_ =	strace $0x80000048  }
0x2a: {  	_ =	swait.ge [sflag:s29], $0x1  }
0x2b: {  	[sflag:s29] =	ssyncadd.s32 $0xFFFFFFFF  }
0x2c: {  	_ =	strace $0x90000048  }
0x2d: {  	_ =	sfence  }
0x2e: {  	s30 =	sld [smem:$0x0];
	_ =	sdelay $0x2  }
0x2f: {  	s31 =	sshll.u32 s3, $0xD;
	s3 =	sshrl.u32 s3, $0x2  }
0x30: {  	s2 =	sand.u32 $0x4000, s31;
	s1 =	sadd.s32 s3, s30  }
0x31: {  	s0 =	sor.u32 s2, s0;
	s1 =	sshll.u32 s1, $0x11  }
0x32: {  	s0 =	sor.u32 s1, s0  }
0x33: {  	s0 =	sadd.s32 $0x8F2B, s0  }
0x34: {  	[sflag:s0] =	ssyncadd.remote.s32 $0x1  }
0x35: {  	_ =	sfence.sel $0xFFFF  }
0x36: {  	[dreg:$0x0] =	wrdreg $0xFFFFFFFF;
	(pc) =	sbr.abs _section_cstart, $3  }
0x37: {  	[dreg:$0x1] =	wrdreg $0xFFFFFFFF  }
0x38: {  	_ =	task.clear_ibuf [dreg:s6], $0x2FFFF;
	_ =	strace $0x9FFFFFFF  }
0x39: {  	(tm) =	ssettm $0x7FFFFFFF  }
tec
execute0_lowered:
.L_overlay_start_1:
0x0: {  	(tag) =	ssettag $0x1  }
0x1: {  	s0 =	srdreg.scid  }
0x2: {  	s1 =	sshll.u32 s0, $0x4  }
0x3: {  	s4 =	rddreg [dreg:$0x0];
	s0 =	stileid.u32;
	s1 =	sand.u32 $0x10, s1  }
0x4: {  	s7 =	simm.s32 $0x1;
	s8 =	simm.s32 $0x2;
	s2 =	sor.u32 s0, s1  }
0x5: {  	s9 =	simm.s32 $0x0;
	s12 =	simm.s32 $0x0;
	s2 =	sshll.u32 s2, $0x1  }
0x6: {  	s11 =	simm.s32 $0x0;
	s3 =	sadd.s32 $0x259400, s4;
	s6 =	ssub.s32 $0x3200, s2  }
.Ltmp0:
0x7: {  	s4 =	sadd.s32 $0xED9400, s4;
	s5 =	sand.u32 $0x3E, s6;
	(pc) =	sbr.rel .LBB1_1-.Ltmp0, $4  }
0x8: {  	s1 =	rddreg [dreg:$0x1];
	_ =	strace $0x80000047;
	p0 =	sne.s32 s5, $0x0  }
0x9: {  	s6 =	sshrl.u32 s6, $0x6;
	s5 =	simm.s32 $0x1;
	s7 =	simm.s32 @!p0 $0x0  }
0xa: {  	s10 =	smov.u32 s2;
	[sflag:s5] =	ssyncpa.u1 $0x0;
	s6 =	sadd.s32 s7, s6  }
0xb: {  	[sflag:s8] =	ssyncpa.u1 $0x0;
	s8 =	simm.s32 $0x0;
	s7 =	sadd.s32 $0x1, s6  }
.LBB1_9:
0xc: {  	s14 =	sadd.s32 $0x40, s10  }
0xd: {  	p1 =	sgt.s32 s14, $0x31FF  }
0xe: {  	s14 =	smov.u32 @p1 s2;
	p1 =	sne.s32 s11, s7  }
.Ltmp1:
0xf: {  	p0 =	slt.u32 s11, $0x2;
	(pc) =	sbr.rel @!p1 .LBB1_10-.Ltmp1, $4  }
0x10: {  	s13 =	simm.s32 @!p0 $0x2  }
0x11: {  	s15 =	sadd.s32 $0x1, s11;
	_ =	swait.ge @!p0 [sflag:s13], $0x4000  }
0x12: {  	s12 =	smov.u32 s10;
	s9 =	sadd.s32 $0x4000, s9;
	[sflag:s13] =	ssyncset.done @!p0 $0x0  }
0x13: {  	s11 =	smov.u32 s15;
	s10 =	smov.u32 s14;
	[sflag:s13] =	ssyncadd.s32 @!p0 $0xFFFFC000  }
.LBB1_1:
0x14: {  	p0 =	sge.u32 s11, s6  }
0x15: {  	s13 =	sxor.u32 @!p0 $0xFFFFFFFF, s11  }
0x16: {  	s31 =	sadd.s32 $0xFFFFFFFF, s11;
	s14 =	sshll.u32 @!p0 s10, $0xA;
	s13 =	sshll.u32 @!p0 s13, $0xE  }
0x17: {  	s15 =	simm.s32 @!p0 $0x0;
	s14 =	sadd.s32 @!p0 s3, s14;
	s13 =	sand.u32 @!p0 $0x4000, s13  }
0x18: {  	[tilespmem:s13], [sflag:$0x1] =	stream.linear.gather @!p0 [hbm4b:s14+s15], $0x4000, $0x38;
	[tilespmem:$0x10000] =	vst v63  }
0x19: {  	p0 =	sge.u32 s31, s6  }
.Ltmp2:
0x1a: {  	_ = 	snop;
	(pc) =	sbr.rel @p0 .LBB1_9-.Ltmp2, $1  }
0x1b: {  	_ =	sdelay $0x3  }
0x1c: {  	s13 =	sshll.u32 s9, $0x2  }
0x1d: {  	_ =	swait.ge [sflag:s5], $0x4000;
	s14 =	sshll.u32 s11, $0xE;
	s16 =	simm.s32 $0x0  }
0x1e: {  	p1 =	por $0x1, $0x1;
	s13 =	sand.u32 $0x10000, s13;
	[sflag:s5] =	ssyncset.done $0x0  }
0x1f: {  	s14 =	sand.u32 $0x4000, s14;
	s15 =	sshrl.u32 s13, $0x2;
	[sflag:s5] =	ssyncadd.s32 $0xFFFFC000  }
0x20: {  	s13 =	sor.u32 $0x8000, s14;
	s14 =	sadd.s32 $0x8040, s15;
	s15 =	sadd.s32 $0x40, s15  }
.LBB1_3:
0x21: {  	s16 =	sshll.u32 s16, $0x2  }
0x22: {  	p0 =	por p1, p1;
	s17 =	sshra.s32 s16, $0x2  }
0x23: {  	s18 =	simm.s32 $0x0;
	s16 =	sadd.s32 s17, s14;
	s17 =	sadd.s32 s17, s15  }
.LBB1_4:
0x24: {  	v0 =	vmov s17;
	_ =	sdelay $0x3  }
0x25: {  	s20 =	simm.s32 $0x0  }
0x26: {  	v6 =	vld.idx.msk [tilespmem:v0+s20+$0x30 ss:$0x1], $0xffff  }
0x27: {  	v7 =	vld.idx.msk [tilespmem:v0+s20+$0xFFFFFFC0 ss:$0x1], $0xffff  }
0x28: {  	v5 =	vld.idx.msk [tilespmem:v0+s20+$0xFFFFFFD0 ss:$0x1], $0xffff  }
0x29: {  	v4 =	vld.idx.msk [tilespmem:v0+s20+$0xFFFFFFE0 ss:$0x1], $0xffff  }
0x2a: {  	v3 =	vld.idx.msk [tilespmem:v0+s20+$0xFFFFFFF0 ss:$0x1], $0xffff  }
0x2b: {  	v1 =	vld.idx.msk [tilespmem:v0+s20+$0x0 ss:$0x1], $0xffff  }
0x2c: {  	v2 =	vld.idx.msk [tilespmem:v0+s20+$0x10 ss:$0x1], $0xffff;
	[tilespmem:s16+$0x30] =	vst v6  }
0x2d: {  	s19 =	simm.s32 $0x80;
	s21 =	simm.s32 $0x400;
	[tilespmem:s16+$0xFFFFFFC0] =	vst v7;
	v6 =	vld.idx.msk [tilespmem:v0+s20+$0x20 ss:$0x1], $0xffff;
	s20 =	smov.u32 s16  }
.LBB1_5:
0x2e: {  	p1 =	sne.s32 s21, $0xE00;
	v7 =	vld.idx.msk [tilespmem:v0+s19+$0x30 ss:$0x1], $0xffff;
	[tilespmem:s20+$0xFFFFFFD0] =	vst v5  }
0x2f: {  	v8 =	vld.idx.msk [tilespmem:v0+s19+$0xFFFFFFC0 ss:$0x1], $0xffff;
	[tilespmem:s20+$0xFFFFFFE0] =	vst v4  }
0x30: {  	v5 =	vld.idx.msk [tilespmem:v0+s19+$0xFFFFFFD0 ss:$0x1], $0xffff;
	[tilespmem:s20+$0xFFFFFFF0] =	vst v3  }
.Ltmp3:
0x31: {  	v4 =	vld.idx.msk [tilespmem:v0+s19+$0xFFFFFFE0 ss:$0x1], $0xffff;
	[tilespmem:s20+$0x0] =	vst v1;
	(pc) =	sbr.rel @p1 .LBB1_5-.Ltmp3, $4  }
0x32: {  	v3 =	vld.idx.msk [tilespmem:v0+s19+$0xFFFFFFF0 ss:$0x1], $0xffff;
	[tilespmem:s20+$0x10] =	vst v2  }
0x33: {  	v1 =	vld.idx.msk [tilespmem:v0+s19+$0x0 ss:$0x1], $0xffff;
	[tilespmem:s20+$0x20] =	vst v6;
	s20 =	sadd.s32 $0x400, s20  }
0x34: {  	v2 =	vld.idx.msk [tilespmem:v0+s19+$0x10 ss:$0x1], $0xffff;
	[tilespmem:s20+$0x30] =	vst v7  }
0x35: {  	[tilespmem:s20+$0xFFFFFFC0] =	vst v8;
	v6 =	vld.idx.msk [tilespmem:v0+s19+$0x20 ss:$0x1], $0xffff;
	s19 =	sshra.s32 s21, $0x2;
	s21 =	sadd.s32 $0x200, s21  }
0x36: {  	_ =	sdelay $0x2  }
0x37: {  	[tilespmem:s20+$0xFFFFFFD0] =	vst v5  }
0x38: {  	v56 =	vld.idx.msk [tilespmem:v0+s19+$0x30 ss:$0x1], $0xffff;
	[tilespmem:s20+$0xFFFFFFE0] =	vst v4  }
0x39: {  	v57 =	vld.idx.msk [tilespmem:v0+s19+$0xFFFFFFC0 ss:$0x1], $0xffff;
	[tilespmem:s20+$0xFFFFFFF0] =	vst v3  }
0x3a: {  	v58 =	vld.idx.msk [tilespmem:v0+s19+$0xFFFFFFD0 ss:$0x1], $0xffff;
	[tilespmem:s20+$0x0] =	vst v1  }
0x3b: {  	v59 =	vld.idx.msk [tilespmem:v0+s19+$0xFFFFFFE0 ss:$0x1], $0xffff;
	[tilespmem:s20+$0x10] =	vst v2  }
0x3c: {  	v60 =	vld.idx.msk [tilespmem:v0+s19+$0xFFFFFFF0 ss:$0x1], $0xffff;
	s31 =	sadd.s32 $0x400, s20;
	[tilespmem:s20+$0x20] =	vst v6  }
0x3d: {  	v61 =	vld.idx.msk [tilespmem:v0+s19+$0x0 ss:$0x1], $0xffff;
	[tilespmem:s31+$0x30] =	vst v56  }
0x3e: {  	v62 =	vld.idx.msk [tilespmem:v0+s19+$0x10 ss:$0x1], $0xffff;
	s18 =	sadd.s32 $0x1, s18;
	[tilespmem:s31+$0xFFFFFFC0] =	vst v57  }
0x3f: {  	v63 =	vld.idx.msk [tilespmem:v0+s19+$0x20 ss:$0x1], $0xffff;
	p1 =	sne.s32 s18, $0x8;
	[tilespmem:s31+$0xFFFFFFD0] =	vst v58  }
.Ltmp4:
0x40: {  	[tilespmem:s31+$0xFFFFFFE0] =	vst v59;
	(pc) =	sbr.rel @p1 .LBB1_4-.Ltmp4, $4  }
0x41: {  	[tilespmem:s31+$0xFFFFFFF0] =	vst v60  }
0x42: {  	[tilespmem:s31+$0x0] =	vst v61  }
0x43: {  	[tilespmem:s31+$0x10] =	vst v62  }
0x44: {  	s16 =	sadd.s32 $0x80, s16;
	s17 =	sadd.s32 $0x400, s17;
	[tilespmem:s31+$0x20] =	vst v63  }
.Ltmp5:
0x45: {  	(pc) =	sbr.rel @p0 .LBB1_3-.Ltmp5, $2  }
0x46: {  	_ =	sdelay $0x2  }
0x47: {  	s16 =	simm.s32 $0x2000;
	p1 =	por $0x0, $0x0  }
.Ltmp6:
0x48: {  	(pc) =	sbr.rel .LBB1_9-.Ltmp6, $4  }
0x49: {  	_ = 	snop  }
0x4a: {  	s12 =	sshll.u32 s12, $0xA  }
0x4b: {  	s12 =	sadd.s32 s4, s12  }
0x4c: {  	[hbm4b:s12+s8] =	stream.linear.scatter [tilespmem:s13], [sflag:$0x2], $0x4000, $0x38;
	[tilespmem:$0x10000] =	vst v63  }
.LBB1_10:
0x4d: {  	_ =	sfence.sel $0x180000  }
0x4e: {  	s2 =	simm.s32 $0x1;
	[bflag:$0x0] =	sbarrier.arrive $0xFFFF  }
0x4f: {  	s31 =	simm.s32 $0x2;
	[sflag:s2] =	ssyncpa.u1 $0x1  }
0x50: {  	[sflag:s31] =	ssyncpa.u1 $0x1  }
0x51: {  	p0 =	sne.s32 s0, $0x0;
	_ =	strace $0x90000047  }
0x52: {  	s0 =	sadd.s32 @!p0 $0x100000, s1;
	[bflag:$0x2] =	sbarrier.arrive $0xFFFF  }
0x53: {  	[sflag:s0] =	ssyncadd.tile.s32 @!p0 $0x1;
	_ =	shalt  }
.Lfunc_end1:
_tile_overlayer_lowered:
.L_overlay_start_2:
0x54: {  	(tag) =	ssettag $0x2  }
0x55: {  	s0 =	rddreg [dreg:$0x0];
	s2 =	stileid.u32  }
0x56: {  	s1 =	rddreg [dreg:$0x1];
	p0 =	sne.s32 s2, $0x0  }
0x57: {  	s3 =	rddreg [dreg:$0x2];
	[bflag:$0x3] =	sbarrier.arrive $0xFFFF;
	s2 =	simm.s32 @!p0 $0x1C01  }
0x58: {  	[timem:s3], [sflag:s2] =	dma.local @!p0 [hbm:s0], s1  }
0x59: {  	s0 =	simm.s32 @!p0 $0x1  }
0x5a: {  	_ =	swait.ge @!p0 [sflag:s0], s1  }
0x5b: {  	s1 =	ssub.s32 @!p0 $0x0, s1;
	[sflag:s0] =	ssyncset.done @!p0 $0x0  }
0x5c: {  	[sflag:s0] =	ssyncadd.s32 @!p0 s1  }
0x5d: {  	[bflag:$0x3] =	sbarrier.arrive $0xFFFF  }
0x5e: {  	_ =	shalt  }

</sc_bundles>
